<compile_context>
chip_gen: v7x
topology: tpu7x:2x2x1
jax: 0.10.2.dev20260603
libtpu: 0.0.44.dev20260713+nightly
codegen_flags: <defaults>
</compile_context>

<pallas_src>
import functools
import jax
import jax.numpy as jnp
from jax import lax
from jax.experimental import pallas as pl
from jax.experimental.pallas import tpu as pltpu, tpu_sc as plsc

_B, _N, _K, _D, _C1, _C2, _NC = 32, 512, 20, 5, 30, 40, 40
_CB = 8
_F32 = jnp.float32
_RP = 256
_NW = 32
_CH = 128


def _mm(a, b):
    return jax.lax.dot_general(a, b, (((1,), (0,)), ((), ())),
                               preferred_element_type=_F32)


def _adj_of(F):
    sq = jnp.sum(F * F, axis=1, keepdims=True)
    G = jax.lax.dot_general(F, F, (((1,), (1,)), ((), ())),
                            preferred_element_type=_F32)
    return sq + sq.reshape(1, F.shape[0]) - 2.0 * G


def _pick_min(adj, col):
    n = adj.shape[0]
    m = jnp.min(adj, axis=1, keepdims=True)
    idx = jnp.min(jnp.where(adj == m, col, n), axis=1)
    onehot = (col == idx[:, None]).astype(_F32)
    return onehot, idx


def _net_a_body(x_ref, sig_ref, w1_ref, ms1_ref, md1_ref, fm1_ref, idx_ref):
    n = _N
    x3 = x_ref[0]
    sigc = sig_ref[...]
    norms = jnp.sqrt(jnp.sum(x3 * x3, axis=1, keepdims=True) + 1e-8)
    feat = jnp.concatenate([x3, norms * sigc, jnp.ones_like(norms)], axis=1)
    feat = feat / (jnp.sqrt(jnp.sum(feat * feat, axis=1, keepdims=True)) + 1e-8)

    col = jax.lax.broadcasted_iota(jnp.int32, (n, n), 1)

    adj = _adj_of(feat)
    acc = jnp.zeros((n, _D * _C1), _F32)
    for k in range(_K):
        onehot, _ = _pick_min(adj, col)
        acc = acc + _mm(_mm(onehot, feat), w1_ref[k])
        adj = adj + onehot * 1e30
    s = _mm(acc * acc, ms1_ref[...])
    fm1 = acc / _mm(jnp.sqrt(s) + 1e-8, md1_ref[...])

    fm1_ref[0] = jnp.concatenate([fm1, jnp.zeros((n, _RP - _D * _C1), _F32)], axis=1)

    adj = _adj_of(fm1)
    idxs = []
    for k in range(_K):
        onehot, idxv = _pick_min(adj, col)
        idxs.append(idxv[:, None])
        adj = adj + onehot * 1e30
    b = pl.program_id(0)
    idx_ref[0] = jnp.concatenate(idxs, axis=1) + _N * b


def _gather_rows(table, idx):
    tot = idx.shape[0]
    per_w = tot // _NW
    mesh = plsc.VectorSubcoreMesh(core_axis_name="c", subcore_axis_name="s")

    @functools.partial(
        pl.kernel, mesh=mesh,
        out_type=jax.ShapeDtypeStruct((tot, _RP), _F32),
        scratch_types=[
            pltpu.VMEM((per_w,), jnp.int32),
            pltpu.VMEM((_CH, _RP), _F32),
            pltpu.SemaphoreType.DMA,
        ],
    )
    def k(table_hbm, idx_hbm, out_hbm, idx_v, rows_v, sem):
        wid = lax.axis_index("s") * 2 + lax.axis_index("c")
        base = wid * per_w
        pltpu.sync_copy(idx_hbm.at[pl.ds(base, per_w)], idx_v)

        def body(i, carry):
            off = i * _CH
            pltpu.async_copy(table_hbm.at[idx_v.at[pl.ds(off, _CH)]],
                             rows_v, sem).wait()
            pltpu.sync_copy(rows_v, out_hbm.at[pl.ds(base + off, _CH)])
            return carry

        lax.fori_loop(0, per_w // _CH, body, 0)

    return k(table, idx)


def _net_c_body(nb_ref, wcat_ref, ms2_ref, md2_ref, dist_ref):
    acc = _mm(nb_ref[0], wcat_ref[...])
    s = _mm(acc * acc, ms2_ref[...])
    fm2 = acc / _mm(jnp.sqrt(s) + 1e-8, md2_ref[...])
    m = _mm(jnp.full((1, _N), 1.0 / _N, _F32), fm2)
    diff = fm2 - m
    dist_ref[0] = jnp.sqrt(_mm(diff * diff, ms2_ref[...]) + 1e-8)


def _fc_body(a_ref, w_ref, b_ref, o_ref):
    o_ref[...] = _mm(a_ref[...], w_ref[...]) + b_ref[...]


def kernel(inputs, sig, W1, W2, Wfc, bfc):
    w1s = jax.nn.softmax(W1, axis=0)
    w2s = jax.nn.softmax(W2, axis=0).reshape(_K, _C1, _C2)
    eye = jnp.eye(_D, dtype=_F32)
    w1blk = jnp.einsum('kc,de->kdec', w1s, eye).reshape(_K, _D, _D * _C1)
    w2blk = jnp.einsum('kco,de->kdceo', w2s, eye).reshape(_K, _D * _C1, _D * _C2)
    wcat = jnp.concatenate(
        [w2blk, jnp.zeros((_K, _RP - _D * _C1, _D * _C2), _F32)], axis=1
    ).reshape(_K * _RP, _D * _C2)
    ms1 = jnp.tile(jnp.eye(_C1, dtype=_F32), (_D, 1))
    ms2 = jnp.tile(jnp.eye(_C2, dtype=_F32), (_D, 1))

    cspec = lambda shape: pl.BlockSpec(shape, lambda b: tuple(0 for _ in shape))
    stage_a = pl.pallas_call(
        _net_a_body,
        grid=(_CB,),
        in_specs=[
            pl.BlockSpec((1, _N, 3), lambda b: (b, 0, 0)),
            cspec((_N, 1)),
            cspec((_K, _D, _D * _C1)),
            cspec((_D * _C1, _C1)),
            cspec((_C1, _D * _C1)),
        ],
        out_specs=[
            pl.BlockSpec((1, _N, _RP), lambda b: (b, 0, 0)),
            pl.BlockSpec((1, _N, _K), lambda b: (b, 0, 0)),
        ],
        out_shape=[
            jax.ShapeDtypeStruct((_CB, _N, _RP), _F32),
            jax.ShapeDtypeStruct((_CB, _N, _K), jnp.int32),
        ],
    )
    stage_c = pl.pallas_call(
        _net_c_body,
        grid=(_CB,),
        in_specs=[
            pl.BlockSpec((1, _N, _K * _RP), lambda b: (b, 0, 0)),
            cspec((_K * _RP, _D * _C2)),
            cspec((_D * _C2, _C2)),
            cspec((_C2, _D * _C2)),
        ],
        out_specs=pl.BlockSpec((1, _N, _C2), lambda b: (b, 0, 0)),
        out_shape=jax.ShapeDtypeStruct((_CB, _N, _C2), _F32),
    )

    sigc = sig.reshape(_N, 1)
    dists, nb_prev = [], None
    for ci in range(_B // _CB):
        xin = jax.lax.slice_in_dim(inputs, ci * _CB, (ci + 1) * _CB, axis=0)
        fm1, idx2 = stage_a(xin, sigc, w1blk, ms1, ms1.T)
        if nb_prev is not None:
            dists.append(stage_c(nb_prev, wcat, ms2, ms2.T))
        nb = _gather_rows(fm1.reshape(_CB * _N, _RP), idx2.reshape(_CB * _N * _K))
        nb_prev = nb.reshape(_CB, _N, _K * _RP)
    dists.append(stage_c(nb_prev, wcat, ms2, ms2.T))
    dist = jnp.concatenate(dists, axis=0)

    flat = dist.reshape(_B, _N * _C2)
    out = pl.pallas_call(
        _fc_body,
        in_specs=[
            pl.BlockSpec((_B, _N * _C2), lambda: (0, 0)),
            pl.BlockSpec((_N * _C2, _NC), lambda: (0, 0)),
            pl.BlockSpec((1, _NC), lambda: (0, 0)),
        ],
        out_specs=pl.BlockSpec((_B, _NC), lambda: (0, 0)),
        out_shape=jax.ShapeDtypeStruct((_B, _NC), _F32),
    )(flat, Wfc, bfc.reshape(1, _NC))
    return out

# --- scband reference (transcript-rebuilt; emitter-appended) ---
"""Pipeline reference for scband-manifold-net-23098334118323 (READ-ONLY COPY).

The authoritative reference and input builder live on the scoring server;
editing this copy changes nothing except your own understanding.
"""

import jax, jax.numpy as jnp
import numpy as np

B, N, K, M, C1, C2, NC = 32, 512, 20, 5, 30, 40, 40


def sdt(x, sig):
    # spherical distance transform: lift [B,N,3] points to unit vectors in R^5, channel dim 1
    norms = jnp.sqrt(jnp.sum(x * x, axis=-1, keepdims=True) + 1e-8)  # [B,N,1]
    feat = jnp.concatenate([x, norms * sig[None, :, None], jnp.ones_like(norms)], axis=-1)  # [B,N,5]
    feat = feat / (jnp.sqrt(jnp.sum(feat * feat, axis=-1, keepdims=True)) + 1e-8)
    return feat[..., None]  # [B,N,5,1]


def pairwise_distance(x):
    f = x.reshape(x.shape[0], x.shape[1], -1)  # [B,N,D]
    sq = jnp.sum(f * f, axis=-1)  # [B,N]
    inner = jnp.einsum('bnd,bmd->bnm', f, f)
    return sq[:, :, None] + sq[:, None, :] - 2.0 * inner  # [B,N,N]


def knn(adj, k):
    _, idx = jax.lax.top_k(-adj, k)  # include_myself: self-dist 0 is smallest
    return idx  # [B,N,k]


def wfm(x, knn_idx, W, cin, cout):
    # weighted Frechet mean layer: gather k neighbors, convex-combine over (k, cin)
    b, n, d, _ = x.shape
    k = knn_idx.shape[-1]
    nb = jnp.take_along_axis(x, knn_idx.reshape(b, n * k)[:, :, None, None], axis=1)
    nb = nb.reshape(b, n, k, d, cin)
    w = jax.nn.softmax(W, axis=0).reshape(k, cin, cout)
    out = jnp.einsum('bnkdc,kco->bndo', nb, w)
    out = out / (jnp.sqrt(jnp.sum(out * out, axis=2, keepdims=True)) + 1e-8)  # back to sphere
    return out  # [B,N,d,cout]


def last(x, Wfc, bfc):
    m = jnp.mean(x, axis=1, keepdims=True)  # unweighted FM approx [B,1,d,c]
    dist = jnp.sqrt(jnp.sum((x - m) ** 2, axis=2) + 1e-8)  # [B,N,c]
    flat = dist.reshape(dist.shape[0], -1)  # [B,N*c]
    return flat @ Wfc + bfc


def setup_inputs(seed: int = 0) -> dict:
    key = jax.random.key(seed)
    ks = jax.random.split(key, 6)
    inputs = jax.random.normal(ks[0], (B, N, 3), dtype=jnp.float32)
    sig = jnp.ones((N,), dtype=jnp.float32) * 0.01
    W1 = jax.random.normal(ks[1], (K * 1, C1), dtype=jnp.float32) * 0.1
    W2 = jax.random.normal(ks[2], (K * C1, C2), dtype=jnp.float32) * 0.1
    Wfc = jax.random.normal(ks[3], (N * C2, NC), dtype=jnp.float32) * 0.01
    bfc = jnp.zeros((NC,), dtype=jnp.float32)
    return {"inputs": inputs, "sig": sig, "W1": W1, "W2": W2, "Wfc": Wfc, "bfc": bfc}


def reference(inputs, sig, W1, W2, Wfc, bfc):
    x = sdt(inputs, sig)                      # [B,N,5,1]
    adj = pairwise_distance(x)
    idx1 = knn(adj, K)
    fm1 = wfm(x, idx1, W1, 1, C1)             # [B,N,5,30]
    adj2 = pairwise_distance(fm1)
    idx2 = knn(adj2, K)
    fm2 = wfm(fm1, idx2, W2, C1, C2)          # [B,N,5,40]
    out = last(fm2, Wfc, bfc)                 # [B,40]
    return out

if __name__ == "__main__":
    import jax
    _d = setup_inputs()
    print(jax.jit(kernel)(*tuple(_d.values())))

</pallas_src>

<mosaic_0001>
#map = affine_map<(d0, d1) -> (0, 0)>
#map1 = affine_map<(d0, d1) -> (0)>
module attributes {stable_mosaic.version = 14 : i64} {
  func.func @k(%arg0: i32, %arg1: i32, %arg2: memref<4096x256xf32, #tpu.memory_space<hbm>>, %arg3: memref<81920xi32, #tpu.memory_space<hbm>>, %arg4: memref<81920x256xf32, #tpu.memory_space<hbm>>, %arg5: memref<2560xi32, #tpu.memory_space<vmem>>, %arg6: memref<128x256xf32, #tpu.memory_space<vmem>>, %arg7: memref<!tpu.dma_semaphore, #tpu.memory_space<semaphore_mem>>) attributes {dimension_semantics = [#tpu.dimension_semantics<core_parallel>, #tpu.dimension_semantics<subcore_parallel>], iteration_bounds = array<i64: 2, 16>, scalar_prefetch = 0 : i64, scratch_operands = 3 : i64, tpu.core_type = #tpu.core_type<sc_vector_subcore>, window_params = [{transform_indices = #map}, {transform_indices = #map1}, {transform_indices = #map}]} {
    %mul3A = arith.constant 2 : i32
    %mul3A_0 = arith.muli %arg1, %mul3A : i32
    %add3A = arith.addi %mul3A_0, %arg0 : i32
    %mul3A_1 = arith.constant 2560 : i32
    %mul3A_2 = arith.muli %add3A, %mul3A_1 : i32
    "tpu.region"() ({
      %run_scoped3A = tpu.sem_alloc : memref<!tpu.dma_semaphore, #tpu.memory_space<semaphore_mem>>
      %dma_start3A = tpu.memref_slice %arg3[%mul3A_2] : memref<81920xi32, #tpu.memory_space<hbm>> -> memref<2560xi32, #tpu.memory_space<hbm>>
      %dma_start3A_8 = tpu.memref_slice %arg3[%mul3A_2] : memref<81920xi32, #tpu.memory_space<hbm>> -> memref<2560xi32, #tpu.memory_space<hbm>>
      tpu.enqueue_dma source(%dma_start3A_8 : memref<2560xi32, #tpu.memory_space<hbm>>) target(%arg5 : memref<2560xi32, #tpu.memory_space<vmem>>) target_semaphore(%run_scoped3A : memref<!tpu.dma_semaphore, #tpu.memory_space<semaphore_mem>>)
      %dma_wait3A = tpu.memref_slice %arg3[%mul3A_2] : memref<81920xi32, #tpu.memory_space<hbm>> -> memref<2560xi32, #tpu.memory_space<hbm>>
      %dma_wait3A_9 = tpu.memref_slice %arg3[%mul3A_2] : memref<81920xi32, #tpu.memory_space<hbm>> -> memref<2560xi32, #tpu.memory_space<hbm>>
      tpu.wait_dma2 semaphore(%run_scoped3A : memref<!tpu.dma_semaphore, #tpu.memory_space<semaphore_mem>>) src(%dma_wait3A_9 : memref<2560xi32, #tpu.memory_space<hbm>>) dst(%arg5 : memref<2560xi32, #tpu.memory_space<vmem>>)
      tpu.yield
    }) : () -> ()
    %scan3A = arith.constant 0 : i32
    %scan3A_3 = arith.constant 0 : i32
    %scan3A_4 = arith.constant 20 : i32
    %scan3A_5 = arith.addi %scan3A_3, %scan3A_4 : i32
    %scan3A_6 = arith.constant 1 : i32
    scf.for %scan3A_8 = %scan3A_3 to %scan3A_5 step %scan3A_6  : i32 {
      %mul3A_9 = arith.constant 128 : i32
      %mul3A_10 = arith.muli %scan3A_8, %mul3A_9 : i32
      %dma_start3A = tpu.memref_slice %arg5[%mul3A_10] : memref<2560xi32, #tpu.memory_space<vmem>> -> memref<128xi32, #tpu.memory_space<vmem>>
      %dma_start3A_11 = arith.constant 0 : i32
      %dma_start3A_12 = arith.constant 0 : i32
      %dma_start3A_13 = tpu.memref_slice %arg2[%dma_start3A_11, %dma_start3A_12] : memref<4096x256xf32, #tpu.memory_space<hbm>> -> memref<4096x256xf32, #tpu.memory_space<hbm>>
      tpu.enqueue_indirect_dma source(%dma_start3A_13 : memref<4096x256xf32, #tpu.memory_space<hbm>>) target(%arg6 : memref<128x256xf32, #tpu.memory_space<vmem>>) offsets(%dma_start3A : memref<128xi32, #tpu.memory_space<vmem>>) semaphore(%arg7 : memref<!tpu.dma_semaphore, #tpu.memory_space<semaphore_mem>>)
      %dma_wait3A = tpu.memref_slice %arg5[%mul3A_10] : memref<2560xi32, #tpu.memory_space<vmem>> -> memref<128xi32, #tpu.memory_space<vmem>>
      %dma_wait3A_14 = arith.constant 0 : i32
      %dma_wait3A_15 = arith.constant 0 : i32
      %dma_wait3A_16 = tpu.memref_slice %arg2[%dma_wait3A_14, %dma_wait3A_15] : memref<4096x256xf32, #tpu.memory_space<hbm>> -> memref<4096x256xf32, #tpu.memory_space<hbm>>
      tpu.wait_indirect_dma semaphore(%arg7 : memref<!tpu.dma_semaphore, #tpu.memory_space<semaphore_mem>>) src(%dma_wait3A_16 : memref<4096x256xf32, #tpu.memory_space<hbm>>) dst(%arg6 : memref<128x256xf32, #tpu.memory_space<vmem>>)
      %add3A_17 = arith.addi %mul3A_2, %mul3A_10 : i32
      "tpu.region"() ({
        %run_scoped3A = tpu.sem_alloc : memref<!tpu.dma_semaphore, #tpu.memory_space<semaphore_mem>>
        %dma_start3A_18 = arith.constant 0 : i32
        %dma_start3A_19 = tpu.memref_slice %arg4[%add3A_17, %dma_start3A_18] : memref<81920x256xf32, #tpu.memory_space<hbm>> -> memref<128x256xf32, #tpu.memory_space<hbm>>
        %dma_start3A_20 = arith.constant 0 : i32
        %dma_start3A_21 = tpu.memref_slice %arg4[%add3A_17, %dma_start3A_20] : memref<81920x256xf32, #tpu.memory_space<hbm>> -> memref<128x256xf32, #tpu.memory_space<hbm>>
        tpu.enqueue_dma source(%arg6 : memref<128x256xf32, #tpu.memory_space<vmem>>) target(%dma_start3A_21 : memref<128x256xf32, #tpu.memory_space<hbm>>) target_semaphore(%run_scoped3A : memref<!tpu.dma_semaphore, #tpu.memory_space<semaphore_mem>>)
        %dma_wait3A_22 = arith.constant 0 : i32
        %dma_wait3A_23 = tpu.memref_slice %arg4[%add3A_17, %dma_wait3A_22] : memref<81920x256xf32, #tpu.memory_space<hbm>> -> memref<128x256xf32, #tpu.memory_space<hbm>>
        %dma_wait3A_24 = arith.constant 0 : i32
        %dma_wait3A_25 = tpu.memref_slice %arg4[%add3A_17, %dma_wait3A_24] : memref<81920x256xf32, #tpu.memory_space<hbm>> -> memref<128x256xf32, #tpu.memory_space<hbm>>
        tpu.wait_dma2 semaphore(%run_scoped3A : memref<!tpu.dma_semaphore, #tpu.memory_space<semaphore_mem>>) src(%arg6 : memref<128x256xf32, #tpu.memory_space<vmem>>) dst(%dma_wait3A_25 : memref<128x256xf32, #tpu.memory_space<hbm>>)
        tpu.yield
      }) : () -> ()
    }
    %scan3A_7 = arith.constant 20 : i32
    return
  }
}

#map = affine_map<(d0, d1) -> (0, 0)>
#map1 = affine_map<(d0, d1) -> (0)>
module attributes {stable_mosaic.version = 14 : i64} {
  func.func @k(%arg0: i32, %arg1: i32, %arg2: memref<4096x256xf32, #tpu.memory_space<hbm>>, %arg3: memref<81920xi32, #tpu.memory_space<hbm>>, %arg4: memref<81920x256xf32, #tpu.memory_space<hbm>>, %arg5: memref<2560xi32, #tpu.memory_space<vmem>>, %arg6: memref<128x256xf32, #tpu.memory_space<vmem>>, %arg7: memref<!tpu.dma_semaphore, #tpu.memory_space<semaphore_mem>>) attributes {dimension_semantics = [#tpu.dimension_semantics<core_parallel>, #tpu.dimension_semantics<subcore_parallel>], iteration_bounds = array<i64: 2, 16>, scalar_prefetch = 0 : i64, scratch_operands = 3 : i64, tpu.core_type = #tpu.core_type<sc_vector_subcore>, window_params = [{transform_indices = #map}, {transform_indices = #map1}, {transform_indices = #map}]} {
    %mul3A = arith.constant 2 : i32
    %mul3A_0 = arith.muli %arg1, %mul3A : i32
    %add3A = arith.addi %mul3A_0, %arg0 : i32
    %mul3A_1 = arith.constant 2560 : i32
    %mul3A_2 = arith.muli %add3A, %mul3A_1 : i32
    "tpu.region"() ({
      %run_scoped3A = tpu.sem_alloc : memref<!tpu.dma_semaphore, #tpu.memory_space<semaphore_mem>>
      %dma_start3A = tpu.memref_slice %arg3[%mul3A_2] : memref<81920xi32, #tpu.memory_space<hbm>> -> memref<2560xi32, #tpu.memory_space<hbm>>
      %dma_start3A_8 = tpu.memref_slice %arg3[%mul3A_2] : memref<81920xi32, #tpu.memory_space<hbm>> -> memref<2560xi32, #tpu.memory_space<hbm>>
      tpu.enqueue_dma source(%dma_start3A_8 : memref<2560xi32, #tpu.memory_space<hbm>>) target(%arg5 : memref<2560xi32, #tpu.memory_space<vmem>>) target_semaphore(%run_scoped3A : memref<!tpu.dma_semaphore, #tpu.memory_space<semaphore_mem>>)
      %dma_wait3A = tpu.memref_slice %arg3[%mul3A_2] : memref<81920xi32, #tpu.memory_space<hbm>> -> memref<2560xi32, #tpu.memory_space<hbm>>
      %dma_wait3A_9 = tpu.memref_slice %arg3[%mul3A_2] : memref<81920xi32, #tpu.memory_space<hbm>> -> memref<2560xi32, #tpu.memory_space<hbm>>
      tpu.wait_dma2 semaphore(%run_scoped3A : memref<!tpu.dma_semaphore, #tpu.memory_space<semaphore_mem>>) src(%dma_wait3A_9 : memref<2560xi32, #tpu.memory_space<hbm>>) dst(%arg5 : memref<2560xi32, #tpu.memory_space<vmem>>)
      tpu.yield
    }) : () -> ()
    %scan3A = arith.constant 0 : i32
    %scan3A_3 = arith.constant 0 : i32
    %scan3A_4 = arith.constant 20 : i32
    %scan3A_5 = arith.addi %scan3A_3, %scan3A_4 : i32
    %scan3A_6 = arith.constant 1 : i32
    scf.for %scan3A_8 = %scan3A_3 to %scan3A_5 step %scan3A_6  : i32 {
      %mul3A_9 = arith.constant 128 : i32
      %mul3A_10 = arith.muli %scan3A_8, %mul3A_9 : i32
      %dma_start3A = tpu.memref_slice %arg5[%mul3A_10] : memref<2560xi32, #tpu.memory_space<vmem>> -> memref<128xi32, #tpu.memory_space<vmem>>
      %dma_start3A_11 = arith.constant 0 : i32
      %dma_start3A_12 = arith.constant 0 : i32
      %dma_start3A_13 = tpu.memref_slice %arg2[%dma_start3A_11, %dma_start3A_12] : memref<4096x256xf32, #tpu.memory_space<hbm>> -> memref<4096x256xf32, #tpu.memory_space<hbm>>
      tpu.enqueue_indirect_dma source(%dma_start3A_13 : memref<4096x256xf32, #tpu.memory_space<hbm>>) target(%arg6 : memref<128x256xf32, #tpu.memory_space<vmem>>) offsets(%dma_start3A : memref<128xi32, #tpu.memory_space<vmem>>) semaphore(%arg7 : memref<!tpu.dma_semaphore, #tpu.memory_space<semaphore_mem>>)
      %dma_wait3A = tpu.memref_slice %arg5[%mul3A_10] : memref<2560xi32, #tpu.memory_space<vmem>> -> memref<128xi32, #tpu.memory_space<vmem>>
      %dma_wait3A_14 = arith.constant 0 : i32
      %dma_wait3A_15 = arith.constant 0 : i32
      %dma_wait3A_16 = tpu.memref_slice %arg2[%dma_wait3A_14, %dma_wait3A_15] : memref<4096x256xf32, #tpu.memory_space<hbm>> -> memref<4096x256xf32, #tpu.memory_space<hbm>>
      tpu.wait_indirect_dma semaphore(%arg7 : memref<!tpu.dma_semaphore, #tpu.memory_space<semaphore_mem>>) src(%dma_wait3A_16 : memref<4096x256xf32, #tpu.memory_space<hbm>>) dst(%arg6 : memref<128x256xf32, #tpu.memory_space<vmem>>)
      %add3A_17 = arith.addi %mul3A_2, %mul3A_10 : i32
      "tpu.region"() ({
        %run_scoped3A = tpu.sem_alloc : memref<!tpu.dma_semaphore, #tpu.memory_space<semaphore_mem>>
        %dma_start3A_18 = arith.constant 0 : i32
        %dma_start3A_19 = tpu.memref_slice %arg4[%add3A_17, %dma_start3A_18] : memref<81920x256xf32, #tpu.memory_space<hbm>> -> memref<128x256xf32, #tpu.memory_space<hbm>>
        %dma_start3A_20 = arith.constant 0 : i32
        %dma_start3A_21 = tpu.memref_slice %arg4[%add3A_17, %dma_start3A_20] : memref<81920x256xf32, #tpu.memory_space<hbm>> -> memref<128x256xf32, #tpu.memory_space<hbm>>
        tpu.enqueue_dma source(%arg6 : memref<128x256xf32, #tpu.memory_space<vmem>>) target(%dma_start3A_21 : memref<128x256xf32, #tpu.memory_space<hbm>>) target_semaphore(%run_scoped3A : memref<!tpu.dma_semaphore, #tpu.memory_space<semaphore_mem>>)
        %dma_wait3A_22 = arith.constant 0 : i32
        %dma_wait3A_23 = tpu.memref_slice %arg4[%add3A_17, %dma_wait3A_22] : memref<81920x256xf32, #tpu.memory_space<hbm>> -> memref<128x256xf32, #tpu.memory_space<hbm>>
        %dma_wait3A_24 = arith.constant 0 : i32
        %dma_wait3A_25 = tpu.memref_slice %arg4[%add3A_17, %dma_wait3A_24] : memref<81920x256xf32, #tpu.memory_space<hbm>> -> memref<128x256xf32, #tpu.memory_space<hbm>>
        tpu.wait_dma2 semaphore(%run_scoped3A : memref<!tpu.dma_semaphore, #tpu.memory_space<semaphore_mem>>) src(%arg6 : memref<128x256xf32, #tpu.memory_space<vmem>>) dst(%dma_wait3A_25 : memref<128x256xf32, #tpu.memory_space<hbm>>)
        tpu.yield
      }) : () -> ()
    }
    %scan3A_7 = arith.constant 20 : i32
    return
  }
}

#map = affine_map<(d0, d1) -> (0, 0)>
#map1 = affine_map<(d0, d1) -> (0)>
module attributes {stable_mosaic.version = 14 : i64} {
  func.func @k(%arg0: i32, %arg1: i32, %arg2: memref<4096x256xf32, #tpu.memory_space<hbm>>, %arg3: memref<81920xi32, #tpu.memory_space<hbm>>, %arg4: memref<81920x256xf32, #tpu.memory_space<hbm>>, %arg5: memref<2560xi32, #tpu.memory_space<vmem>>, %arg6: memref<128x256xf32, #tpu.memory_space<vmem>>, %arg7: memref<!tpu.dma_semaphore, #tpu.memory_space<semaphore_mem>>) attributes {dimension_semantics = [#tpu.dimension_semantics<core_parallel>, #tpu.dimension_semantics<subcore_parallel>], iteration_bounds = array<i64: 2, 16>, scalar_prefetch = 0 : i64, scratch_operands = 3 : i64, tpu.core_type = #tpu.core_type<sc_vector_subcore>, window_params = [{transform_indices = #map}, {transform_indices = #map1}, {transform_indices = #map}]} {
    %mul3A = arith.constant 2 : i32
    %mul3A_0 = arith.muli %arg1, %mul3A : i32
    %add3A = arith.addi %mul3A_0, %arg0 : i32
    %mul3A_1 = arith.constant 2560 : i32
    %mul3A_2 = arith.muli %add3A, %mul3A_1 : i32
    "tpu.region"() ({
      %run_scoped3A = tpu.sem_alloc : memref<!tpu.dma_semaphore, #tpu.memory_space<semaphore_mem>>
      %dma_start3A = tpu.memref_slice %arg3[%mul3A_2] : memref<81920xi32, #tpu.memory_space<hbm>> -> memref<2560xi32, #tpu.memory_space<hbm>>
      %dma_start3A_8 = tpu.memref_slice %arg3[%mul3A_2] : memref<81920xi32, #tpu.memory_space<hbm>> -> memref<2560xi32, #tpu.memory_space<hbm>>
      tpu.enqueue_dma source(%dma_start3A_8 : memref<2560xi32, #tpu.memory_space<hbm>>) target(%arg5 : memref<2560xi32, #tpu.memory_space<vmem>>) target_semaphore(%run_scoped3A : memref<!tpu.dma_semaphore, #tpu.memory_space<semaphore_mem>>)
      %dma_wait3A = tpu.memref_slice %arg3[%mul3A_2] : memref<81920xi32, #tpu.memory_space<hbm>> -> memref<2560xi32, #tpu.memory_space<hbm>>
      %dma_wait3A_9 = tpu.memref_slice %arg3[%mul3A_2] : memref<81920xi32, #tpu.memory_space<hbm>> -> memref<2560xi32, #tpu.memory_space<hbm>>
      tpu.wait_dma2 semaphore(%run_scoped3A : memref<!tpu.dma_semaphore, #tpu.memory_space<semaphore_mem>>) src(%dma_wait3A_9 : memref<2560xi32, #tpu.memory_space<hbm>>) dst(%arg5 : memref<2560xi32, #tpu.memory_space<vmem>>)
      tpu.yield
    }) : () -> ()
    %scan3A = arith.constant 0 : i32
    %scan3A_3 = arith.constant 0 : i32
    %scan3A_4 = arith.constant 20 : i32
    %scan3A_5 = arith.addi %scan3A_3, %scan3A_4 : i32
    %scan3A_6 = arith.constant 1 : i32
    scf.for %scan3A_8 = %scan3A_3 to %scan3A_5 step %scan3A_6  : i32 {
      %mul3A_9 = arith.constant 128 : i32
      %mul3A_10 = arith.muli %scan3A_8, %mul3A_9 : i32
      %dma_start3A = tpu.memref_slice %arg5[%mul3A_10] : memref<2560xi32, #tpu.memory_space<vmem>> -> memref<128xi32, #tpu.memory_space<vmem>>
      %dma_start3A_11 = arith.constant 0 : i32
      %dma_start3A_12 = arith.constant 0 : i32
      %dma_start3A_13 = tpu.memref_slice %arg2[%dma_start3A_11, %dma_start3A_12] : memref<4096x256xf32, #tpu.memory_space<hbm>> -> memref<4096x256xf32, #tpu.memory_space<hbm>>
      tpu.enqueue_indirect_dma source(%dma_start3A_13 : memref<4096x256xf32, #tpu.memory_space<hbm>>) target(%arg6 : memref<128x256xf32, #tpu.memory_space<vmem>>) offsets(%dma_start3A : memref<128xi32, #tpu.memory_space<vmem>>) semaphore(%arg7 : memref<!tpu.dma_semaphore, #tpu.memory_space<semaphore_mem>>)
      %dma_wait3A = tpu.memref_slice %arg5[%mul3A_10] : memref<2560xi32, #tpu.memory_space<vmem>> -> memref<128xi32, #tpu.memory_space<vmem>>
      %dma_wait3A_14 = arith.constant 0 : i32
      %dma_wait3A_15 = arith.constant 0 : i32
      %dma_wait3A_16 = tpu.memref_slice %arg2[%dma_wait3A_14, %dma_wait3A_15] : memref<4096x256xf32, #tpu.memory_space<hbm>> -> memref<4096x256xf32, #tpu.memory_space<hbm>>
      tpu.wait_indirect_dma semaphore(%arg7 : memref<!tpu.dma_semaphore, #tpu.memory_space<semaphore_mem>>) src(%dma_wait3A_16 : memref<4096x256xf32, #tpu.memory_space<hbm>>) dst(%arg6 : memref<128x256xf32, #tpu.memory_space<vmem>>)
      %add3A_17 = arith.addi %mul3A_2, %mul3A_10 : i32
      "tpu.region"() ({
        %run_scoped3A = tpu.sem_alloc : memref<!tpu.dma_semaphore, #tpu.memory_space<semaphore_mem>>
        %dma_start3A_18 = arith.constant 0 : i32
        %dma_start3A_19 = tpu.memref_slice %arg4[%add3A_17, %dma_start3A_18] : memref<81920x256xf32, #tpu.memory_space<hbm>> -> memref<128x256xf32, #tpu.memory_space<hbm>>
        %dma_start3A_20 = arith.constant 0 : i32
        %dma_start3A_21 = tpu.memref_slice %arg4[%add3A_17, %dma_start3A_20] : memref<81920x256xf32, #tpu.memory_space<hbm>> -> memref<128x256xf32, #tpu.memory_space<hbm>>
        tpu.enqueue_dma source(%arg6 : memref<128x256xf32, #tpu.memory_space<vmem>>) target(%dma_start3A_21 : memref<128x256xf32, #tpu.memory_space<hbm>>) target_semaphore(%run_scoped3A : memref<!tpu.dma_semaphore, #tpu.memory_space<semaphore_mem>>)
        %dma_wait3A_22 = arith.constant 0 : i32
        %dma_wait3A_23 = tpu.memref_slice %arg4[%add3A_17, %dma_wait3A_22] : memref<81920x256xf32, #tpu.memory_space<hbm>> -> memref<128x256xf32, #tpu.memory_space<hbm>>
        %dma_wait3A_24 = arith.constant 0 : i32
        %dma_wait3A_25 = tpu.memref_slice %arg4[%add3A_17, %dma_wait3A_24] : memref<81920x256xf32, #tpu.memory_space<hbm>> -> memref<128x256xf32, #tpu.memory_space<hbm>>
        tpu.wait_dma2 semaphore(%run_scoped3A : memref<!tpu.dma_semaphore, #tpu.memory_space<semaphore_mem>>) src(%arg6 : memref<128x256xf32, #tpu.memory_space<vmem>>) dst(%dma_wait3A_25 : memref<128x256xf32, #tpu.memory_space<hbm>>)
        tpu.yield
      }) : () -> ()
    }
    %scan3A_7 = arith.constant 20 : i32
    return
  }
}

#map = affine_map<(d0, d1) -> (0, 0)>
#map1 = affine_map<(d0, d1) -> (0)>
module attributes {stable_mosaic.version = 14 : i64} {
  func.func @k(%arg0: i32, %arg1: i32, %arg2: memref<4096x256xf32, #tpu.memory_space<hbm>>, %arg3: memref<81920xi32, #tpu.memory_space<hbm>>, %arg4: memref<81920x256xf32, #tpu.memory_space<hbm>>, %arg5: memref<2560xi32, #tpu.memory_space<vmem>>, %arg6: memref<128x256xf32, #tpu.memory_space<vmem>>, %arg7: memref<!tpu.dma_semaphore, #tpu.memory_space<semaphore_mem>>) attributes {dimension_semantics = [#tpu.dimension_semantics<core_parallel>, #tpu.dimension_semantics<subcore_parallel>], iteration_bounds = array<i64: 2, 16>, scalar_prefetch = 0 : i64, scratch_operands = 3 : i64, tpu.core_type = #tpu.core_type<sc_vector_subcore>, window_params = [{transform_indices = #map}, {transform_indices = #map1}, {transform_indices = #map}]} {
    %mul3A = arith.constant 2 : i32
    %mul3A_0 = arith.muli %arg1, %mul3A : i32
    %add3A = arith.addi %mul3A_0, %arg0 : i32
    %mul3A_1 = arith.constant 2560 : i32
    %mul3A_2 = arith.muli %add3A, %mul3A_1 : i32
    "tpu.region"() ({
      %run_scoped3A = tpu.sem_alloc : memref<!tpu.dma_semaphore, #tpu.memory_space<semaphore_mem>>
      %dma_start3A = tpu.memref_slice %arg3[%mul3A_2] : memref<81920xi32, #tpu.memory_space<hbm>> -> memref<2560xi32, #tpu.memory_space<hbm>>
      %dma_start3A_8 = tpu.memref_slice %arg3[%mul3A_2] : memref<81920xi32, #tpu.memory_space<hbm>> -> memref<2560xi32, #tpu.memory_space<hbm>>
      tpu.enqueue_dma source(%dma_start3A_8 : memref<2560xi32, #tpu.memory_space<hbm>>) target(%arg5 : memref<2560xi32, #tpu.memory_space<vmem>>) target_semaphore(%run_scoped3A : memref<!tpu.dma_semaphore, #tpu.memory_space<semaphore_mem>>)
      %dma_wait3A = tpu.memref_slice %arg3[%mul3A_2] : memref<81920xi32, #tpu.memory_space<hbm>> -> memref<2560xi32, #tpu.memory_space<hbm>>
      %dma_wait3A_9 = tpu.memref_slice %arg3[%mul3A_2] : memref<81920xi32, #tpu.memory_space<hbm>> -> memref<2560xi32, #tpu.memory_space<hbm>>
      tpu.wait_dma2 semaphore(%run_scoped3A : memref<!tpu.dma_semaphore, #tpu.memory_space<semaphore_mem>>) src(%dma_wait3A_9 : memref<2560xi32, #tpu.memory_space<hbm>>) dst(%arg5 : memref<2560xi32, #tpu.memory_space<vmem>>)
      tpu.yield
    }) : () -> ()
    %scan3A = arith.constant 0 : i32
    %scan3A_3 = arith.constant 0 : i32
    %scan3A_4 = arith.constant 20 : i32
    %scan3A_5 = arith.addi %scan3A_3, %scan3A_4 : i32
    %scan3A_6 = arith.constant 1 : i32
    scf.for %scan3A_8 = %scan3A_3 to %scan3A_5 step %scan3A_6  : i32 {
      %mul3A_9 = arith.constant 128 : i32
      %mul3A_10 = arith.muli %scan3A_8, %mul3A_9 : i32
      %dma_start3A = tpu.memref_slice %arg5[%mul3A_10] : memref<2560xi32, #tpu.memory_space<vmem>> -> memref<128xi32, #tpu.memory_space<vmem>>
      %dma_start3A_11 = arith.constant 0 : i32
      %dma_start3A_12 = arith.constant 0 : i32
      %dma_start3A_13 = tpu.memref_slice %arg2[%dma_start3A_11, %dma_start3A_12] : memref<4096x256xf32, #tpu.memory_space<hbm>> -> memref<4096x256xf32, #tpu.memory_space<hbm>>
      tpu.enqueue_indirect_dma source(%dma_start3A_13 : memref<4096x256xf32, #tpu.memory_space<hbm>>) target(%arg6 : memref<128x256xf32, #tpu.memory_space<vmem>>) offsets(%dma_start3A : memref<128xi32, #tpu.memory_space<vmem>>) semaphore(%arg7 : memref<!tpu.dma_semaphore, #tpu.memory_space<semaphore_mem>>)
      %dma_wait3A = tpu.memref_slice %arg5[%mul3A_10] : memref<2560xi32, #tpu.memory_space<vmem>> -> memref<128xi32, #tpu.memory_space<vmem>>
      %dma_wait3A_14 = arith.constant 0 : i32
      %dma_wait3A_15 = arith.constant 0 : i32
      %dma_wait3A_16 = tpu.memref_slice %arg2[%dma_wait3A_14, %dma_wait3A_15] : memref<4096x256xf32, #tpu.memory_space<hbm>> -> memref<4096x256xf32, #tpu.memory_space<hbm>>
      tpu.wait_indirect_dma semaphore(%arg7 : memref<!tpu.dma_semaphore, #tpu.memory_space<semaphore_mem>>) src(%dma_wait3A_16 : memref<4096x256xf32, #tpu.memory_space<hbm>>) dst(%arg6 : memref<128x256xf32, #tpu.memory_space<vmem>>)
      %add3A_17 = arith.addi %mul3A_2, %mul3A_10 : i32
      "tpu.region"() ({
        %run_scoped3A = tpu.sem_alloc : memref<!tpu.dma_semaphore, #tpu.memory_space<semaphore_mem>>
        %dma_start3A_18 = arith.constant 0 : i32
        %dma_start3A_19 = tpu.memref_slice %arg4[%add3A_17, %dma_start3A_18] : memref<81920x256xf32, #tpu.memory_space<hbm>> -> memref<128x256xf32, #tpu.memory_space<hbm>>
        %dma_start3A_20 = arith.constant 0 : i32
        %dma_start3A_21 = tpu.memref_slice %arg4[%add3A_17, %dma_start3A_20] : memref<81920x256xf32, #tpu.memory_space<hbm>> -> memref<128x256xf32, #tpu.memory_space<hbm>>
        tpu.enqueue_dma source(%arg6 : memref<128x256xf32, #tpu.memory_space<vmem>>) target(%dma_start3A_21 : memref<128x256xf32, #tpu.memory_space<hbm>>) target_semaphore(%run_scoped3A : memref<!tpu.dma_semaphore, #tpu.memory_space<semaphore_mem>>)
        %dma_wait3A_22 = arith.constant 0 : i32
        %dma_wait3A_23 = tpu.memref_slice %arg4[%add3A_17, %dma_wait3A_22] : memref<81920x256xf32, #tpu.memory_space<hbm>> -> memref<128x256xf32, #tpu.memory_space<hbm>>
        %dma_wait3A_24 = arith.constant 0 : i32
        %dma_wait3A_25 = tpu.memref_slice %arg4[%add3A_17, %dma_wait3A_24] : memref<81920x256xf32, #tpu.memory_space<hbm>> -> memref<128x256xf32, #tpu.memory_space<hbm>>
        tpu.wait_dma2 semaphore(%run_scoped3A : memref<!tpu.dma_semaphore, #tpu.memory_space<semaphore_mem>>) src(%arg6 : memref<128x256xf32, #tpu.memory_space<vmem>>) dst(%dma_wait3A_25 : memref<128x256xf32, #tpu.memory_space<hbm>>)
        tpu.yield
      }) : () -> ()
    }
    %scan3A_7 = arith.constant 20 : i32
    return
  }
}

module attributes {stable_mosaic.version = 14 : i64} {
  func.func @_net_a_body(%arg0: i32, %arg1: memref<1x512x3xf32, #tpu.memory_space<vmem>>, %arg2: memref<512x1xf32, #tpu.memory_space<vmem>>, %arg3: memref<20x5x150xf32, #tpu.memory_space<vmem>>, %arg4: memref<150x30xf32, #tpu.memory_space<vmem>>, %arg5: memref<30x150xf32, #tpu.memory_space<vmem>>, %arg6: memref<1x512x256xf32, #tpu.memory_space<vmem>>, %arg7: memref<1x512x20xi32, #tpu.memory_space<vmem>>) attributes {dimension_semantics = [#tpu.dimension_semantics<arbitrary>], iteration_bounds = array<i64: 8>, scalar_prefetch = 0 : i64, scratch_operands = 0 : i64, tpu.core_type = #tpu.core_type<tc>, window_params = [{transform_indices = @transform_0, window_bounds = array<i64: 1, 512, 3>}, {pipeline_mode = #tpu.pipeline_mode<synchronous>, transform_indices = @transform_1, window_bounds = array<i64: 512, 1>}, {pipeline_mode = #tpu.pipeline_mode<synchronous>, transform_indices = @transform_2, window_bounds = array<i64: 20, 5, 150>}, {pipeline_mode = #tpu.pipeline_mode<synchronous>, transform_indices = @transform_3, window_bounds = array<i64: 150, 30>}, {pipeline_mode = #tpu.pipeline_mode<synchronous>, transform_indices = @transform_4, window_bounds = array<i64: 30, 150>}, {transform_indices = @transform_5, window_bounds = array<i64: 1, 512, 256>}, {transform_indices = @transform_6, window_bounds = array<i64: 1, 512, 20>}]} {
    %get3A = arith.constant 0 : index
    %get3A_0 = arith.constant 0 : index
    %get3A_1 = arith.constant 0 : index
    %get3A_2 = vector.load %arg1[%get3A, %get3A_0, %get3A_1] : memref<1x512x3xf32, #tpu.memory_space<vmem>>, vector<1x512x3xf32>
    %get3A_3 = vector.shape_cast %get3A_2 : vector<1x512x3xf32> to vector<512x3xf32>
    %get3A_4 = arith.constant 0 : index
    %get3A_5 = arith.constant 0 : index
    %get3A_6 = vector.load %arg2[%get3A_4, %get3A_5] : memref<512x1xf32, #tpu.memory_space<vmem>>, vector<512x1xf32>
    %mul3A = arith.mulf %get3A_3, %get3A_3 : vector<512x3xf32>
    %reduce_sum3A = arith.constant dense<0.000000e+00> : vector<512xf32>
    %reduce_sum3A_7 = vector.multi_reduction <add>, %mul3A, %reduce_sum3A [1] : vector<512x3xf32> to vector<512xf32>
    %broadcast_in_dim3A = vector.shape_cast %reduce_sum3A_7 : vector<512xf32> to vector<512x1xf32>
    %add3A = arith.constant 9.99999993E-9 : f32
    %add3A_8 = vector.broadcast %add3A : f32 to vector<512x1xf32>
    %add3A_9 = arith.addf %broadcast_in_dim3A, %add3A_8 : vector<512x1xf32>
    %sqrt3A = math.sqrt %add3A_9 : vector<512x1xf32>
    %mul3A_10 = arith.mulf %sqrt3A, %get3A_6 : vector<512x1xf32>
    %broadcast_in_dim3A_11 = arith.constant 1.000000e+00 : f32
    %broadcast_in_dim3A_12 = vector.broadcast %broadcast_in_dim3A_11 : f32 to vector<512x1xf32>
    %concatenate3A = tpu.concatenate %get3A_3, %mul3A_10, %broadcast_in_dim3A_12 in 1 : vector<512x3xf32>, vector<512x1xf32>, vector<512x1xf32> -> vector<512x5xf32>
    %mul3A_13 = arith.mulf %concatenate3A, %concatenate3A : vector<512x5xf32>
    %reduce_sum3A_14 = arith.constant dense<0.000000e+00> : vector<512xf32>
    %reduce_sum3A_15 = vector.multi_reduction <add>, %mul3A_13, %reduce_sum3A_14 [1] : vector<512x5xf32> to vector<512xf32>
    %broadcast_in_dim3A_16 = vector.shape_cast %reduce_sum3A_15 : vector<512xf32> to vector<512x1xf32>
    %sqrt3A_17 = math.sqrt %broadcast_in_dim3A_16 : vector<512x1xf32>
    %add3A_18 = arith.constant 9.99999993E-9 : f32
    %add3A_19 = vector.broadcast %add3A_18 : f32 to vector<512x1xf32>
    %add3A_20 = arith.addf %sqrt3A_17, %add3A_19 : vector<512x1xf32>
    %div3A = vector.broadcast %add3A_20 : vector<512x1xf32> to vector<512x5xf32>
    %div3A_21 = arith.divf %concatenate3A, %div3A : vector<512x5xf32>
    %iota3A = tpu.iota {dimensions = array<i32: 1>} : vector<512x512xi32>
    %mul3A_22 = arith.mulf %div3A_21, %div3A_21 : vector<512x5xf32>
    %reduce_sum3A_23 = arith.constant dense<0.000000e+00> : vector<512xf32>
    %reduce_sum3A_24 = vector.multi_reduction <add>, %mul3A_22, %reduce_sum3A_23 [1] : vector<512x5xf32> to vector<512xf32>
    %broadcast_in_dim3A_25 = vector.shape_cast %reduce_sum3A_24 : vector<512xf32> to vector<512x1xf32>
    %dot_general3A = arith.constant dense<0.000000e+00> : vector<512x512xf32>
    %dot_general3A_26 = tpu.matmul %div3A_21, %div3A_21, %dot_general3A {dimension_numbers = #tpu.dot_dimension_numbers<[1], [1], [0], [0], [0, 0, 1, 0], [], []>, transpose_lhs_hint = false} : vector<512x5xf32>, vector<512x5xf32>, vector<512x512xf32> -> vector<512x512xf32>
    %reshape3A = vector.shape_cast %broadcast_in_dim3A_25 : vector<512x1xf32> to vector<1x512xf32>
    %add3A_27 = vector.broadcast %broadcast_in_dim3A_25 : vector<512x1xf32> to vector<512x512xf32>
    %add3A_28 = vector.broadcast %reshape3A : vector<1x512xf32> to vector<512x512xf32>
    %add3A_29 = arith.addf %add3A_27, %add3A_28 : vector<512x512xf32>
    %mul3A_30 = arith.constant 2.000000e+00 : f32
    %mul3A_31 = vector.broadcast %mul3A_30 : f32 to vector<512x512xf32>
    %mul3A_32 = arith.mulf %mul3A_31, %dot_general3A_26 : vector<512x512xf32>
    %sub3A = arith.subf %add3A_29, %mul3A_32 : vector<512x512xf32>
    %broadcast_in_dim3A_33 = arith.constant 0.000000e+00 : f32
    %broadcast_in_dim3A_34 = vector.broadcast %broadcast_in_dim3A_33 : f32 to vector<512x150xf32>
    %reduce_min3A = arith.constant dense<0x7F800000> : vector<512xf32>
    %reduce_min3A_35 = vector.multi_reduction <minimumf>, %sub3A, %reduce_min3A [1] : vector<512x512xf32> to vector<512xf32>
    %broadcast_in_dim3A_36 = vector.shape_cast %reduce_min3A_35 : vector<512xf32> to vector<512x1xf32>
    %eq3A = vector.broadcast %broadcast_in_dim3A_36 : vector<512x1xf32> to vector<512x512xf32>
    %eq3A_37 = arith.cmpf oeq, %sub3A, %eq3A : vector<512x512xf32>
    %jit3A = arith.constant 512 : i32
    %broadcast_in_dim3A_38 = vector.broadcast %jit3A : i32 to vector<512x512xi32>
    %select_n3A = arith.select %eq3A_37, %iota3A, %broadcast_in_dim3A_38 : vector<512x512xi1>, vector<512x512xi32>
    %reduce_min3A_39 = arith.constant dense<2147483647> : vector<512xi32>
    %reduce_min3A_40 = vector.multi_reduction <minsi>, %select_n3A, %reduce_min3A_39 [1] : vector<512x512xi32> to vector<512xi32>
    %broadcast_in_dim3A_41 = vector.shape_cast %reduce_min3A_40 : vector<512xi32> to vector<512x1xi32>
    %eq3A_42 = vector.broadcast %broadcast_in_dim3A_41 : vector<512x1xi32> to vector<512x512xi32>
    %eq3A_43 = arith.cmpi eq, %iota3A, %eq3A_42 : vector<512x512xi32>
    %convert_element_type3A = arith.extui %eq3A_43 : vector<512x512xi1> to vector<512x512xi32>
    %convert_element_type3A_44 = arith.sitofp %convert_element_type3A : vector<512x512xi32> to vector<512x512xf32>
    %dot_general3A_45 = arith.constant dense<0.000000e+00> : vector<512x5xf32>
    %dot_general3A_46 = tpu.matmul %convert_element_type3A_44, %div3A_21, %dot_general3A_45 {dimension_numbers = #tpu.dot_dimension_numbers<[1], [0], [0], [1], [0, 0, 1, 1], [], []>, transpose_lhs_hint = false} : vector<512x512xf32>, vector<512x5xf32>, vector<512x5xf32> -> vector<512x5xf32>
    %get3A_47 = arith.constant 0 : index
    %get3A_48 = arith.constant 0 : index
    %get3A_49 = arith.constant 0 : index
    %get3A_50 = vector.load %arg3[%get3A_47, %get3A_48, %get3A_49] : memref<20x5x150xf32, #tpu.memory_space<vmem>>, vector<1x5x150xf32>
    %get3A_51 = vector.shape_cast %get3A_50 : vector<1x5x150xf32> to vector<5x150xf32>
    %dot_general3A_52 = arith.constant dense<0.000000e+00> : vector<512x150xf32>
    %dot_general3A_53 = tpu.matmul %dot_general3A_46, %get3A_51, %dot_general3A_52 {dimension_numbers = #tpu.dot_dimension_numbers<[1], [0], [0], [1], [0, 0, 1, 1], [], []>, transpose_lhs_hint = false} : vector<512x5xf32>, vector<5x150xf32>, vector<512x150xf32> -> vector<512x150xf32>
    %add3A_54 = arith.addf %broadcast_in_dim3A_34, %dot_general3A_53 : vector<512x150xf32>
    %mul3A_55 = arith.constant 1.000000e+30 : f32
    %mul3A_56 = vector.broadcast %mul3A_55 : f32 to vector<512x512xf32>
    %mul3A_57 = arith.mulf %convert_element_type3A_44, %mul3A_56 : vector<512x512xf32>
    %add3A_58 = arith.addf %sub3A, %mul3A_57 : vector<512x512xf32>
    %reduce_min3A_59 = arith.constant dense<0x7F800000> : vector<512xf32>
    %reduce_min3A_60 = vector.multi_reduction <minimumf>, %add3A_58, %reduce_min3A_59 [1] : vector<512x512xf32> to vector<512xf32>
    %broadcast_in_dim3A_61 = vector.shape_cast %reduce_min3A_60 : vector<512xf32> to vector<512x1xf32>
    %eq3A_62 = vector.broadcast %broadcast_in_dim3A_61 : vector<512x1xf32> to vector<512x512xf32>
    %eq3A_63 = arith.cmpf oeq, %add3A_58, %eq3A_62 : vector<512x512xf32>
    %jit3A_64 = arith.constant 512 : i32
    %broadcast_in_dim3A_65 = vector.broadcast %jit3A_64 : i32 to vector<512x512xi32>
    %select_n3A_66 = arith.select %eq3A_63, %iota3A, %broadcast_in_dim3A_65 : vector<512x512xi1>, vector<512x512xi32>
    %reduce_min3A_67 = arith.constant dense<2147483647> : vector<512xi32>
    %reduce_min3A_68 = vector.multi_reduction <minsi>, %select_n3A_66, %reduce_min3A_67 [1] : vector<512x512xi32> to vector<512xi32>
    %broadcast_in_dim3A_69 = vector.shape_cast %reduce_min3A_68 : vector<512xi32> to vector<512x1xi32>
    %eq3A_70 = vector.broadcast %broadcast_in_dim3A_69 : vector<512x1xi32> to vector<512x512xi32>
    %eq3A_71 = arith.cmpi eq, %iota3A, %eq3A_70 : vector<512x512xi32>
    %convert_element_type3A_72 = arith.extui %eq3A_71 : vector<512x512xi1> to vector<512x512xi32>
    %convert_element_type3A_73 = arith.sitofp %convert_element_type3A_72 : vector<512x512xi32> to vector<512x512xf32>
    %dot_general3A_74 = arith.constant dense<0.000000e+00> : vector<512x5xf32>
    %dot_general3A_75 = tpu.matmul %convert_element_type3A_73, %div3A_21, %dot_general3A_74 {dimension_numbers = #tpu.dot_dimension_numbers<[1], [0], [0], [1], [0, 0, 1, 1], [], []>, transpose_lhs_hint = false} : vector<512x512xf32>, vector<512x5xf32>, vector<512x5xf32> -> vector<512x5xf32>
    %get3A_76 = arith.constant 1 : index
    %get3A_77 = arith.constant 0 : index
    %get3A_78 = arith.constant 0 : index
    %get3A_79 = vector.load %arg3[%get3A_76, %get3A_77, %get3A_78] : memref<20x5x150xf32, #tpu.memory_space<vmem>>, vector<1x5x150xf32>
    %get3A_80 = vector.shape_cast %get3A_79 : vector<1x5x150xf32> to vector<5x150xf32>
    %dot_general3A_81 = arith.constant dense<0.000000e+00> : vector<512x150xf32>
    %dot_general3A_82 = tpu.matmul %dot_general3A_75, %get3A_80, %dot_general3A_81 {dimension_numbers = #tpu.dot_dimension_numbers<[1], [0], [0], [1], [0, 0, 1, 1], [], []>, transpose_lhs_hint = false} : vector<512x5xf32>, vector<5x150xf32>, vector<512x150xf32> -> vector<512x150xf32>
    %add3A_83 = arith.addf %add3A_54, %dot_general3A_82 : vector<512x150xf32>
    %mul3A_84 = arith.constant 1.000000e+30 : f32
    %mul3A_85 = vector.broadcast %mul3A_84 : f32 to vector<512x512xf32>
    %mul3A_86 = arith.mulf %convert_element_type3A_73, %mul3A_85 : vector<512x512xf32>
    %add3A_87 = arith.addf %add3A_58, %mul3A_86 : vector<512x512xf32>
    %reduce_min3A_88 = arith.constant dense<0x7F800000> : vector<512xf32>
    %reduce_min3A_89 = vector.multi_reduction <minimumf>, %add3A_87, %reduce_min3A_88 [1] : vector<512x512xf32> to vector<512xf32>
    %broadcast_in_dim3A_90 = vector.shape_cast %reduce_min3A_89 : vector<512xf32> to vector<512x1xf32>
    %eq3A_91 = vector.broadcast %broadcast_in_dim3A_90 : vector<512x1xf32> to vector<512x512xf32>
    %eq3A_92 = arith.cmpf oeq, %add3A_87, %eq3A_91 : vector<512x512xf32>
    %jit3A_93 = arith.constant 512 : i32
    %broadcast_in_dim3A_94 = vector.broadcast %jit3A_93 : i32 to vector<512x512xi32>
    %select_n3A_95 = arith.select %eq3A_92, %iota3A, %broadcast_in_dim3A_94 : vector<512x512xi1>, vector<512x512xi32>
    %reduce_min3A_96 = arith.constant dense<2147483647> : vector<512xi32>
    %reduce_min3A_97 = vector.multi_reduction <minsi>, %select_n3A_95, %reduce_min3A_96 [1] : vector<512x512xi32> to vector<512xi32>
    %broadcast_in_dim3A_98 = vector.shape_cast %reduce_min3A_97 : vector<512xi32> to vector<512x1xi32>
    %eq3A_99 = vector.broadcast %broadcast_in_dim3A_98 : vector<512x1xi32> to vector<512x512xi32>
    %eq3A_100 = arith.cmpi eq, %iota3A, %eq3A_99 : vector<512x512xi32>
    %convert_element_type3A_101 = arith.extui %eq3A_100 : vector<512x512xi1> to vector<512x512xi32>
    %convert_element_type3A_102 = arith.sitofp %convert_element_type3A_101 : vector<512x512xi32> to vector<512x512xf32>
    %dot_general3A_103 = arith.constant dense<0.000000e+00> : vector<512x5xf32>
    %dot_general3A_104 = tpu.matmul %convert_element_type3A_102, %div3A_21, %dot_general3A_103 {dimension_numbers = #tpu.dot_dimension_numbers<[1], [0], [0], [1], [0, 0, 1, 1], [], []>, transpose_lhs_hint = false} : vector<512x512xf32>, vector<512x5xf32>, vector<512x5xf32> -> vector<512x5xf32>
    %get3A_105 = arith.constant 2 : index
    %get3A_106 = arith.constant 0 : index
    %get3A_107 = arith.constant 0 : index
    %get3A_108 = vector.load %arg3[%get3A_105, %get3A_106, %get3A_107] : memref<20x5x150xf32, #tpu.memory_space<vmem>>, vector<1x5x150xf32>
    %get3A_109 = vector.shape_cast %get3A_108 : vector<1x5x150xf32> to vector<5x150xf32>
    %dot_general3A_110 = arith.constant dense<0.000000e+00> : vector<512x150xf32>
    %dot_general3A_111 = tpu.matmul %dot_general3A_104, %get3A_109, %dot_general3A_110 {dimension_numbers = #tpu.dot_dimension_numbers<[1], [0], [0], [1], [0, 0, 1, 1], [], []>, transpose_lhs_hint = false} : vector<512x5xf32>, vector<5x150xf32>, vector<512x150xf32> -> vector<512x150xf32>
    %add3A_112 = arith.addf %add3A_83, %dot_general3A_111 : vector<512x150xf32>
    %mul3A_113 = arith.constant 1.000000e+30 : f32
    %mul3A_114 = vector.broadcast %mul3A_113 : f32 to vector<512x512xf32>
    %mul3A_115 = arith.mulf %convert_element_type3A_102, %mul3A_114 : vector<512x512xf32>
    %add3A_116 = arith.addf %add3A_87, %mul3A_115 : vector<512x512xf32>
    %reduce_min3A_117 = arith.constant dense<0x7F800000> : vector<512xf32>
    %reduce_min3A_118 = vector.multi_reduction <minimumf>, %add3A_116, %reduce_min3A_117 [1] : vector<512x512xf32> to vector<512xf32>
    %broadcast_in_dim3A_119 = vector.shape_cast %reduce_min3A_118 : vector<512xf32> to vector<512x1xf32>
    %eq3A_120 = vector.broadcast %broadcast_in_dim3A_119 : vector<512x1xf32> to vector<512x512xf32>
    %eq3A_121 = arith.cmpf oeq, %add3A_116, %eq3A_120 : vector<512x512xf32>
    %jit3A_122 = arith.constant 512 : i32
    %broadcast_in_dim3A_123 = vector.broadcast %jit3A_122 : i32 to vector<512x512xi32>
    %select_n3A_124 = arith.select %eq3A_121, %iota3A, %broadcast_in_dim3A_123 : vector<512x512xi1>, vector<512x512xi32>
    %reduce_min3A_125 = arith.constant dense<2147483647> : vector<512xi32>
    %reduce_min3A_126 = vector.multi_reduction <minsi>, %select_n3A_124, %reduce_min3A_125 [1] : vector<512x512xi32> to vector<512xi32>
    %broadcast_in_dim3A_127 = vector.shape_cast %reduce_min3A_126 : vector<512xi32> to vector<512x1xi32>
    %eq3A_128 = vector.broadcast %broadcast_in_dim3A_127 : vector<512x1xi32> to vector<512x512xi32>
    %eq3A_129 = arith.cmpi eq, %iota3A, %eq3A_128 : vector<512x512xi32>
    %convert_element_type3A_130 = arith.extui %eq3A_129 : vector<512x512xi1> to vector<512x512xi32>
    %convert_element_type3A_131 = arith.sitofp %convert_element_type3A_130 : vector<512x512xi32> to vector<512x512xf32>
    %dot_general3A_132 = arith.constant dense<0.000000e+00> : vector<512x5xf32>
    %dot_general3A_133 = tpu.matmul %convert_element_type3A_131, %div3A_21, %dot_general3A_132 {dimension_numbers = #tpu.dot_dimension_numbers<[1], [0], [0], [1], [0, 0, 1, 1], [], []>, transpose_lhs_hint = false} : vector<512x512xf32>, vector<512x5xf32>, vector<512x5xf32> -> vector<512x5xf32>
    %get3A_134 = arith.constant 3 : index
    %get3A_135 = arith.constant 0 : index
    %get3A_136 = arith.constant 0 : index
    %get3A_137 = vector.load %arg3[%get3A_134, %get3A_135, %get3A_136] : memref<20x5x150xf32, #tpu.memory_space<vmem>>, vector<1x5x150xf32>
    %get3A_138 = vector.shape_cast %get3A_137 : vector<1x5x150xf32> to vector<5x150xf32>
    %dot_general3A_139 = arith.constant dense<0.000000e+00> : vector<512x150xf32>
    %dot_general3A_140 = tpu.matmul %dot_general3A_133, %get3A_138, %dot_general3A_139 {dimension_numbers = #tpu.dot_dimension_numbers<[1], [0], [0], [1], [0, 0, 1, 1], [], []>, transpose_lhs_hint = false} : vector<512x5xf32>, vector<5x150xf32>, vector<512x150xf32> -> vector<512x150xf32>
    %add3A_141 = arith.addf %add3A_112, %dot_general3A_140 : vector<512x150xf32>
    %mul3A_142 = arith.constant 1.000000e+30 : f32
    %mul3A_143 = vector.broadcast %mul3A_142 : f32 to vector<512x512xf32>
    %mul3A_144 = arith.mulf %convert_element_type3A_131, %mul3A_143 : vector<512x512xf32>
    %add3A_145 = arith.addf %add3A_116, %mul3A_144 : vector<512x512xf32>
    %reduce_min3A_146 = arith.constant dense<0x7F800000> : vector<512xf32>
    %reduce_min3A_147 = vector.multi_reduction <minimumf>, %add3A_145, %reduce_min3A_146 [1] : vector<512x512xf32> to vector<512xf32>
    %broadcast_in_dim3A_148 = vector.shape_cast %reduce_min3A_147 : vector<512xf32> to vector<512x1xf32>
    %eq3A_149 = vector.broadcast %broadcast_in_dim3A_148 : vector<512x1xf32> to vector<512x512xf32>
    %eq3A_150 = arith.cmpf oeq, %add3A_145, %eq3A_149 : vector<512x512xf32>
    %jit3A_151 = arith.constant 512 : i32
    %broadcast_in_dim3A_152 = vector.broadcast %jit3A_151 : i32 to vector<512x512xi32>
    %select_n3A_153 = arith.select %eq3A_150, %iota3A, %broadcast_in_dim3A_152 : vector<512x512xi1>, vector<512x512xi32>
    %reduce_min3A_154 = arith.constant dense<2147483647> : vector<512xi32>
    %reduce_min3A_155 = vector.multi_reduction <minsi>, %select_n3A_153, %reduce_min3A_154 [1] : vector<512x512xi32> to vector<512xi32>
    %broadcast_in_dim3A_156 = vector.shape_cast %reduce_min3A_155 : vector<512xi32> to vector<512x1xi32>
    %eq3A_157 = vector.broadcast %broadcast_in_dim3A_156 : vector<512x1xi32> to vector<512x512xi32>
    %eq3A_158 = arith.cmpi eq, %iota3A, %eq3A_157 : vector<512x512xi32>
    %convert_element_type3A_159 = arith.extui %eq3A_158 : vector<512x512xi1> to vector<512x512xi32>
    %convert_element_type3A_160 = arith.sitofp %convert_element_type3A_159 : vector<512x512xi32> to vector<512x512xf32>
    %dot_general3A_161 = arith.constant dense<0.000000e+00> : vector<512x5xf32>
    %dot_general3A_162 = tpu.matmul %convert_element_type3A_160, %div3A_21, %dot_general3A_161 {dimension_numbers = #tpu.dot_dimension_numbers<[1], [0], [0], [1], [0, 0, 1, 1], [], []>, transpose_lhs_hint = false} : vector<512x512xf32>, vector<512x5xf32>, vector<512x5xf32> -> vector<512x5xf32>
    %get3A_163 = arith.constant 4 : index
    %get3A_164 = arith.constant 0 : index
    %get3A_165 = arith.constant 0 : index
    %get3A_166 = vector.load %arg3[%get3A_163, %get3A_164, %get3A_165] : memref<20x5x150xf32, #tpu.memory_space<vmem>>, vector<1x5x150xf32>
    %get3A_167 = vector.shape_cast %get3A_166 : vector<1x5x150xf32> to vector<5x150xf32>
    %dot_general3A_168 = arith.constant dense<0.000000e+00> : vector<512x150xf32>
    %dot_general3A_169 = tpu.matmul %dot_general3A_162, %get3A_167, %dot_general3A_168 {dimension_numbers = #tpu.dot_dimension_numbers<[1], [0], [0], [1], [0, 0, 1, 1], [], []>, transpose_lhs_hint = false} : vector<512x5xf32>, vector<5x150xf32>, vector<512x150xf32> -> vector<512x150xf32>
    %add3A_170 = arith.addf %add3A_141, %dot_general3A_169 : vector<512x150xf32>
    %mul3A_171 = arith.constant 1.000000e+30 : f32
    %mul3A_172 = vector.broadcast %mul3A_171 : f32 to vector<512x512xf32>
    %mul3A_173 = arith.mulf %convert_element_type3A_160, %mul3A_172 : vector<512x512xf32>
    %add3A_174 = arith.addf %add3A_145, %mul3A_173 : vector<512x512xf32>
    %reduce_min3A_175 = arith.constant dense<0x7F800000> : vector<512xf32>
    %reduce_min3A_176 = vector.multi_reduction <minimumf>, %add3A_174, %reduce_min3A_175 [1] : vector<512x512xf32> to vector<512xf32>
    %broadcast_in_dim3A_177 = vector.shape_cast %reduce_min3A_176 : vector<512xf32> to vector<512x1xf32>
    %eq3A_178 = vector.broadcast %broadcast_in_dim3A_177 : vector<512x1xf32> to vector<512x512xf32>
    %eq3A_179 = arith.cmpf oeq, %add3A_174, %eq3A_178 : vector<512x512xf32>
    %jit3A_180 = arith.constant 512 : i32
    %broadcast_in_dim3A_181 = vector.broadcast %jit3A_180 : i32 to vector<512x512xi32>
    %select_n3A_182 = arith.select %eq3A_179, %iota3A, %broadcast_in_dim3A_181 : vector<512x512xi1>, vector<512x512xi32>
    %reduce_min3A_183 = arith.constant dense<2147483647> : vector<512xi32>
    %reduce_min3A_184 = vector.multi_reduction <minsi>, %select_n3A_182, %reduce_min3A_183 [1] : vector<512x512xi32> to vector<512xi32>
    %broadcast_in_dim3A_185 = vector.shape_cast %reduce_min3A_184 : vector<512xi32> to vector<512x1xi32>
    %eq3A_186 = vector.broadcast %broadcast_in_dim3A_185 : vector<512x1xi32> to vector<512x512xi32>
    %eq3A_187 = arith.cmpi eq, %iota3A, %eq3A_186 : vector<512x512xi32>
    %convert_element_type3A_188 = arith.extui %eq3A_187 : vector<512x512xi1> to vector<512x512xi32>
    %convert_element_type3A_189 = arith.sitofp %convert_element_type3A_188 : vector<512x512xi32> to vector<512x512xf32>
    %dot_general3A_190 = arith.constant dense<0.000000e+00> : vector<512x5xf32>
    %dot_general3A_191 = tpu.matmul %convert_element_type3A_189, %div3A_21, %dot_general3A_190 {dimension_numbers = #tpu.dot_dimension_numbers<[1], [0], [0], [1], [0, 0, 1, 1], [], []>, transpose_lhs_hint = false} : vector<512x512xf32>, vector<512x5xf32>, vector<512x5xf32> -> vector<512x5xf32>
    %get3A_192 = arith.constant 5 : index
    %get3A_193 = arith.constant 0 : index
    %get3A_194 = arith.constant 0 : index
    %get3A_195 = vector.load %arg3[%get3A_192, %get3A_193, %get3A_194] : memref<20x5x150xf32, #tpu.memory_space<vmem>>, vector<1x5x150xf32>
    %get3A_196 = vector.shape_cast %get3A_195 : vector<1x5x150xf32> to vector<5x150xf32>
    %dot_general3A_197 = arith.constant dense<0.000000e+00> : vector<512x150xf32>
    %dot_general3A_198 = tpu.matmul %dot_general3A_191, %get3A_196, %dot_general3A_197 {dimension_numbers = #tpu.dot_dimension_numbers<[1], [0], [0], [1], [0, 0, 1, 1], [], []>, transpose_lhs_hint = false} : vector<512x5xf32>, vector<5x150xf32>, vector<512x150xf32> -> vector<512x150xf32>
    %add3A_199 = arith.addf %add3A_170, %dot_general3A_198 : vector<512x150xf32>
    %mul3A_200 = arith.constant 1.000000e+30 : f32
    %mul3A_201 = vector.broadcast %mul3A_200 : f32 to vector<512x512xf32>
    %mul3A_202 = arith.mulf %convert_element_type3A_189, %mul3A_201 : vector<512x512xf32>
    %add3A_203 = arith.addf %add3A_174, %mul3A_202 : vector<512x512xf32>
    %reduce_min3A_204 = arith.constant dense<0x7F800000> : vector<512xf32>
    %reduce_min3A_205 = vector.multi_reduction <minimumf>, %add3A_203, %reduce_min3A_204 [1] : vector<512x512xf32> to vector<512xf32>
    %broadcast_in_dim3A_206 = vector.shape_cast %reduce_min3A_205 : vector<512xf32> to vector<512x1xf32>
    %eq3A_207 = vector.broadcast %broadcast_in_dim3A_206 : vector<512x1xf32> to vector<512x512xf32>
    %eq3A_208 = arith.cmpf oeq, %add3A_203, %eq3A_207 : vector<512x512xf32>
    %jit3A_209 = arith.constant 512 : i32
    %broadcast_in_dim3A_210 = vector.broadcast %jit3A_209 : i32 to vector<512x512xi32>
    %select_n3A_211 = arith.select %eq3A_208, %iota3A, %broadcast_in_dim3A_210 : vector<512x512xi1>, vector<512x512xi32>
    %reduce_min3A_212 = arith.constant dense<2147483647> : vector<512xi32>
    %reduce_min3A_213 = vector.multi_reduction <minsi>, %select_n3A_211, %reduce_min3A_212 [1] : vector<512x512xi32> to vector<512xi32>
    %broadcast_in_dim3A_214 = vector.shape_cast %reduce_min3A_213 : vector<512xi32> to vector<512x1xi32>
    %eq3A_215 = vector.broadcast %broadcast_in_dim3A_214 : vector<512x1xi32> to vector<512x512xi32>
    %eq3A_216 = arith.cmpi eq, %iota3A, %eq3A_215 : vector<512x512xi32>
    %convert_element_type3A_217 = arith.extui %eq3A_216 : vector<512x512xi1> to vector<512x512xi32>
    %convert_element_type3A_218 = arith.sitofp %convert_element_type3A_217 : vector<512x512xi32> to vector<512x512xf32>
    %dot_general3A_219 = arith.constant dense<0.000000e+00> : vector<512x5xf32>
    %dot_general3A_220 = tpu.matmul %convert_element_type3A_218, %div3A_21, %dot_general3A_219 {dimension_numbers = #tpu.dot_dimension_numbers<[1], [0], [0], [1], [0, 0, 1, 1], [], []>, transpose_lhs_hint = false} : vector<512x512xf32>, vector<512x5xf32>, vector<512x5xf32> -> vector<512x5xf32>
    %get3A_221 = arith.constant 6 : index
    %get3A_222 = arith.constant 0 : index
    %get3A_223 = arith.constant 0 : index
    %get3A_224 = vector.load %arg3[%get3A_221, %get3A_222, %get3A_223] : memref<20x5x150xf32, #tpu.memory_space<vmem>>, vector<1x5x150xf32>
    %get3A_225 = vector.shape_cast %get3A_224 : vector<1x5x150xf32> to vector<5x150xf32>
    %dot_general3A_226 = arith.constant dense<0.000000e+00> : vector<512x150xf32>
    %dot_general3A_227 = tpu.matmul %dot_general3A_220, %get3A_225, %dot_general3A_226 {dimension_numbers = #tpu.dot_dimension_numbers<[1], [0], [0], [1], [0, 0, 1, 1], [], []>, transpose_lhs_hint = false} : vector<512x5xf32>, vector<5x150xf32>, vector<512x150xf32> -> vector<512x150xf32>
    %add3A_228 = arith.addf %add3A_199, %dot_general3A_227 : vector<512x150xf32>
    %mul3A_229 = arith.constant 1.000000e+30 : f32
    %mul3A_230 = vector.broadcast %mul3A_229 : f32 to vector<512x512xf32>
    %mul3A_231 = arith.mulf %convert_element_type3A_218, %mul3A_230 : vector<512x512xf32>
    %add3A_232 = arith.addf %add3A_203, %mul3A_231 : vector<512x512xf32>
    %reduce_min3A_233 = arith.constant dense<0x7F800000> : vector<512xf32>
    %reduce_min3A_234 = vector.multi_reduction <minimumf>, %add3A_232, %reduce_min3A_233 [1] : vector<512x512xf32> to vector<512xf32>
    %broadcast_in_dim3A_235 = vector.shape_cast %reduce_min3A_234 : vector<512xf32> to vector<512x1xf32>
    %eq3A_236 = vector.broadcast %broadcast_in_dim3A_235 : vector<512x1xf32> to vector<512x512xf32>
    %eq3A_237 = arith.cmpf oeq, %add3A_232, %eq3A_236 : vector<512x512xf32>
    %jit3A_238 = arith.constant 512 : i32
    %broadcast_in_dim3A_239 = vector.broadcast %jit3A_238 : i32 to vector<512x512xi32>
    %select_n3A_240 = arith.select %eq3A_237, %iota3A, %broadcast_in_dim3A_239 : vector<512x512xi1>, vector<512x512xi32>
    %reduce_min3A_241 = arith.constant dense<2147483647> : vector<512xi32>
    %reduce_min3A_242 = vector.multi_reduction <minsi>, %select_n3A_240, %reduce_min3A_241 [1] : vector<512x512xi32> to vector<512xi32>
    %broadcast_in_dim3A_243 = vector.shape_cast %reduce_min3A_242 : vector<512xi32> to vector<512x1xi32>
    %eq3A_244 = vector.broadcast %broadcast_in_dim3A_243 : vector<512x1xi32> to vector<512x512xi32>
    %eq3A_245 = arith.cmpi eq, %iota3A, %eq3A_244 : vector<512x512xi32>
    %convert_element_type3A_246 = arith.extui %eq3A_245 : vector<512x512xi1> to vector<512x512xi32>
    %convert_element_type3A_247 = arith.sitofp %convert_element_type3A_246 : vector<512x512xi32> to vector<512x512xf32>
    %dot_general3A_248 = arith.constant dense<0.000000e+00> : vector<512x5xf32>
    %dot_general3A_249 = tpu.matmul %convert_element_type3A_247, %div3A_21, %dot_general3A_248 {dimension_numbers = #tpu.dot_dimension_numbers<[1], [0], [0], [1], [0, 0, 1, 1], [], []>, transpose_lhs_hint = false} : vector<512x512xf32>, vector<512x5xf32>, vector<512x5xf32> -> vector<512x5xf32>
    %get3A_250 = arith.constant 7 : index
    %get3A_251 = arith.constant 0 : index
    %get3A_252 = arith.constant 0 : index
    %get3A_253 = vector.load %arg3[%get3A_250, %get3A_251, %get3A_252] : memref<20x5x150xf32, #tpu.memory_space<vmem>>, vector<1x5x150xf32>
    %get3A_254 = vector.shape_cast %get3A_253 : vector<1x5x150xf32> to vector<5x150xf32>
    %dot_general3A_255 = arith.constant dense<0.000000e+00> : vector<512x150xf32>
    %dot_general3A_256 = tpu.matmul %dot_general3A_249, %get3A_254, %dot_general3A_255 {dimension_numbers = #tpu.dot_dimension_numbers<[1], [0], [0], [1], [0, 0, 1, 1], [], []>, transpose_lhs_hint = false} : vector<512x5xf32>, vector<5x150xf32>, vector<512x150xf32> -> vector<512x150xf32>
    %add3A_257 = arith.addf %add3A_228, %dot_general3A_256 : vector<512x150xf32>
    %mul3A_258 = arith.constant 1.000000e+30 : f32
    %mul3A_259 = vector.broadcast %mul3A_258 : f32 to vector<512x512xf32>
    %mul3A_260 = arith.mulf %convert_element_type3A_247, %mul3A_259 : vector<512x512xf32>
    %add3A_261 = arith.addf %add3A_232, %mul3A_260 : vector<512x512xf32>
    %reduce_min3A_262 = arith.constant dense<0x7F800000> : vector<512xf32>
    %reduce_min3A_263 = vector.multi_reduction <minimumf>, %add3A_261, %reduce_min3A_262 [1] : vector<512x512xf32> to vector<512xf32>
    %broadcast_in_dim3A_264 = vector.shape_cast %reduce_min3A_263 : vector<512xf32> to vector<512x1xf32>
    %eq3A_265 = vector.broadcast %broadcast_in_dim3A_264 : vector<512x1xf32> to vector<512x512xf32>
    %eq3A_266 = arith.cmpf oeq, %add3A_261, %eq3A_265 : vector<512x512xf32>
    %jit3A_267 = arith.constant 512 : i32
    %broadcast_in_dim3A_268 = vector.broadcast %jit3A_267 : i32 to vector<512x512xi32>
    %select_n3A_269 = arith.select %eq3A_266, %iota3A, %broadcast_in_dim3A_268 : vector<512x512xi1>, vector<512x512xi32>
    %reduce_min3A_270 = arith.constant dense<2147483647> : vector<512xi32>
    %reduce_min3A_271 = vector.multi_reduction <minsi>, %select_n3A_269, %reduce_min3A_270 [1] : vector<512x512xi32> to vector<512xi32>
    %broadcast_in_dim3A_272 = vector.shape_cast %reduce_min3A_271 : vector<512xi32> to vector<512x1xi32>
    %eq3A_273 = vector.broadcast %broadcast_in_dim3A_272 : vector<512x1xi32> to vector<512x512xi32>
    %eq3A_274 = arith.cmpi eq, %iota3A, %eq3A_273 : vector<512x512xi32>
    %convert_element_type3A_275 = arith.extui %eq3A_274 : vector<512x512xi1> to vector<512x512xi32>
    %convert_element_type3A_276 = arith.sitofp %convert_element_type3A_275 : vector<512x512xi32> to vector<512x512xf32>
    %dot_general3A_277 = arith.constant dense<0.000000e+00> : vector<512x5xf32>
    %dot_general3A_278 = tpu.matmul %convert_element_type3A_276, %div3A_21, %dot_general3A_277 {dimension_numbers = #tpu.dot_dimension_numbers<[1], [0], [0], [1], [0, 0, 1, 1], [], []>, transpose_lhs_hint = false} : vector<512x512xf32>, vector<512x5xf32>, vector<512x5xf32> -> vector<512x5xf32>
    %get3A_279 = arith.constant 8 : index
    %get3A_280 = arith.constant 0 : index
    %get3A_281 = arith.constant 0 : index
    %get3A_282 = vector.load %arg3[%get3A_279, %get3A_280, %get3A_281] : memref<20x5x150xf32, #tpu.memory_space<vmem>>, vector<1x5x150xf32>
    %get3A_283 = vector.shape_cast %get3A_282 : vector<1x5x150xf32> to vector<5x150xf32>
    %dot_general3A_284 = arith.constant dense<0.000000e+00> : vector<512x150xf32>
    %dot_general3A_285 = tpu.matmul %dot_general3A_278, %get3A_283, %dot_general3A_284 {dimension_numbers = #tpu.dot_dimension_numbers<[1], [0], [0], [1], [0, 0, 1, 1], [], []>, transpose_lhs_hint = false} : vector<512x5xf32>, vector<5x150xf32>, vector<512x150xf32> -> vector<512x150xf32>
    %add3A_286 = arith.addf %add3A_257, %dot_general3A_285 : vector<512x150xf32>
    %mul3A_287 = arith.constant 1.000000e+30 : f32
    %mul3A_288 = vector.broadcast %mul3A_287 : f32 to vector<512x512xf32>
    %mul3A_289 = arith.mulf %convert_element_type3A_276, %mul3A_288 : vector<512x512xf32>
    %add3A_290 = arith.addf %add3A_261, %mul3A_289 : vector<512x512xf32>
    %reduce_min3A_291 = arith.constant dense<0x7F800000> : vector<512xf32>
    %reduce_min3A_292 = vector.multi_reduction <minimumf>, %add3A_290, %reduce_min3A_291 [1] : vector<512x512xf32> to vector<512xf32>
    %broadcast_in_dim3A_293 = vector.shape_cast %reduce_min3A_292 : vector<512xf32> to vector<512x1xf32>
    %eq3A_294 = vector.broadcast %broadcast_in_dim3A_293 : vector<512x1xf32> to vector<512x512xf32>
    %eq3A_295 = arith.cmpf oeq, %add3A_290, %eq3A_294 : vector<512x512xf32>
    %jit3A_296 = arith.constant 512 : i32
    %broadcast_in_dim3A_297 = vector.broadcast %jit3A_296 : i32 to vector<512x512xi32>
    %select_n3A_298 = arith.select %eq3A_295, %iota3A, %broadcast_in_dim3A_297 : vector<512x512xi1>, vector<512x512xi32>
    %reduce_min3A_299 = arith.constant dense<2147483647> : vector<512xi32>
    %reduce_min3A_300 = vector.multi_reduction <minsi>, %select_n3A_298, %reduce_min3A_299 [1] : vector<512x512xi32> to vector<512xi32>
    %broadcast_in_dim3A_301 = vector.shape_cast %reduce_min3A_300 : vector<512xi32> to vector<512x1xi32>
    %eq3A_302 = vector.broadcast %broadcast_in_dim3A_301 : vector<512x1xi32> to vector<512x512xi32>
    %eq3A_303 = arith.cmpi eq, %iota3A, %eq3A_302 : vector<512x512xi32>
    %convert_element_type3A_304 = arith.extui %eq3A_303 : vector<512x512xi1> to vector<512x512xi32>
    %convert_element_type3A_305 = arith.sitofp %convert_element_type3A_304 : vector<512x512xi32> to vector<512x512xf32>
    %dot_general3A_306 = arith.constant dense<0.000000e+00> : vector<512x5xf32>
    %dot_general3A_307 = tpu.matmul %convert_element_type3A_305, %div3A_21, %dot_general3A_306 {dimension_numbers = #tpu.dot_dimension_numbers<[1], [0], [0], [1], [0, 0, 1, 1], [], []>, transpose_lhs_hint = false} : vector<512x512xf32>, vector<512x5xf32>, vector<512x5xf32> -> vector<512x5xf32>
    %get3A_308 = arith.constant 9 : index
    %get3A_309 = arith.constant 0 : index
    %get3A_310 = arith.constant 0 : index
    %get3A_311 = vector.load %arg3[%get3A_308, %get3A_309, %get3A_310] : memref<20x5x150xf32, #tpu.memory_space<vmem>>, vector<1x5x150xf32>
    %get3A_312 = vector.shape_cast %get3A_311 : vector<1x5x150xf32> to vector<5x150xf32>
    %dot_general3A_313 = arith.constant dense<0.000000e+00> : vector<512x150xf32>
    %dot_general3A_314 = tpu.matmul %dot_general3A_307, %get3A_312, %dot_general3A_313 {dimension_numbers = #tpu.dot_dimension_numbers<[1], [0], [0], [1], [0, 0, 1, 1], [], []>, transpose_lhs_hint = false} : vector<512x5xf32>, vector<5x150xf32>, vector<512x150xf32> -> vector<512x150xf32>
    %add3A_315 = arith.addf %add3A_286, %dot_general3A_314 : vector<512x150xf32>
    %mul3A_316 = arith.constant 1.000000e+30 : f32
    %mul3A_317 = vector.broadcast %mul3A_316 : f32 to vector<512x512xf32>
    %mul3A_318 = arith.mulf %convert_element_type3A_305, %mul3A_317 : vector<512x512xf32>
    %add3A_319 = arith.addf %add3A_290, %mul3A_318 : vector<512x512xf32>
    %reduce_min3A_320 = arith.constant dense<0x7F800000> : vector<512xf32>
    %reduce_min3A_321 = vector.multi_reduction <minimumf>, %add3A_319, %reduce_min3A_320 [1] : vector<512x512xf32> to vector<512xf32>
    %broadcast_in_dim3A_322 = vector.shape_cast %reduce_min3A_321 : vector<512xf32> to vector<512x1xf32>
    %eq3A_323 = vector.broadcast %broadcast_in_dim3A_322 : vector<512x1xf32> to vector<512x512xf32>
    %eq3A_324 = arith.cmpf oeq, %add3A_319, %eq3A_323 : vector<512x512xf32>
    %jit3A_325 = arith.constant 512 : i32
    %broadcast_in_dim3A_326 = vector.broadcast %jit3A_325 : i32 to vector<512x512xi32>
    %select_n3A_327 = arith.select %eq3A_324, %iota3A, %broadcast_in_dim3A_326 : vector<512x512xi1>, vector<512x512xi32>
    %reduce_min3A_328 = arith.constant dense<2147483647> : vector<512xi32>
    %reduce_min3A_329 = vector.multi_reduction <minsi>, %select_n3A_327, %reduce_min3A_328 [1] : vector<512x512xi32> to vector<512xi32>
    %broadcast_in_dim3A_330 = vector.shape_cast %reduce_min3A_329 : vector<512xi32> to vector<512x1xi32>
    %eq3A_331 = vector.broadcast %broadcast_in_dim3A_330 : vector<512x1xi32> to vector<512x512xi32>
    %eq3A_332 = arith.cmpi eq, %iota3A, %eq3A_331 : vector<512x512xi32>
    %convert_element_type3A_333 = arith.extui %eq3A_332 : vector<512x512xi1> to vector<512x512xi32>
    %convert_element_type3A_334 = arith.sitofp %convert_element_type3A_333 : vector<512x512xi32> to vector<512x512xf32>
    %dot_general3A_335 = arith.constant dense<0.000000e+00> : vector<512x5xf32>
    %dot_general3A_336 = tpu.matmul %convert_element_type3A_334, %div3A_21, %dot_general3A_335 {dimension_numbers = #tpu.dot_dimension_numbers<[1], [0], [0], [1], [0, 0, 1, 1], [], []>, transpose_lhs_hint = false} : vector<512x512xf32>, vector<512x5xf32>, vector<512x5xf32> -> vector<512x5xf32>
    %get3A_337 = arith.constant 10 : index
    %get3A_338 = arith.constant 0 : index
    %get3A_339 = arith.constant 0 : index
    %get3A_340 = vector.load %arg3[%get3A_337, %get3A_338, %get3A_339] : memref<20x5x150xf32, #tpu.memory_space<vmem>>, vector<1x5x150xf32>
    %get3A_341 = vector.shape_cast %get3A_340 : vector<1x5x150xf32> to vector<5x150xf32>
    %dot_general3A_342 = arith.constant dense<0.000000e+00> : vector<512x150xf32>
    %dot_general3A_343 = tpu.matmul %dot_general3A_336, %get3A_341, %dot_general3A_342 {dimension_numbers = #tpu.dot_dimension_numbers<[1], [0], [0], [1], [0, 0, 1, 1], [], []>, transpose_lhs_hint = false} : vector<512x5xf32>, vector<5x150xf32>, vector<512x150xf32> -> vector<512x150xf32>
    %add3A_344 = arith.addf %add3A_315, %dot_general3A_343 : vector<512x150xf32>
    %mul3A_345 = arith.constant 1.000000e+30 : f32
    %mul3A_346 = vector.broadcast %mul3A_345 : f32 to vector<512x512xf32>
    %mul3A_347 = arith.mulf %convert_element_type3A_334, %mul3A_346 : vector<512x512xf32>
    %add3A_348 = arith.addf %add3A_319, %mul3A_347 : vector<512x512xf32>
    %reduce_min3A_349 = arith.constant dense<0x7F800000> : vector<512xf32>
    %reduce_min3A_350 = vector.multi_reduction <minimumf>, %add3A_348, %reduce_min3A_349 [1] : vector<512x512xf32> to vector<512xf32>
    %broadcast_in_dim3A_351 = vector.shape_cast %reduce_min3A_350 : vector<512xf32> to vector<512x1xf32>
    %eq3A_352 = vector.broadcast %broadcast_in_dim3A_351 : vector<512x1xf32> to vector<512x512xf32>
    %eq3A_353 = arith.cmpf oeq, %add3A_348, %eq3A_352 : vector<512x512xf32>
    %jit3A_354 = arith.constant 512 : i32
    %broadcast_in_dim3A_355 = vector.broadcast %jit3A_354 : i32 to vector<512x512xi32>
    %select_n3A_356 = arith.select %eq3A_353, %iota3A, %broadcast_in_dim3A_355 : vector<512x512xi1>, vector<512x512xi32>
    %reduce_min3A_357 = arith.constant dense<2147483647> : vector<512xi32>
    %reduce_min3A_358 = vector.multi_reduction <minsi>, %select_n3A_356, %reduce_min3A_357 [1] : vector<512x512xi32> to vector<512xi32>
    %broadcast_in_dim3A_359 = vector.shape_cast %reduce_min3A_358 : vector<512xi32> to vector<512x1xi32>
    %eq3A_360 = vector.broadcast %broadcast_in_dim3A_359 : vector<512x1xi32> to vector<512x512xi32>
    %eq3A_361 = arith.cmpi eq, %iota3A, %eq3A_360 : vector<512x512xi32>
    %convert_element_type3A_362 = arith.extui %eq3A_361 : vector<512x512xi1> to vector<512x512xi32>
    %convert_element_type3A_363 = arith.sitofp %convert_element_type3A_362 : vector<512x512xi32> to vector<512x512xf32>
    %dot_general3A_364 = arith.constant dense<0.000000e+00> : vector<512x5xf32>
    %dot_general3A_365 = tpu.matmul %convert_element_type3A_363, %div3A_21, %dot_general3A_364 {dimension_numbers = #tpu.dot_dimension_numbers<[1], [0], [0], [1], [0, 0, 1, 1], [], []>, transpose_lhs_hint = false} : vector<512x512xf32>, vector<512x5xf32>, vector<512x5xf32> -> vector<512x5xf32>
    %get3A_366 = arith.constant 11 : index
    %get3A_367 = arith.constant 0 : index
    %get3A_368 = arith.constant 0 : index
    %get3A_369 = vector.load %arg3[%get3A_366, %get3A_367, %get3A_368] : memref<20x5x150xf32, #tpu.memory_space<vmem>>, vector<1x5x150xf32>
    %get3A_370 = vector.shape_cast %get3A_369 : vector<1x5x150xf32> to vector<5x150xf32>
    %dot_general3A_371 = arith.constant dense<0.000000e+00> : vector<512x150xf32>
    %dot_general3A_372 = tpu.matmul %dot_general3A_365, %get3A_370, %dot_general3A_371 {dimension_numbers = #tpu.dot_dimension_numbers<[1], [0], [0], [1], [0, 0, 1, 1], [], []>, transpose_lhs_hint = false} : vector<512x5xf32>, vector<5x150xf32>, vector<512x150xf32> -> vector<512x150xf32>
    %add3A_373 = arith.addf %add3A_344, %dot_general3A_372 : vector<512x150xf32>
    %mul3A_374 = arith.constant 1.000000e+30 : f32
    %mul3A_375 = vector.broadcast %mul3A_374 : f32 to vector<512x512xf32>
    %mul3A_376 = arith.mulf %convert_element_type3A_363, %mul3A_375 : vector<512x512xf32>
    %add3A_377 = arith.addf %add3A_348, %mul3A_376 : vector<512x512xf32>
    %reduce_min3A_378 = arith.constant dense<0x7F800000> : vector<512xf32>
    %reduce_min3A_379 = vector.multi_reduction <minimumf>, %add3A_377, %reduce_min3A_378 [1] : vector<512x512xf32> to vector<512xf32>
    %broadcast_in_dim3A_380 = vector.shape_cast %reduce_min3A_379 : vector<512xf32> to vector<512x1xf32>
    %eq3A_381 = vector.broadcast %broadcast_in_dim3A_380 : vector<512x1xf32> to vector<512x512xf32>
    %eq3A_382 = arith.cmpf oeq, %add3A_377, %eq3A_381 : vector<512x512xf32>
    %jit3A_383 = arith.constant 512 : i32
    %broadcast_in_dim3A_384 = vector.broadcast %jit3A_383 : i32 to vector<512x512xi32>
    %select_n3A_385 = arith.select %eq3A_382, %iota3A, %broadcast_in_dim3A_384 : vector<512x512xi1>, vector<512x512xi32>
    %reduce_min3A_386 = arith.constant dense<2147483647> : vector<512xi32>
    %reduce_min3A_387 = vector.multi_reduction <minsi>, %select_n3A_385, %reduce_min3A_386 [1] : vector<512x512xi32> to vector<512xi32>
    %broadcast_in_dim3A_388 = vector.shape_cast %reduce_min3A_387 : vector<512xi32> to vector<512x1xi32>
    %eq3A_389 = vector.broadcast %broadcast_in_dim3A_388 : vector<512x1xi32> to vector<512x512xi32>
    %eq3A_390 = arith.cmpi eq, %iota3A, %eq3A_389 : vector<512x512xi32>
    %convert_element_type3A_391 = arith.extui %eq3A_390 : vector<512x512xi1> to vector<512x512xi32>
    %convert_element_type3A_392 = arith.sitofp %convert_element_type3A_391 : vector<512x512xi32> to vector<512x512xf32>
    %dot_general3A_393 = arith.constant dense<0.000000e+00> : vector<512x5xf32>
    %dot_general3A_394 = tpu.matmul %convert_element_type3A_392, %div3A_21, %dot_general3A_393 {dimension_numbers = #tpu.dot_dimension_numbers<[1], [0], [0], [1], [0, 0, 1, 1], [], []>, transpose_lhs_hint = false} : vector<512x512xf32>, vector<512x5xf32>, vector<512x5xf32> -> vector<512x5xf32>
    %get3A_395 = arith.constant 12 : index
    %get3A_396 = arith.constant 0 : index
    %get3A_397 = arith.constant 0 : index
    %get3A_398 = vector.load %arg3[%get3A_395, %get3A_396, %get3A_397] : memref<20x5x150xf32, #tpu.memory_space<vmem>>, vector<1x5x150xf32>
    %get3A_399 = vector.shape_cast %get3A_398 : vector<1x5x150xf32> to vector<5x150xf32>
    %dot_general3A_400 = arith.constant dense<0.000000e+00> : vector<512x150xf32>
    %dot_general3A_401 = tpu.matmul %dot_general3A_394, %get3A_399, %dot_general3A_400 {dimension_numbers = #tpu.dot_dimension_numbers<[1], [0], [0], [1], [0, 0, 1, 1], [], []>, transpose_lhs_hint = false} : vector<512x5xf32>, vector<5x150xf32>, vector<512x150xf32> -> vector<512x150xf32>
    %add3A_402 = arith.addf %add3A_373, %dot_general3A_401 : vector<512x150xf32>
    %mul3A_403 = arith.constant 1.000000e+30 : f32
    %mul3A_404 = vector.broadcast %mul3A_403 : f32 to vector<512x512xf32>
    %mul3A_405 = arith.mulf %convert_element_type3A_392, %mul3A_404 : vector<512x512xf32>
    %add3A_406 = arith.addf %add3A_377, %mul3A_405 : vector<512x512xf32>
    %reduce_min3A_407 = arith.constant dense<0x7F800000> : vector<512xf32>
    %reduce_min3A_408 = vector.multi_reduction <minimumf>, %add3A_406, %reduce_min3A_407 [1] : vector<512x512xf32> to vector<512xf32>
    %broadcast_in_dim3A_409 = vector.shape_cast %reduce_min3A_408 : vector<512xf32> to vector<512x1xf32>
    %eq3A_410 = vector.broadcast %broadcast_in_dim3A_409 : vector<512x1xf32> to vector<512x512xf32>
    %eq3A_411 = arith.cmpf oeq, %add3A_406, %eq3A_410 : vector<512x512xf32>
    %jit3A_412 = arith.constant 512 : i32
    %broadcast_in_dim3A_413 = vector.broadcast %jit3A_412 : i32 to vector<512x512xi32>
    %select_n3A_414 = arith.select %eq3A_411, %iota3A, %broadcast_in_dim3A_413 : vector<512x512xi1>, vector<512x512xi32>
    %reduce_min3A_415 = arith.constant dense<2147483647> : vector<512xi32>
    %reduce_min3A_416 = vector.multi_reduction <minsi>, %select_n3A_414, %reduce_min3A_415 [1] : vector<512x512xi32> to vector<512xi32>
    %broadcast_in_dim3A_417 = vector.shape_cast %reduce_min3A_416 : vector<512xi32> to vector<512x1xi32>
    %eq3A_418 = vector.broadcast %broadcast_in_dim3A_417 : vector<512x1xi32> to vector<512x512xi32>
    %eq3A_419 = arith.cmpi eq, %iota3A, %eq3A_418 : vector<512x512xi32>
    %convert_element_type3A_420 = arith.extui %eq3A_419 : vector<512x512xi1> to vector<512x512xi32>
    %convert_element_type3A_421 = arith.sitofp %convert_element_type3A_420 : vector<512x512xi32> to vector<512x512xf32>
    %dot_general3A_422 = arith.constant dense<0.000000e+00> : vector<512x5xf32>
    %dot_general3A_423 = tpu.matmul %convert_element_type3A_421, %div3A_21, %dot_general3A_422 {dimension_numbers = #tpu.dot_dimension_numbers<[1], [0], [0], [1], [0, 0, 1, 1], [], []>, transpose_lhs_hint = false} : vector<512x512xf32>, vector<512x5xf32>, vector<512x5xf32> -> vector<512x5xf32>
    %get3A_424 = arith.constant 13 : index
    %get3A_425 = arith.constant 0 : index
    %get3A_426 = arith.constant 0 : index
    %get3A_427 = vector.load %arg3[%get3A_424, %get3A_425, %get3A_426] : memref<20x5x150xf32, #tpu.memory_space<vmem>>, vector<1x5x150xf32>
    %get3A_428 = vector.shape_cast %get3A_427 : vector<1x5x150xf32> to vector<5x150xf32>
    %dot_general3A_429 = arith.constant dense<0.000000e+00> : vector<512x150xf32>
    %dot_general3A_430 = tpu.matmul %dot_general3A_423, %get3A_428, %dot_general3A_429 {dimension_numbers = #tpu.dot_dimension_numbers<[1], [0], [0], [1], [0, 0, 1, 1], [], []>, transpose_lhs_hint = false} : vector<512x5xf32>, vector<5x150xf32>, vector<512x150xf32> -> vector<512x150xf32>
    %add3A_431 = arith.addf %add3A_402, %dot_general3A_430 : vector<512x150xf32>
    %mul3A_432 = arith.constant 1.000000e+30 : f32
    %mul3A_433 = vector.broadcast %mul3A_432 : f32 to vector<512x512xf32>
    %mul3A_434 = arith.mulf %convert_element_type3A_421, %mul3A_433 : vector<512x512xf32>
    %add3A_435 = arith.addf %add3A_406, %mul3A_434 : vector<512x512xf32>
    %reduce_min3A_436 = arith.constant dense<0x7F800000> : vector<512xf32>
    %reduce_min3A_437 = vector.multi_reduction <minimumf>, %add3A_435, %reduce_min3A_436 [1] : vector<512x512xf32> to vector<512xf32>
    %broadcast_in_dim3A_438 = vector.shape_cast %reduce_min3A_437 : vector<512xf32> to vector<512x1xf32>
    %eq3A_439 = vector.broadcast %broadcast_in_dim3A_438 : vector<512x1xf32> to vector<512x512xf32>
    %eq3A_440 = arith.cmpf oeq, %add3A_435, %eq3A_439 : vector<512x512xf32>
    %jit3A_441 = arith.constant 512 : i32
    %broadcast_in_dim3A_442 = vector.broadcast %jit3A_441 : i32 to vector<512x512xi32>
    %select_n3A_443 = arith.select %eq3A_440, %iota3A, %broadcast_in_dim3A_442 : vector<512x512xi1>, vector<512x512xi32>
    %reduce_min3A_444 = arith.constant dense<2147483647> : vector<512xi32>
    %reduce_min3A_445 = vector.multi_reduction <minsi>, %select_n3A_443, %reduce_min3A_444 [1] : vector<512x512xi32> to vector<512xi32>
    %broadcast_in_dim3A_446 = vector.shape_cast %reduce_min3A_445 : vector<512xi32> to vector<512x1xi32>
    %eq3A_447 = vector.broadcast %broadcast_in_dim3A_446 : vector<512x1xi32> to vector<512x512xi32>
    %eq3A_448 = arith.cmpi eq, %iota3A, %eq3A_447 : vector<512x512xi32>
    %convert_element_type3A_449 = arith.extui %eq3A_448 : vector<512x512xi1> to vector<512x512xi32>
    %convert_element_type3A_450 = arith.sitofp %convert_element_type3A_449 : vector<512x512xi32> to vector<512x512xf32>
    %dot_general3A_451 = arith.constant dense<0.000000e+00> : vector<512x5xf32>
    %dot_general3A_452 = tpu.matmul %convert_element_type3A_450, %div3A_21, %dot_general3A_451 {dimension_numbers = #tpu.dot_dimension_numbers<[1], [0], [0], [1], [0, 0, 1, 1], [], []>, transpose_lhs_hint = false} : vector<512x512xf32>, vector<512x5xf32>, vector<512x5xf32> -> vector<512x5xf32>
    %get3A_453 = arith.constant 14 : index
    %get3A_454 = arith.constant 0 : index
    %get3A_455 = arith.constant 0 : index
    %get3A_456 = vector.load %arg3[%get3A_453, %get3A_454, %get3A_455] : memref<20x5x150xf32, #tpu.memory_space<vmem>>, vector<1x5x150xf32>
    %get3A_457 = vector.shape_cast %get3A_456 : vector<1x5x150xf32> to vector<5x150xf32>
    %dot_general3A_458 = arith.constant dense<0.000000e+00> : vector<512x150xf32>
    %dot_general3A_459 = tpu.matmul %dot_general3A_452, %get3A_457, %dot_general3A_458 {dimension_numbers = #tpu.dot_dimension_numbers<[1], [0], [0], [1], [0, 0, 1, 1], [], []>, transpose_lhs_hint = false} : vector<512x5xf32>, vector<5x150xf32>, vector<512x150xf32> -> vector<512x150xf32>
    %add3A_460 = arith.addf %add3A_431, %dot_general3A_459 : vector<512x150xf32>
    %mul3A_461 = arith.constant 1.000000e+30 : f32
    %mul3A_462 = vector.broadcast %mul3A_461 : f32 to vector<512x512xf32>
    %mul3A_463 = arith.mulf %convert_element_type3A_450, %mul3A_462 : vector<512x512xf32>
    %add3A_464 = arith.addf %add3A_435, %mul3A_463 : vector<512x512xf32>
    %reduce_min3A_465 = arith.constant dense<0x7F800000> : vector<512xf32>
    %reduce_min3A_466 = vector.multi_reduction <minimumf>, %add3A_464, %reduce_min3A_465 [1] : vector<512x512xf32> to vector<512xf32>
    %broadcast_in_dim3A_467 = vector.shape_cast %reduce_min3A_466 : vector<512xf32> to vector<512x1xf32>
    %eq3A_468 = vector.broadcast %broadcast_in_dim3A_467 : vector<512x1xf32> to vector<512x512xf32>
    %eq3A_469 = arith.cmpf oeq, %add3A_464, %eq3A_468 : vector<512x512xf32>
    %jit3A_470 = arith.constant 512 : i32
    %broadcast_in_dim3A_471 = vector.broadcast %jit3A_470 : i32 to vector<512x512xi32>
    %select_n3A_472 = arith.select %eq3A_469, %iota3A, %broadcast_in_dim3A_471 : vector<512x512xi1>, vector<512x512xi32>
    %reduce_min3A_473 = arith.constant dense<2147483647> : vector<512xi32>
    %reduce_min3A_474 = vector.multi_reduction <minsi>, %select_n3A_472, %reduce_min3A_473 [1] : vector<512x512xi32> to vector<512xi32>
    %broadcast_in_dim3A_475 = vector.shape_cast %reduce_min3A_474 : vector<512xi32> to vector<512x1xi32>
    %eq3A_476 = vector.broadcast %broadcast_in_dim3A_475 : vector<512x1xi32> to vector<512x512xi32>
    %eq3A_477 = arith.cmpi eq, %iota3A, %eq3A_476 : vector<512x512xi32>
    %convert_element_type3A_478 = arith.extui %eq3A_477 : vector<512x512xi1> to vector<512x512xi32>
    %convert_element_type3A_479 = arith.sitofp %convert_element_type3A_478 : vector<512x512xi32> to vector<512x512xf32>
    %dot_general3A_480 = arith.constant dense<0.000000e+00> : vector<512x5xf32>
    %dot_general3A_481 = tpu.matmul %convert_element_type3A_479, %div3A_21, %dot_general3A_480 {dimension_numbers = #tpu.dot_dimension_numbers<[1], [0], [0], [1], [0, 0, 1, 1], [], []>, transpose_lhs_hint = false} : vector<512x512xf32>, vector<512x5xf32>, vector<512x5xf32> -> vector<512x5xf32>
    %get3A_482 = arith.constant 15 : index
    %get3A_483 = arith.constant 0 : index
    %get3A_484 = arith.constant 0 : index
    %get3A_485 = vector.load %arg3[%get3A_482, %get3A_483, %get3A_484] : memref<20x5x150xf32, #tpu.memory_space<vmem>>, vector<1x5x150xf32>
    %get3A_486 = vector.shape_cast %get3A_485 : vector<1x5x150xf32> to vector<5x150xf32>
    %dot_general3A_487 = arith.constant dense<0.000000e+00> : vector<512x150xf32>
    %dot_general3A_488 = tpu.matmul %dot_general3A_481, %get3A_486, %dot_general3A_487 {dimension_numbers = #tpu.dot_dimension_numbers<[1], [0], [0], [1], [0, 0, 1, 1], [], []>, transpose_lhs_hint = false} : vector<512x5xf32>, vector<5x150xf32>, vector<512x150xf32> -> vector<512x150xf32>
    %add3A_489 = arith.addf %add3A_460, %dot_general3A_488 : vector<512x150xf32>
    %mul3A_490 = arith.constant 1.000000e+30 : f32
    %mul3A_491 = vector.broadcast %mul3A_490 : f32 to vector<512x512xf32>
    %mul3A_492 = arith.mulf %convert_element_type3A_479, %mul3A_491 : vector<512x512xf32>
    %add3A_493 = arith.addf %add3A_464, %mul3A_492 : vector<512x512xf32>
    %reduce_min3A_494 = arith.constant dense<0x7F800000> : vector<512xf32>
    %reduce_min3A_495 = vector.multi_reduction <minimumf>, %add3A_493, %reduce_min3A_494 [1] : vector<512x512xf32> to vector<512xf32>
    %broadcast_in_dim3A_496 = vector.shape_cast %reduce_min3A_495 : vector<512xf32> to vector<512x1xf32>
    %eq3A_497 = vector.broadcast %broadcast_in_dim3A_496 : vector<512x1xf32> to vector<512x512xf32>
    %eq3A_498 = arith.cmpf oeq, %add3A_493, %eq3A_497 : vector<512x512xf32>
    %jit3A_499 = arith.constant 512 : i32
    %broadcast_in_dim3A_500 = vector.broadcast %jit3A_499 : i32 to vector<512x512xi32>
    %select_n3A_501 = arith.select %eq3A_498, %iota3A, %broadcast_in_dim3A_500 : vector<512x512xi1>, vector<512x512xi32>
    %reduce_min3A_502 = arith.constant dense<2147483647> : vector<512xi32>
    %reduce_min3A_503 = vector.multi_reduction <minsi>, %select_n3A_501, %reduce_min3A_502 [1] : vector<512x512xi32> to vector<512xi32>
    %broadcast_in_dim3A_504 = vector.shape_cast %reduce_min3A_503 : vector<512xi32> to vector<512x1xi32>
    %eq3A_505 = vector.broadcast %broadcast_in_dim3A_504 : vector<512x1xi32> to vector<512x512xi32>
    %eq3A_506 = arith.cmpi eq, %iota3A, %eq3A_505 : vector<512x512xi32>
    %convert_element_type3A_507 = arith.extui %eq3A_506 : vector<512x512xi1> to vector<512x512xi32>
    %convert_element_type3A_508 = arith.sitofp %convert_element_type3A_507 : vector<512x512xi32> to vector<512x512xf32>
    %dot_general3A_509 = arith.constant dense<0.000000e+00> : vector<512x5xf32>
    %dot_general3A_510 = tpu.matmul %convert_element_type3A_508, %div3A_21, %dot_general3A_509 {dimension_numbers = #tpu.dot_dimension_numbers<[1], [0], [0], [1], [0, 0, 1, 1], [], []>, transpose_lhs_hint = false} : vector<512x512xf32>, vector<512x5xf32>, vector<512x5xf32> -> vector<512x5xf32>
    %get3A_511 = arith.constant 16 : index
    %get3A_512 = arith.constant 0 : index
    %get3A_513 = arith.constant 0 : index
    %get3A_514 = vector.load %arg3[%get3A_511, %get3A_512, %get3A_513] : memref<20x5x150xf32, #tpu.memory_space<vmem>>, vector<1x5x150xf32>
    %get3A_515 = vector.shape_cast %get3A_514 : vector<1x5x150xf32> to vector<5x150xf32>
    %dot_general3A_516 = arith.constant dense<0.000000e+00> : vector<512x150xf32>
    %dot_general3A_517 = tpu.matmul %dot_general3A_510, %get3A_515, %dot_general3A_516 {dimension_numbers = #tpu.dot_dimension_numbers<[1], [0], [0], [1], [0, 0, 1, 1], [], []>, transpose_lhs_hint = false} : vector<512x5xf32>, vector<5x150xf32>, vector<512x150xf32> -> vector<512x150xf32>
    %add3A_518 = arith.addf %add3A_489, %dot_general3A_517 : vector<512x150xf32>
    %mul3A_519 = arith.constant 1.000000e+30 : f32
    %mul3A_520 = vector.broadcast %mul3A_519 : f32 to vector<512x512xf32>
    %mul3A_521 = arith.mulf %convert_element_type3A_508, %mul3A_520 : vector<512x512xf32>
    %add3A_522 = arith.addf %add3A_493, %mul3A_521 : vector<512x512xf32>
    %reduce_min3A_523 = arith.constant dense<0x7F800000> : vector<512xf32>
    %reduce_min3A_524 = vector.multi_reduction <minimumf>, %add3A_522, %reduce_min3A_523 [1] : vector<512x512xf32> to vector<512xf32>
    %broadcast_in_dim3A_525 = vector.shape_cast %reduce_min3A_524 : vector<512xf32> to vector<512x1xf32>
    %eq3A_526 = vector.broadcast %broadcast_in_dim3A_525 : vector<512x1xf32> to vector<512x512xf32>
    %eq3A_527 = arith.cmpf oeq, %add3A_522, %eq3A_526 : vector<512x512xf32>
    %jit3A_528 = arith.constant 512 : i32
    %broadcast_in_dim3A_529 = vector.broadcast %jit3A_528 : i32 to vector<512x512xi32>
    %select_n3A_530 = arith.select %eq3A_527, %iota3A, %broadcast_in_dim3A_529 : vector<512x512xi1>, vector<512x512xi32>
    %reduce_min3A_531 = arith.constant dense<2147483647> : vector<512xi32>
    %reduce_min3A_532 = vector.multi_reduction <minsi>, %select_n3A_530, %reduce_min3A_531 [1] : vector<512x512xi32> to vector<512xi32>
    %broadcast_in_dim3A_533 = vector.shape_cast %reduce_min3A_532 : vector<512xi32> to vector<512x1xi32>
    %eq3A_534 = vector.broadcast %broadcast_in_dim3A_533 : vector<512x1xi32> to vector<512x512xi32>
    %eq3A_535 = arith.cmpi eq, %iota3A, %eq3A_534 : vector<512x512xi32>
    %convert_element_type3A_536 = arith.extui %eq3A_535 : vector<512x512xi1> to vector<512x512xi32>
    %convert_element_type3A_537 = arith.sitofp %convert_element_type3A_536 : vector<512x512xi32> to vector<512x512xf32>
    %dot_general3A_538 = arith.constant dense<0.000000e+00> : vector<512x5xf32>
    %dot_general3A_539 = tpu.matmul %convert_element_type3A_537, %div3A_21, %dot_general3A_538 {dimension_numbers = #tpu.dot_dimension_numbers<[1], [0], [0], [1], [0, 0, 1, 1], [], []>, transpose_lhs_hint = false} : vector<512x512xf32>, vector<512x5xf32>, vector<512x5xf32> -> vector<512x5xf32>
    %get3A_540 = arith.constant 17 : index
    %get3A_541 = arith.constant 0 : index
    %get3A_542 = arith.constant 0 : index
    %get3A_543 = vector.load %arg3[%get3A_540, %get3A_541, %get3A_542] : memref<20x5x150xf32, #tpu.memory_space<vmem>>, vector<1x5x150xf32>
    %get3A_544 = vector.shape_cast %get3A_543 : vector<1x5x150xf32> to vector<5x150xf32>
    %dot_general3A_545 = arith.constant dense<0.000000e+00> : vector<512x150xf32>
    %dot_general3A_546 = tpu.matmul %dot_general3A_539, %get3A_544, %dot_general3A_545 {dimension_numbers = #tpu.dot_dimension_numbers<[1], [0], [0], [1], [0, 0, 1, 1], [], []>, transpose_lhs_hint = false} : vector<512x5xf32>, vector<5x150xf32>, vector<512x150xf32> -> vector<512x150xf32>
    %add3A_547 = arith.addf %add3A_518, %dot_general3A_546 : vector<512x150xf32>
    %mul3A_548 = arith.constant 1.000000e+30 : f32
    %mul3A_549 = vector.broadcast %mul3A_548 : f32 to vector<512x512xf32>
    %mul3A_550 = arith.mulf %convert_element_type3A_537, %mul3A_549 : vector<512x512xf32>
    %add3A_551 = arith.addf %add3A_522, %mul3A_550 : vector<512x512xf32>
    %reduce_min3A_552 = arith.constant dense<0x7F800000> : vector<512xf32>
    %reduce_min3A_553 = vector.multi_reduction <minimumf>, %add3A_551, %reduce_min3A_552 [1] : vector<512x512xf32> to vector<512xf32>
    %broadcast_in_dim3A_554 = vector.shape_cast %reduce_min3A_553 : vector<512xf32> to vector<512x1xf32>
    %eq3A_555 = vector.broadcast %broadcast_in_dim3A_554 : vector<512x1xf32> to vector<512x512xf32>
    %eq3A_556 = arith.cmpf oeq, %add3A_551, %eq3A_555 : vector<512x512xf32>
    %jit3A_557 = arith.constant 512 : i32
    %broadcast_in_dim3A_558 = vector.broadcast %jit3A_557 : i32 to vector<512x512xi32>
    %select_n3A_559 = arith.select %eq3A_556, %iota3A, %broadcast_in_dim3A_558 : vector<512x512xi1>, vector<512x512xi32>
    %reduce_min3A_560 = arith.constant dense<2147483647> : vector<512xi32>
    %reduce_min3A_561 = vector.multi_reduction <minsi>, %select_n3A_559, %reduce_min3A_560 [1] : vector<512x512xi32> to vector<512xi32>
    %broadcast_in_dim3A_562 = vector.shape_cast %reduce_min3A_561 : vector<512xi32> to vector<512x1xi32>
    %eq3A_563 = vector.broadcast %broadcast_in_dim3A_562 : vector<512x1xi32> to vector<512x512xi32>
    %eq3A_564 = arith.cmpi eq, %iota3A, %eq3A_563 : vector<512x512xi32>
    %convert_element_type3A_565 = arith.extui %eq3A_564 : vector<512x512xi1> to vector<512x512xi32>
    %convert_element_type3A_566 = arith.sitofp %convert_element_type3A_565 : vector<512x512xi32> to vector<512x512xf32>
    %dot_general3A_567 = arith.constant dense<0.000000e+00> : vector<512x5xf32>
    %dot_general3A_568 = tpu.matmul %convert_element_type3A_566, %div3A_21, %dot_general3A_567 {dimension_numbers = #tpu.dot_dimension_numbers<[1], [0], [0], [1], [0, 0, 1, 1], [], []>, transpose_lhs_hint = false} : vector<512x512xf32>, vector<512x5xf32>, vector<512x5xf32> -> vector<512x5xf32>
    %get3A_569 = arith.constant 18 : index
    %get3A_570 = arith.constant 0 : index
    %get3A_571 = arith.constant 0 : index
    %get3A_572 = vector.load %arg3[%get3A_569, %get3A_570, %get3A_571] : memref<20x5x150xf32, #tpu.memory_space<vmem>>, vector<1x5x150xf32>
    %get3A_573 = vector.shape_cast %get3A_572 : vector<1x5x150xf32> to vector<5x150xf32>
    %dot_general3A_574 = arith.constant dense<0.000000e+00> : vector<512x150xf32>
    %dot_general3A_575 = tpu.matmul %dot_general3A_568, %get3A_573, %dot_general3A_574 {dimension_numbers = #tpu.dot_dimension_numbers<[1], [0], [0], [1], [0, 0, 1, 1], [], []>, transpose_lhs_hint = false} : vector<512x5xf32>, vector<5x150xf32>, vector<512x150xf32> -> vector<512x150xf32>
    %add3A_576 = arith.addf %add3A_547, %dot_general3A_575 : vector<512x150xf32>
    %mul3A_577 = arith.constant 1.000000e+30 : f32
    %mul3A_578 = vector.broadcast %mul3A_577 : f32 to vector<512x512xf32>
    %mul3A_579 = arith.mulf %convert_element_type3A_566, %mul3A_578 : vector<512x512xf32>
    %add3A_580 = arith.addf %add3A_551, %mul3A_579 : vector<512x512xf32>
    %reduce_min3A_581 = arith.constant dense<0x7F800000> : vector<512xf32>
    %reduce_min3A_582 = vector.multi_reduction <minimumf>, %add3A_580, %reduce_min3A_581 [1] : vector<512x512xf32> to vector<512xf32>
    %broadcast_in_dim3A_583 = vector.shape_cast %reduce_min3A_582 : vector<512xf32> to vector<512x1xf32>
    %eq3A_584 = vector.broadcast %broadcast_in_dim3A_583 : vector<512x1xf32> to vector<512x512xf32>
    %eq3A_585 = arith.cmpf oeq, %add3A_580, %eq3A_584 : vector<512x512xf32>
    %jit3A_586 = arith.constant 512 : i32
    %broadcast_in_dim3A_587 = vector.broadcast %jit3A_586 : i32 to vector<512x512xi32>
    %select_n3A_588 = arith.select %eq3A_585, %iota3A, %broadcast_in_dim3A_587 : vector<512x512xi1>, vector<512x512xi32>
    %reduce_min3A_589 = arith.constant dense<2147483647> : vector<512xi32>
    %reduce_min3A_590 = vector.multi_reduction <minsi>, %select_n3A_588, %reduce_min3A_589 [1] : vector<512x512xi32> to vector<512xi32>
    %broadcast_in_dim3A_591 = vector.shape_cast %reduce_min3A_590 : vector<512xi32> to vector<512x1xi32>
    %eq3A_592 = vector.broadcast %broadcast_in_dim3A_591 : vector<512x1xi32> to vector<512x512xi32>
    %eq3A_593 = arith.cmpi eq, %iota3A, %eq3A_592 : vector<512x512xi32>
    %convert_element_type3A_594 = arith.extui %eq3A_593 : vector<512x512xi1> to vector<512x512xi32>
    %convert_element_type3A_595 = arith.sitofp %convert_element_type3A_594 : vector<512x512xi32> to vector<512x512xf32>
    %dot_general3A_596 = arith.constant dense<0.000000e+00> : vector<512x5xf32>
    %dot_general3A_597 = tpu.matmul %convert_element_type3A_595, %div3A_21, %dot_general3A_596 {dimension_numbers = #tpu.dot_dimension_numbers<[1], [0], [0], [1], [0, 0, 1, 1], [], []>, transpose_lhs_hint = false} : vector<512x512xf32>, vector<512x5xf32>, vector<512x5xf32> -> vector<512x5xf32>
    %get3A_598 = arith.constant 19 : index
    %get3A_599 = arith.constant 0 : index
    %get3A_600 = arith.constant 0 : index
    %get3A_601 = vector.load %arg3[%get3A_598, %get3A_599, %get3A_600] : memref<20x5x150xf32, #tpu.memory_space<vmem>>, vector<1x5x150xf32>
    %get3A_602 = vector.shape_cast %get3A_601 : vector<1x5x150xf32> to vector<5x150xf32>
    %dot_general3A_603 = arith.constant dense<0.000000e+00> : vector<512x150xf32>
    %dot_general3A_604 = tpu.matmul %dot_general3A_597, %get3A_602, %dot_general3A_603 {dimension_numbers = #tpu.dot_dimension_numbers<[1], [0], [0], [1], [0, 0, 1, 1], [], []>, transpose_lhs_hint = false} : vector<512x5xf32>, vector<5x150xf32>, vector<512x150xf32> -> vector<512x150xf32>
    %add3A_605 = arith.addf %add3A_576, %dot_general3A_604 : vector<512x150xf32>
    %mul3A_606 = arith.mulf %add3A_605, %add3A_605 : vector<512x150xf32>
    %get3A_607 = arith.constant 0 : index
    %get3A_608 = arith.constant 0 : index
    %get3A_609 = vector.load %arg4[%get3A_607, %get3A_608] : memref<150x30xf32, #tpu.memory_space<vmem>>, vector<150x30xf32>
    %dot_general3A_610 = arith.constant dense<0.000000e+00> : vector<512x30xf32>
    %dot_general3A_611 = tpu.matmul %mul3A_606, %get3A_609, %dot_general3A_610 {dimension_numbers = #tpu.dot_dimension_numbers<[1], [0], [0], [1], [0, 0, 1, 1], [], []>, transpose_lhs_hint = false} : vector<512x150xf32>, vector<150x30xf32>, vector<512x30xf32> -> vector<512x30xf32>
    %sqrt3A_612 = math.sqrt %dot_general3A_611 : vector<512x30xf32>
    %add3A_613 = arith.constant 9.99999993E-9 : f32
    %add3A_614 = vector.broadcast %add3A_613 : f32 to vector<512x30xf32>
    %add3A_615 = arith.addf %sqrt3A_612, %add3A_614 : vector<512x30xf32>
    %get3A_616 = arith.constant 0 : index
    %get3A_617 = arith.constant 0 : index
    %get3A_618 = vector.load %arg5[%get3A_616, %get3A_617] : memref<30x150xf32, #tpu.memory_space<vmem>>, vector<30x150xf32>
    %dot_general3A_619 = arith.constant dense<0.000000e+00> : vector<512x150xf32>
    %dot_general3A_620 = tpu.matmul %add3A_615, %get3A_618, %dot_general3A_619 {dimension_numbers = #tpu.dot_dimension_numbers<[1], [0], [0], [1], [0, 0, 1, 1], [], []>, transpose_lhs_hint = false} : vector<512x30xf32>, vector<30x150xf32>, vector<512x150xf32> -> vector<512x150xf32>
    %div3A_621 = arith.divf %add3A_605, %dot_general3A_620 : vector<512x150xf32>
    %broadcast_in_dim3A_622 = arith.constant 0.000000e+00 : f32
    %broadcast_in_dim3A_623 = vector.broadcast %broadcast_in_dim3A_622 : f32 to vector<512x106xf32>
    %concatenate3A_624 = tpu.concatenate %div3A_621, %broadcast_in_dim3A_623 in 1 : vector<512x150xf32>, vector<512x106xf32> -> vector<512x256xf32>
    %swap3A = arith.constant 0 : index
    %swap3A_625 = arith.constant 0 : index
    %swap3A_626 = arith.constant 0 : index
    %swap3A_627 = vector.load %arg6[%swap3A, %swap3A_625, %swap3A_626] : memref<1x512x256xf32, #tpu.memory_space<vmem>>, vector<1x512x256xf32>
    %swap3A_628 = vector.shape_cast %swap3A_627 : vector<1x512x256xf32> to vector<512x256xf32>
    %swap3A_629 = vector.shape_cast %concatenate3A_624 : vector<512x256xf32> to vector<1x512x256xf32>
    tpu.vector_store %arg6[%swap3A, %swap3A_625, %swap3A_626], %swap3A_629 {strides = array<i32>} : memref<1x512x256xf32, #tpu.memory_space<vmem>>, vector<1x512x256xf32>,
    %mul3A_630 = arith.mulf %div3A_621, %div3A_621 : vector<512x150xf32>
    %reduce_sum3A_631 = arith.constant dense<0.000000e+00> : vector<512xf32>
    %reduce_sum3A_632 = vector.multi_reduction <add>, %mul3A_630, %reduce_sum3A_631 [1] : vector<512x150xf32> to vector<512xf32>
    %broadcast_in_dim3A_633 = vector.shape_cast %reduce_sum3A_632 : vector<512xf32> to vector<512x1xf32>
    %dot_general3A_634 = arith.constant dense<0.000000e+00> : vector<512x512xf32>
    %dot_general3A_635 = tpu.matmul %div3A_621, %div3A_621, %dot_general3A_634 {dimension_numbers = #tpu.dot_dimension_numbers<[1], [1], [0], [0], [0, 0, 1, 0], [], []>, transpose_lhs_hint = false} : vector<512x150xf32>, vector<512x150xf32>, vector<512x512xf32> -> vector<512x512xf32>
    %reshape3A_636 = vector.shape_cast %broadcast_in_dim3A_633 : vector<512x1xf32> to vector<1x512xf32>
    %add3A_637 = vector.broadcast %broadcast_in_dim3A_633 : vector<512x1xf32> to vector<512x512xf32>
    %add3A_638 = vector.broadcast %reshape3A_636 : vector<1x512xf32> to vector<512x512xf32>
    %add3A_639 = arith.addf %add3A_637, %add3A_638 : vector<512x512xf32>
    %mul3A_640 = arith.constant 2.000000e+00 : f32
    %mul3A_641 = vector.broadcast %mul3A_640 : f32 to vector<512x512xf32>
    %mul3A_642 = arith.mulf %mul3A_641, %dot_general3A_635 : vector<512x512xf32>
    %sub3A_643 = arith.subf %add3A_639, %mul3A_642 : vector<512x512xf32>
    %reduce_min3A_644 = arith.constant dense<0x7F800000> : vector<512xf32>
    %reduce_min3A_645 = vector.multi_reduction <minimumf>, %sub3A_643, %reduce_min3A_644 [1] : vector<512x512xf32> to vector<512xf32>
    %broadcast_in_dim3A_646 = vector.shape_cast %reduce_min3A_645 : vector<512xf32> to vector<512x1xf32>
    %eq3A_647 = vector.broadcast %broadcast_in_dim3A_646 : vector<512x1xf32> to vector<512x512xf32>
    %eq3A_648 = arith.cmpf oeq, %sub3A_643, %eq3A_647 : vector<512x512xf32>
    %jit3A_649 = arith.constant 512 : i32
    %broadcast_in_dim3A_650 = vector.broadcast %jit3A_649 : i32 to vector<512x512xi32>
    %select_n3A_651 = arith.select %eq3A_648, %iota3A, %broadcast_in_dim3A_650 : vector<512x512xi1>, vector<512x512xi32>
    %reduce_min3A_652 = arith.constant dense<2147483647> : vector<512xi32>
    %reduce_min3A_653 = vector.multi_reduction <minsi>, %select_n3A_651, %reduce_min3A_652 [1] : vector<512x512xi32> to vector<512xi32>
    %broadcast_in_dim3A_654 = vector.shape_cast %reduce_min3A_653 : vector<512xi32> to vector<512x1xi32>
    %eq3A_655 = vector.broadcast %broadcast_in_dim3A_654 : vector<512x1xi32> to vector<512x512xi32>
    %eq3A_656 = arith.cmpi eq, %iota3A, %eq3A_655 : vector<512x512xi32>
    %convert_element_type3A_657 = arith.extui %eq3A_656 : vector<512x512xi1> to vector<512x512xi32>
    %convert_element_type3A_658 = arith.sitofp %convert_element_type3A_657 : vector<512x512xi32> to vector<512x512xf32>
    %broadcast_in_dim3A_659 = vector.shape_cast %reduce_min3A_653 : vector<512xi32> to vector<512x1xi32>
    %mul3A_660 = arith.constant 1.000000e+30 : f32
    %mul3A_661 = vector.broadcast %mul3A_660 : f32 to vector<512x512xf32>
    %mul3A_662 = arith.mulf %convert_element_type3A_658, %mul3A_661 : vector<512x512xf32>
    %add3A_663 = arith.addf %sub3A_643, %mul3A_662 : vector<512x512xf32>
    %reduce_min3A_664 = arith.constant dense<0x7F800000> : vector<512xf32>
    %reduce_min3A_665 = vector.multi_reduction <minimumf>, %add3A_663, %reduce_min3A_664 [1] : vector<512x512xf32> to vector<512xf32>
    %broadcast_in_dim3A_666 = vector.shape_cast %reduce_min3A_665 : vector<512xf32> to vector<512x1xf32>
    %eq3A_667 = vector.broadcast %broadcast_in_dim3A_666 : vector<512x1xf32> to vector<512x512xf32>
    %eq3A_668 = arith.cmpf oeq, %add3A_663, %eq3A_667 : vector<512x512xf32>
    %jit3A_669 = arith.constant 512 : i32
    %broadcast_in_dim3A_670 = vector.broadcast %jit3A_669 : i32 to vector<512x512xi32>
    %select_n3A_671 = arith.select %eq3A_668, %iota3A, %broadcast_in_dim3A_670 : vector<512x512xi1>, vector<512x512xi32>
    %reduce_min3A_672 = arith.constant dense<2147483647> : vector<512xi32>
    %reduce_min3A_673 = vector.multi_reduction <minsi>, %select_n3A_671, %reduce_min3A_672 [1] : vector<512x512xi32> to vector<512xi32>
    %broadcast_in_dim3A_674 = vector.shape_cast %reduce_min3A_673 : vector<512xi32> to vector<512x1xi32>
    %eq3A_675 = vector.broadcast %broadcast_in_dim3A_674 : vector<512x1xi32> to vector<512x512xi32>
    %eq3A_676 = arith.cmpi eq, %iota3A, %eq3A_675 : vector<512x512xi32>
    %convert_element_type3A_677 = arith.extui %eq3A_676 : vector<512x512xi1> to vector<512x512xi32>
    %convert_element_type3A_678 = arith.sitofp %convert_element_type3A_677 : vector<512x512xi32> to vector<512x512xf32>
    %broadcast_in_dim3A_679 = vector.shape_cast %reduce_min3A_673 : vector<512xi32> to vector<512x1xi32>
    %mul3A_680 = arith.constant 1.000000e+30 : f32
    %mul3A_681 = vector.broadcast %mul3A_680 : f32 to vector<512x512xf32>
    %mul3A_682 = arith.mulf %convert_element_type3A_678, %mul3A_681 : vector<512x512xf32>
    %add3A_683 = arith.addf %add3A_663, %mul3A_682 : vector<512x512xf32>
    %reduce_min3A_684 = arith.constant dense<0x7F800000> : vector<512xf32>
    %reduce_min3A_685 = vector.multi_reduction <minimumf>, %add3A_683, %reduce_min3A_684 [1] : vector<512x512xf32> to vector<512xf32>
    %broadcast_in_dim3A_686 = vector.shape_cast %reduce_min3A_685 : vector<512xf32> to vector<512x1xf32>
    %eq3A_687 = vector.broadcast %broadcast_in_dim3A_686 : vector<512x1xf32> to vector<512x512xf32>
    %eq3A_688 = arith.cmpf oeq, %add3A_683, %eq3A_687 : vector<512x512xf32>
    %jit3A_689 = arith.constant 512 : i32
    %broadcast_in_dim3A_690 = vector.broadcast %jit3A_689 : i32 to vector<512x512xi32>
    %select_n3A_691 = arith.select %eq3A_688, %iota3A, %broadcast_in_dim3A_690 : vector<512x512xi1>, vector<512x512xi32>
    %reduce_min3A_692 = arith.constant dense<2147483647> : vector<512xi32>
    %reduce_min3A_693 = vector.multi_reduction <minsi>, %select_n3A_691, %reduce_min3A_692 [1] : vector<512x512xi32> to vector<512xi32>
    %broadcast_in_dim3A_694 = vector.shape_cast %reduce_min3A_693 : vector<512xi32> to vector<512x1xi32>
    %eq3A_695 = vector.broadcast %broadcast_in_dim3A_694 : vector<512x1xi32> to vector<512x512xi32>
    %eq3A_696 = arith.cmpi eq, %iota3A, %eq3A_695 : vector<512x512xi32>
    %convert_element_type3A_697 = arith.extui %eq3A_696 : vector<512x512xi1> to vector<512x512xi32>
    %convert_element_type3A_698 = arith.sitofp %convert_element_type3A_697 : vector<512x512xi32> to vector<512x512xf32>
    %broadcast_in_dim3A_699 = vector.shape_cast %reduce_min3A_693 : vector<512xi32> to vector<512x1xi32>
    %mul3A_700 = arith.constant 1.000000e+30 : f32
    %mul3A_701 = vector.broadcast %mul3A_700 : f32 to vector<512x512xf32>
    %mul3A_702 = arith.mulf %convert_element_type3A_698, %mul3A_701 : vector<512x512xf32>
    %add3A_703 = arith.addf %add3A_683, %mul3A_702 : vector<512x512xf32>
    %reduce_min3A_704 = arith.constant dense<0x7F800000> : vector<512xf32>
    %reduce_min3A_705 = vector.multi_reduction <minimumf>, %add3A_703, %reduce_min3A_704 [1] : vector<512x512xf32> to vector<512xf32>
    %broadcast_in_dim3A_706 = vector.shape_cast %reduce_min3A_705 : vector<512xf32> to vector<512x1xf32>
    %eq3A_707 = vector.broadcast %broadcast_in_dim3A_706 : vector<512x1xf32> to vector<512x512xf32>
    %eq3A_708 = arith.cmpf oeq, %add3A_703, %eq3A_707 : vector<512x512xf32>
    %jit3A_709 = arith.constant 512 : i32
    %broadcast_in_dim3A_710 = vector.broadcast %jit3A_709 : i32 to vector<512x512xi32>
    %select_n3A_711 = arith.select %eq3A_708, %iota3A, %broadcast_in_dim3A_710 : vector<512x512xi1>, vector<512x512xi32>
    %reduce_min3A_712 = arith.constant dense<2147483647> : vector<512xi32>
    %reduce_min3A_713 = vector.multi_reduction <minsi>, %select_n3A_711, %reduce_min3A_712 [1] : vector<512x512xi32> to vector<512xi32>
    %broadcast_in_dim3A_714 = vector.shape_cast %reduce_min3A_713 : vector<512xi32> to vector<512x1xi32>
    %eq3A_715 = vector.broadcast %broadcast_in_dim3A_714 : vector<512x1xi32> to vector<512x512xi32>
    %eq3A_716 = arith.cmpi eq, %iota3A, %eq3A_715 : vector<512x512xi32>
    %convert_element_type3A_717 = arith.extui %eq3A_716 : vector<512x512xi1> to vector<512x512xi32>
    %convert_element_type3A_718 = arith.sitofp %convert_element_type3A_717 : vector<512x512xi32> to vector<512x512xf32>
    %broadcast_in_dim3A_719 = vector.shape_cast %reduce_min3A_713 : vector<512xi32> to vector<512x1xi32>
    %mul3A_720 = arith.constant 1.000000e+30 : f32
    %mul3A_721 = vector.broadcast %mul3A_720 : f32 to vector<512x512xf32>
    %mul3A_722 = arith.mulf %convert_element_type3A_718, %mul3A_721 : vector<512x512xf32>
    %add3A_723 = arith.addf %add3A_703, %mul3A_722 : vector<512x512xf32>
    %reduce_min3A_724 = arith.constant dense<0x7F800000> : vector<512xf32>
    %reduce_min3A_725 = vector.multi_reduction <minimumf>, %add3A_723, %reduce_min3A_724 [1] : vector<512x512xf32> to vector<512xf32>
    %broadcast_in_dim3A_726 = vector.shape_cast %reduce_min3A_725 : vector<512xf32> to vector<512x1xf32>
    %eq3A_727 = vector.broadcast %broadcast_in_dim3A_726 : vector<512x1xf32> to vector<512x512xf32>
    %eq3A_728 = arith.cmpf oeq, %add3A_723, %eq3A_727 : vector<512x512xf32>
    %jit3A_729 = arith.constant 512 : i32
    %broadcast_in_dim3A_730 = vector.broadcast %jit3A_729 : i32 to vector<512x512xi32>
    %select_n3A_731 = arith.select %eq3A_728, %iota3A, %broadcast_in_dim3A_730 : vector<512x512xi1>, vector<512x512xi32>
    %reduce_min3A_732 = arith.constant dense<2147483647> : vector<512xi32>
    %reduce_min3A_733 = vector.multi_reduction <minsi>, %select_n3A_731, %reduce_min3A_732 [1] : vector<512x512xi32> to vector<512xi32>
    %broadcast_in_dim3A_734 = vector.shape_cast %reduce_min3A_733 : vector<512xi32> to vector<512x1xi32>
    %eq3A_735 = vector.broadcast %broadcast_in_dim3A_734 : vector<512x1xi32> to vector<512x512xi32>
    %eq3A_736 = arith.cmpi eq, %iota3A, %eq3A_735 : vector<512x512xi32>
    %convert_element_type3A_737 = arith.extui %eq3A_736 : vector<512x512xi1> to vector<512x512xi32>
    %convert_element_type3A_738 = arith.sitofp %convert_element_type3A_737 : vector<512x512xi32> to vector<512x512xf32>
    %broadcast_in_dim3A_739 = vector.shape_cast %reduce_min3A_733 : vector<512xi32> to vector<512x1xi32>
    %mul3A_740 = arith.constant 1.000000e+30 : f32
    %mul3A_741 = vector.broadcast %mul3A_740 : f32 to vector<512x512xf32>
    %mul3A_742 = arith.mulf %convert_element_type3A_738, %mul3A_741 : vector<512x512xf32>
    %add3A_743 = arith.addf %add3A_723, %mul3A_742 : vector<512x512xf32>
    %reduce_min3A_744 = arith.constant dense<0x7F800000> : vector<512xf32>
    %reduce_min3A_745 = vector.multi_reduction <minimumf>, %add3A_743, %reduce_min3A_744 [1] : vector<512x512xf32> to vector<512xf32>
    %broadcast_in_dim3A_746 = vector.shape_cast %reduce_min3A_745 : vector<512xf32> to vector<512x1xf32>
    %eq3A_747 = vector.broadcast %broadcast_in_dim3A_746 : vector<512x1xf32> to vector<512x512xf32>
    %eq3A_748 = arith.cmpf oeq, %add3A_743, %eq3A_747 : vector<512x512xf32>
    %jit3A_749 = arith.constant 512 : i32
    %broadcast_in_dim3A_750 = vector.broadcast %jit3A_749 : i32 to vector<512x512xi32>
    %select_n3A_751 = arith.select %eq3A_748, %iota3A, %broadcast_in_dim3A_750 : vector<512x512xi1>, vector<512x512xi32>
    %reduce_min3A_752 = arith.constant dense<2147483647> : vector<512xi32>
    %reduce_min3A_753 = vector.multi_reduction <minsi>, %select_n3A_751, %reduce_min3A_752 [1] : vector<512x512xi32> to vector<512xi32>
    %broadcast_in_dim3A_754 = vector.shape_cast %reduce_min3A_753 : vector<512xi32> to vector<512x1xi32>
    %eq3A_755 = vector.broadcast %broadcast_in_dim3A_754 : vector<512x1xi32> to vector<512x512xi32>
    %eq3A_756 = arith.cmpi eq, %iota3A, %eq3A_755 : vector<512x512xi32>
    %convert_element_type3A_757 = arith.extui %eq3A_756 : vector<512x512xi1> to vector<512x512xi32>
    %convert_element_type3A_758 = arith.sitofp %convert_element_type3A_757 : vector<512x512xi32> to vector<512x512xf32>
    %broadcast_in_dim3A_759 = vector.shape_cast %reduce_min3A_753 : vector<512xi32> to vector<512x1xi32>
    %mul3A_760 = arith.constant 1.000000e+30 : f32
    %mul3A_761 = vector.broadcast %mul3A_760 : f32 to vector<512x512xf32>
    %mul3A_762 = arith.mulf %convert_element_type3A_758, %mul3A_761 : vector<512x512xf32>
    %add3A_763 = arith.addf %add3A_743, %mul3A_762 : vector<512x512xf32>
    %reduce_min3A_764 = arith.constant dense<0x7F800000> : vector<512xf32>
    %reduce_min3A_765 = vector.multi_reduction <minimumf>, %add3A_763, %reduce_min3A_764 [1] : vector<512x512xf32> to vector<512xf32>
    %broadcast_in_dim3A_766 = vector.shape_cast %reduce_min3A_765 : vector<512xf32> to vector<512x1xf32>
    %eq3A_767 = vector.broadcast %broadcast_in_dim3A_766 : vector<512x1xf32> to vector<512x512xf32>
    %eq3A_768 = arith.cmpf oeq, %add3A_763, %eq3A_767 : vector<512x512xf32>
    %jit3A_769 = arith.constant 512 : i32
    %broadcast_in_dim3A_770 = vector.broadcast %jit3A_769 : i32 to vector<512x512xi32>
    %select_n3A_771 = arith.select %eq3A_768, %iota3A, %broadcast_in_dim3A_770 : vector<512x512xi1>, vector<512x512xi32>
    %reduce_min3A_772 = arith.constant dense<2147483647> : vector<512xi32>
    %reduce_min3A_773 = vector.multi_reduction <minsi>, %select_n3A_771, %reduce_min3A_772 [1] : vector<512x512xi32> to vector<512xi32>
    %broadcast_in_dim3A_774 = vector.shape_cast %reduce_min3A_773 : vector<512xi32> to vector<512x1xi32>
    %eq3A_775 = vector.broadcast %broadcast_in_dim3A_774 : vector<512x1xi32> to vector<512x512xi32>
    %eq3A_776 = arith.cmpi eq, %iota3A, %eq3A_775 : vector<512x512xi32>
    %convert_element_type3A_777 = arith.extui %eq3A_776 : vector<512x512xi1> to vector<512x512xi32>
    %convert_element_type3A_778 = arith.sitofp %convert_element_type3A_777 : vector<512x512xi32> to vector<512x512xf32>
    %broadcast_in_dim3A_779 = vector.shape_cast %reduce_min3A_773 : vector<512xi32> to vector<512x1xi32>
    %mul3A_780 = arith.constant 1.000000e+30 : f32
    %mul3A_781 = vector.broadcast %mul3A_780 : f32 to vector<512x512xf32>
    %mul3A_782 = arith.mulf %convert_element_type3A_778, %mul3A_781 : vector<512x512xf32>
    %add3A_783 = arith.addf %add3A_763, %mul3A_782 : vector<512x512xf32>
    %reduce_min3A_784 = arith.constant dense<0x7F800000> : vector<512xf32>
    %reduce_min3A_785 = vector.multi_reduction <minimumf>, %add3A_783, %reduce_min3A_784 [1] : vector<512x512xf32> to vector<512xf32>
    %broadcast_in_dim3A_786 = vector.shape_cast %reduce_min3A_785 : vector<512xf32> to vector<512x1xf32>
    %eq3A_787 = vector.broadcast %broadcast_in_dim3A_786 : vector<512x1xf32> to vector<512x512xf32>
    %eq3A_788 = arith.cmpf oeq, %add3A_783, %eq3A_787 : vector<512x512xf32>
    %jit3A_789 = arith.constant 512 : i32
    %broadcast_in_dim3A_790 = vector.broadcast %jit3A_789 : i32 to vector<512x512xi32>
    %select_n3A_791 = arith.select %eq3A_788, %iota3A, %broadcast_in_dim3A_790 : vector<512x512xi1>, vector<512x512xi32>
    %reduce_min3A_792 = arith.constant dense<2147483647> : vector<512xi32>
    %reduce_min3A_793 = vector.multi_reduction <minsi>, %select_n3A_791, %reduce_min3A_792 [1] : vector<512x512xi32> to vector<512xi32>
    %broadcast_in_dim3A_794 = vector.shape_cast %reduce_min3A_793 : vector<512xi32> to vector<512x1xi32>
    %eq3A_795 = vector.broadcast %broadcast_in_dim3A_794 : vector<512x1xi32> to vector<512x512xi32>
    %eq3A_796 = arith.cmpi eq, %iota3A, %eq3A_795 : vector<512x512xi32>
    %convert_element_type3A_797 = arith.extui %eq3A_796 : vector<512x512xi1> to vector<512x512xi32>
    %convert_element_type3A_798 = arith.sitofp %convert_element_type3A_797 : vector<512x512xi32> to vector<512x512xf32>
    %broadcast_in_dim3A_799 = vector.shape_cast %reduce_min3A_793 : vector<512xi32> to vector<512x1xi32>
    %mul3A_800 = arith.constant 1.000000e+30 : f32
    %mul3A_801 = vector.broadcast %mul3A_800 : f32 to vector<512x512xf32>
    %mul3A_802 = arith.mulf %convert_element_type3A_798, %mul3A_801 : vector<512x512xf32>
    %add3A_803 = arith.addf %add3A_783, %mul3A_802 : vector<512x512xf32>
    %reduce_min3A_804 = arith.constant dense<0x7F800000> : vector<512xf32>
    %reduce_min3A_805 = vector.multi_reduction <minimumf>, %add3A_803, %reduce_min3A_804 [1] : vector<512x512xf32> to vector<512xf32>
    %broadcast_in_dim3A_806 = vector.shape_cast %reduce_min3A_805 : vector<512xf32> to vector<512x1xf32>
    %eq3A_807 = vector.broadcast %broadcast_in_dim3A_806 : vector<512x1xf32> to vector<512x512xf32>
    %eq3A_808 = arith.cmpf oeq, %add3A_803, %eq3A_807 : vector<512x512xf32>
    %jit3A_809 = arith.constant 512 : i32
    %broadcast_in_dim3A_810 = vector.broadcast %jit3A_809 : i32 to vector<512x512xi32>
    %select_n3A_811 = arith.select %eq3A_808, %iota3A, %broadcast_in_dim3A_810 : vector<512x512xi1>, vector<512x512xi32>
    %reduce_min3A_812 = arith.constant dense<2147483647> : vector<512xi32>
    %reduce_min3A_813 = vector.multi_reduction <minsi>, %select_n3A_811, %reduce_min3A_812 [1] : vector<512x512xi32> to vector<512xi32>
    %broadcast_in_dim3A_814 = vector.shape_cast %reduce_min3A_813 : vector<512xi32> to vector<512x1xi32>
    %eq3A_815 = vector.broadcast %broadcast_in_dim3A_814 : vector<512x1xi32> to vector<512x512xi32>
    %eq3A_816 = arith.cmpi eq, %iota3A, %eq3A_815 : vector<512x512xi32>
    %convert_element_type3A_817 = arith.extui %eq3A_816 : vector<512x512xi1> to vector<512x512xi32>
    %convert_element_type3A_818 = arith.sitofp %convert_element_type3A_817 : vector<512x512xi32> to vector<512x512xf32>
    %broadcast_in_dim3A_819 = vector.shape_cast %reduce_min3A_813 : vector<512xi32> to vector<512x1xi32>
    %mul3A_820 = arith.constant 1.000000e+30 : f32
    %mul3A_821 = vector.broadcast %mul3A_820 : f32 to vector<512x512xf32>
    %mul3A_822 = arith.mulf %convert_element_type3A_818, %mul3A_821 : vector<512x512xf32>
    %add3A_823 = arith.addf %add3A_803, %mul3A_822 : vector<512x512xf32>
    %reduce_min3A_824 = arith.constant dense<0x7F800000> : vector<512xf32>
    %reduce_min3A_825 = vector.multi_reduction <minimumf>, %add3A_823, %reduce_min3A_824 [1] : vector<512x512xf32> to vector<512xf32>
    %broadcast_in_dim3A_826 = vector.shape_cast %reduce_min3A_825 : vector<512xf32> to vector<512x1xf32>
    %eq3A_827 = vector.broadcast %broadcast_in_dim3A_826 : vector<512x1xf32> to vector<512x512xf32>
    %eq3A_828 = arith.cmpf oeq, %add3A_823, %eq3A_827 : vector<512x512xf32>
    %jit3A_829 = arith.constant 512 : i32
    %broadcast_in_dim3A_830 = vector.broadcast %jit3A_829 : i32 to vector<512x512xi32>
    %select_n3A_831 = arith.select %eq3A_828, %iota3A, %broadcast_in_dim3A_830 : vector<512x512xi1>, vector<512x512xi32>
    %reduce_min3A_832 = arith.constant dense<2147483647> : vector<512xi32>
    %reduce_min3A_833 = vector.multi_reduction <minsi>, %select_n3A_831, %reduce_min3A_832 [1] : vector<512x512xi32> to vector<512xi32>
    %broadcast_in_dim3A_834 = vector.shape_cast %reduce_min3A_833 : vector<512xi32> to vector<512x1xi32>
    %eq3A_835 = vector.broadcast %broadcast_in_dim3A_834 : vector<512x1xi32> to vector<512x512xi32>
    %eq3A_836 = arith.cmpi eq, %iota3A, %eq3A_835 : vector<512x512xi32>
    %convert_element_type3A_837 = arith.extui %eq3A_836 : vector<512x512xi1> to vector<512x512xi32>
    %convert_element_type3A_838 = arith.sitofp %convert_element_type3A_837 : vector<512x512xi32> to vector<512x512xf32>
    %broadcast_in_dim3A_839 = vector.shape_cast %reduce_min3A_833 : vector<512xi32> to vector<512x1xi32>
    %mul3A_840 = arith.constant 1.000000e+30 : f32
    %mul3A_841 = vector.broadcast %mul3A_840 : f32 to vector<512x512xf32>
    %mul3A_842 = arith.mulf %convert_element_type3A_838, %mul3A_841 : vector<512x512xf32>
    %add3A_843 = arith.addf %add3A_823, %mul3A_842 : vector<512x512xf32>
    %reduce_min3A_844 = arith.constant dense<0x7F800000> : vector<512xf32>
    %reduce_min3A_845 = vector.multi_reduction <minimumf>, %add3A_843, %reduce_min3A_844 [1] : vector<512x512xf32> to vector<512xf32>
    %broadcast_in_dim3A_846 = vector.shape_cast %reduce_min3A_845 : vector<512xf32> to vector<512x1xf32>
    %eq3A_847 = vector.broadcast %broadcast_in_dim3A_846 : vector<512x1xf32> to vector<512x512xf32>
    %eq3A_848 = arith.cmpf oeq, %add3A_843, %eq3A_847 : vector<512x512xf32>
    %jit3A_849 = arith.constant 512 : i32
    %broadcast_in_dim3A_850 = vector.broadcast %jit3A_849 : i32 to vector<512x512xi32>
    %select_n3A_851 = arith.select %eq3A_848, %iota3A, %broadcast_in_dim3A_850 : vector<512x512xi1>, vector<512x512xi32>
    %reduce_min3A_852 = arith.constant dense<2147483647> : vector<512xi32>
    %reduce_min3A_853 = vector.multi_reduction <minsi>, %select_n3A_851, %reduce_min3A_852 [1] : vector<512x512xi32> to vector<512xi32>
    %broadcast_in_dim3A_854 = vector.shape_cast %reduce_min3A_853 : vector<512xi32> to vector<512x1xi32>
    %eq3A_855 = vector.broadcast %broadcast_in_dim3A_854 : vector<512x1xi32> to vector<512x512xi32>
    %eq3A_856 = arith.cmpi eq, %iota3A, %eq3A_855 : vector<512x512xi32>
    %convert_element_type3A_857 = arith.extui %eq3A_856 : vector<512x512xi1> to vector<512x512xi32>
    %convert_element_type3A_858 = arith.sitofp %convert_element_type3A_857 : vector<512x512xi32> to vector<512x512xf32>
    %broadcast_in_dim3A_859 = vector.shape_cast %reduce_min3A_853 : vector<512xi32> to vector<512x1xi32>
    %mul3A_860 = arith.constant 1.000000e+30 : f32
    %mul3A_861 = vector.broadcast %mul3A_860 : f32 to vector<512x512xf32>
    %mul3A_862 = arith.mulf %convert_element_type3A_858, %mul3A_861 : vector<512x512xf32>
    %add3A_863 = arith.addf %add3A_843, %mul3A_862 : vector<512x512xf32>
    %reduce_min3A_864 = arith.constant dense<0x7F800000> : vector<512xf32>
    %reduce_min3A_865 = vector.multi_reduction <minimumf>, %add3A_863, %reduce_min3A_864 [1] : vector<512x512xf32> to vector<512xf32>
    %broadcast_in_dim3A_866 = vector.shape_cast %reduce_min3A_865 : vector<512xf32> to vector<512x1xf32>
    %eq3A_867 = vector.broadcast %broadcast_in_dim3A_866 : vector<512x1xf32> to vector<512x512xf32>
    %eq3A_868 = arith.cmpf oeq, %add3A_863, %eq3A_867 : vector<512x512xf32>
    %jit3A_869 = arith.constant 512 : i32
    %broadcast_in_dim3A_870 = vector.broadcast %jit3A_869 : i32 to vector<512x512xi32>
    %select_n3A_871 = arith.select %eq3A_868, %iota3A, %broadcast_in_dim3A_870 : vector<512x512xi1>, vector<512x512xi32>
    %reduce_min3A_872 = arith.constant dense<2147483647> : vector<512xi32>
    %reduce_min3A_873 = vector.multi_reduction <minsi>, %select_n3A_871, %reduce_min3A_872 [1] : vector<512x512xi32> to vector<512xi32>
    %broadcast_in_dim3A_874 = vector.shape_cast %reduce_min3A_873 : vector<512xi32> to vector<512x1xi32>
    %eq3A_875 = vector.broadcast %broadcast_in_dim3A_874 : vector<512x1xi32> to vector<512x512xi32>
    %eq3A_876 = arith.cmpi eq, %iota3A, %eq3A_875 : vector<512x512xi32>
    %convert_element_type3A_877 = arith.extui %eq3A_876 : vector<512x512xi1> to vector<512x512xi32>
    %convert_element_type3A_878 = arith.sitofp %convert_element_type3A_877 : vector<512x512xi32> to vector<512x512xf32>
    %broadcast_in_dim3A_879 = vector.shape_cast %reduce_min3A_873 : vector<512xi32> to vector<512x1xi32>
    %mul3A_880 = arith.constant 1.000000e+30 : f32
    %mul3A_881 = vector.broadcast %mul3A_880 : f32 to vector<512x512xf32>
    %mul3A_882 = arith.mulf %convert_element_type3A_878, %mul3A_881 : vector<512x512xf32>
    %add3A_883 = arith.addf %add3A_863, %mul3A_882 : vector<512x512xf32>
    %reduce_min3A_884 = arith.constant dense<0x7F800000> : vector<512xf32>
    %reduce_min3A_885 = vector.multi_reduction <minimumf>, %add3A_883, %reduce_min3A_884 [1] : vector<512x512xf32> to vector<512xf32>
    %broadcast_in_dim3A_886 = vector.shape_cast %reduce_min3A_885 : vector<512xf32> to vector<512x1xf32>
    %eq3A_887 = vector.broadcast %broadcast_in_dim3A_886 : vector<512x1xf32> to vector<512x512xf32>
    %eq3A_888 = arith.cmpf oeq, %add3A_883, %eq3A_887 : vector<512x512xf32>
    %jit3A_889 = arith.constant 512 : i32
    %broadcast_in_dim3A_890 = vector.broadcast %jit3A_889 : i32 to vector<512x512xi32>
    %select_n3A_891 = arith.select %eq3A_888, %iota3A, %broadcast_in_dim3A_890 : vector<512x512xi1>, vector<512x512xi32>
    %reduce_min3A_892 = arith.constant dense<2147483647> : vector<512xi32>
    %reduce_min3A_893 = vector.multi_reduction <minsi>, %select_n3A_891, %reduce_min3A_892 [1] : vector<512x512xi32> to vector<512xi32>
    %broadcast_in_dim3A_894 = vector.shape_cast %reduce_min3A_893 : vector<512xi32> to vector<512x1xi32>
    %eq3A_895 = vector.broadcast %broadcast_in_dim3A_894 : vector<512x1xi32> to vector<512x512xi32>
    %eq3A_896 = arith.cmpi eq, %iota3A, %eq3A_895 : vector<512x512xi32>
    %convert_element_type3A_897 = arith.extui %eq3A_896 : vector<512x512xi1> to vector<512x512xi32>
    %convert_element_type3A_898 = arith.sitofp %convert_element_type3A_897 : vector<512x512xi32> to vector<512x512xf32>
    %broadcast_in_dim3A_899 = vector.shape_cast %reduce_min3A_893 : vector<512xi32> to vector<512x1xi32>
    %mul3A_900 = arith.constant 1.000000e+30 : f32
    %mul3A_901 = vector.broadcast %mul3A_900 : f32 to vector<512x512xf32>
    %mul3A_902 = arith.mulf %convert_element_type3A_898, %mul3A_901 : vector<512x512xf32>
    %add3A_903 = arith.addf %add3A_883, %mul3A_902 : vector<512x512xf32>
    %reduce_min3A_904 = arith.constant dense<0x7F800000> : vector<512xf32>
    %reduce_min3A_905 = vector.multi_reduction <minimumf>, %add3A_903, %reduce_min3A_904 [1] : vector<512x512xf32> to vector<512xf32>
    %broadcast_in_dim3A_906 = vector.shape_cast %reduce_min3A_905 : vector<512xf32> to vector<512x1xf32>
    %eq3A_907 = vector.broadcast %broadcast_in_dim3A_906 : vector<512x1xf32> to vector<512x512xf32>
    %eq3A_908 = arith.cmpf oeq, %add3A_903, %eq3A_907 : vector<512x512xf32>
    %jit3A_909 = arith.constant 512 : i32
    %broadcast_in_dim3A_910 = vector.broadcast %jit3A_909 : i32 to vector<512x512xi32>
    %select_n3A_911 = arith.select %eq3A_908, %iota3A, %broadcast_in_dim3A_910 : vector<512x512xi1>, vector<512x512xi32>
    %reduce_min3A_912 = arith.constant dense<2147483647> : vector<512xi32>
    %reduce_min3A_913 = vector.multi_reduction <minsi>, %select_n3A_911, %reduce_min3A_912 [1] : vector<512x512xi32> to vector<512xi32>
    %broadcast_in_dim3A_914 = vector.shape_cast %reduce_min3A_913 : vector<512xi32> to vector<512x1xi32>
    %eq3A_915 = vector.broadcast %broadcast_in_dim3A_914 : vector<512x1xi32> to vector<512x512xi32>
    %eq3A_916 = arith.cmpi eq, %iota3A, %eq3A_915 : vector<512x512xi32>
    %convert_element_type3A_917 = arith.extui %eq3A_916 : vector<512x512xi1> to vector<512x512xi32>
    %convert_element_type3A_918 = arith.sitofp %convert_element_type3A_917 : vector<512x512xi32> to vector<512x512xf32>
    %broadcast_in_dim3A_919 = vector.shape_cast %reduce_min3A_913 : vector<512xi32> to vector<512x1xi32>
    %mul3A_920 = arith.constant 1.000000e+30 : f32
    %mul3A_921 = vector.broadcast %mul3A_920 : f32 to vector<512x512xf32>
    %mul3A_922 = arith.mulf %convert_element_type3A_918, %mul3A_921 : vector<512x512xf32>
    %add3A_923 = arith.addf %add3A_903, %mul3A_922 : vector<512x512xf32>
    %reduce_min3A_924 = arith.constant dense<0x7F800000> : vector<512xf32>
    %reduce_min3A_925 = vector.multi_reduction <minimumf>, %add3A_923, %reduce_min3A_924 [1] : vector<512x512xf32> to vector<512xf32>
    %broadcast_in_dim3A_926 = vector.shape_cast %reduce_min3A_925 : vector<512xf32> to vector<512x1xf32>
    %eq3A_927 = vector.broadcast %broadcast_in_dim3A_926 : vector<512x1xf32> to vector<512x512xf32>
    %eq3A_928 = arith.cmpf oeq, %add3A_923, %eq3A_927 : vector<512x512xf32>
    %jit3A_929 = arith.constant 512 : i32
    %broadcast_in_dim3A_930 = vector.broadcast %jit3A_929 : i32 to vector<512x512xi32>
    %select_n3A_931 = arith.select %eq3A_928, %iota3A, %broadcast_in_dim3A_930 : vector<512x512xi1>, vector<512x512xi32>
    %reduce_min3A_932 = arith.constant dense<2147483647> : vector<512xi32>
    %reduce_min3A_933 = vector.multi_reduction <minsi>, %select_n3A_931, %reduce_min3A_932 [1] : vector<512x512xi32> to vector<512xi32>
    %broadcast_in_dim3A_934 = vector.shape_cast %reduce_min3A_933 : vector<512xi32> to vector<512x1xi32>
    %eq3A_935 = vector.broadcast %broadcast_in_dim3A_934 : vector<512x1xi32> to vector<512x512xi32>
    %eq3A_936 = arith.cmpi eq, %iota3A, %eq3A_935 : vector<512x512xi32>
    %convert_element_type3A_937 = arith.extui %eq3A_936 : vector<512x512xi1> to vector<512x512xi32>
    %convert_element_type3A_938 = arith.sitofp %convert_element_type3A_937 : vector<512x512xi32> to vector<512x512xf32>
    %broadcast_in_dim3A_939 = vector.shape_cast %reduce_min3A_933 : vector<512xi32> to vector<512x1xi32>
    %mul3A_940 = arith.constant 1.000000e+30 : f32
    %mul3A_941 = vector.broadcast %mul3A_940 : f32 to vector<512x512xf32>
    %mul3A_942 = arith.mulf %convert_element_type3A_938, %mul3A_941 : vector<512x512xf32>
    %add3A_943 = arith.addf %add3A_923, %mul3A_942 : vector<512x512xf32>
    %reduce_min3A_944 = arith.constant dense<0x7F800000> : vector<512xf32>
    %reduce_min3A_945 = vector.multi_reduction <minimumf>, %add3A_943, %reduce_min3A_944 [1] : vector<512x512xf32> to vector<512xf32>
    %broadcast_in_dim3A_946 = vector.shape_cast %reduce_min3A_945 : vector<512xf32> to vector<512x1xf32>
    %eq3A_947 = vector.broadcast %broadcast_in_dim3A_946 : vector<512x1xf32> to vector<512x512xf32>
    %eq3A_948 = arith.cmpf oeq, %add3A_943, %eq3A_947 : vector<512x512xf32>
    %jit3A_949 = arith.constant 512 : i32
    %broadcast_in_dim3A_950 = vector.broadcast %jit3A_949 : i32 to vector<512x512xi32>
    %select_n3A_951 = arith.select %eq3A_948, %iota3A, %broadcast_in_dim3A_950 : vector<512x512xi1>, vector<512x512xi32>
    %reduce_min3A_952 = arith.constant dense<2147483647> : vector<512xi32>
    %reduce_min3A_953 = vector.multi_reduction <minsi>, %select_n3A_951, %reduce_min3A_952 [1] : vector<512x512xi32> to vector<512xi32>
    %broadcast_in_dim3A_954 = vector.shape_cast %reduce_min3A_953 : vector<512xi32> to vector<512x1xi32>
    %eq3A_955 = vector.broadcast %broadcast_in_dim3A_954 : vector<512x1xi32> to vector<512x512xi32>
    %eq3A_956 = arith.cmpi eq, %iota3A, %eq3A_955 : vector<512x512xi32>
    %convert_element_type3A_957 = arith.extui %eq3A_956 : vector<512x512xi1> to vector<512x512xi32>
    %convert_element_type3A_958 = arith.sitofp %convert_element_type3A_957 : vector<512x512xi32> to vector<512x512xf32>
    %broadcast_in_dim3A_959 = vector.shape_cast %reduce_min3A_953 : vector<512xi32> to vector<512x1xi32>
    %mul3A_960 = arith.constant 1.000000e+30 : f32
    %mul3A_961 = vector.broadcast %mul3A_960 : f32 to vector<512x512xf32>
    %mul3A_962 = arith.mulf %convert_element_type3A_958, %mul3A_961 : vector<512x512xf32>
    %add3A_963 = arith.addf %add3A_943, %mul3A_962 : vector<512x512xf32>
    %reduce_min3A_964 = arith.constant dense<0x7F800000> : vector<512xf32>
    %reduce_min3A_965 = vector.multi_reduction <minimumf>, %add3A_963, %reduce_min3A_964 [1] : vector<512x512xf32> to vector<512xf32>
    %broadcast_in_dim3A_966 = vector.shape_cast %reduce_min3A_965 : vector<512xf32> to vector<512x1xf32>
    %eq3A_967 = vector.broadcast %broadcast_in_dim3A_966 : vector<512x1xf32> to vector<512x512xf32>
    %eq3A_968 = arith.cmpf oeq, %add3A_963, %eq3A_967 : vector<512x512xf32>
    %jit3A_969 = arith.constant 512 : i32
    %broadcast_in_dim3A_970 = vector.broadcast %jit3A_969 : i32 to vector<512x512xi32>
    %select_n3A_971 = arith.select %eq3A_968, %iota3A, %broadcast_in_dim3A_970 : vector<512x512xi1>, vector<512x512xi32>
    %reduce_min3A_972 = arith.constant dense<2147483647> : vector<512xi32>
    %reduce_min3A_973 = vector.multi_reduction <minsi>, %select_n3A_971, %reduce_min3A_972 [1] : vector<512x512xi32> to vector<512xi32>
    %broadcast_in_dim3A_974 = vector.shape_cast %reduce_min3A_973 : vector<512xi32> to vector<512x1xi32>
    %eq3A_975 = vector.broadcast %broadcast_in_dim3A_974 : vector<512x1xi32> to vector<512x512xi32>
    %eq3A_976 = arith.cmpi eq, %iota3A, %eq3A_975 : vector<512x512xi32>
    %convert_element_type3A_977 = arith.extui %eq3A_976 : vector<512x512xi1> to vector<512x512xi32>
    %convert_element_type3A_978 = arith.sitofp %convert_element_type3A_977 : vector<512x512xi32> to vector<512x512xf32>
    %broadcast_in_dim3A_979 = vector.shape_cast %reduce_min3A_973 : vector<512xi32> to vector<512x1xi32>
    %mul3A_980 = arith.constant 1.000000e+30 : f32
    %mul3A_981 = vector.broadcast %mul3A_980 : f32 to vector<512x512xf32>
    %mul3A_982 = arith.mulf %convert_element_type3A_978, %mul3A_981 : vector<512x512xf32>
    %add3A_983 = arith.addf %add3A_963, %mul3A_982 : vector<512x512xf32>
    %reduce_min3A_984 = arith.constant dense<0x7F800000> : vector<512xf32>
    %reduce_min3A_985 = vector.multi_reduction <minimumf>, %add3A_983, %reduce_min3A_984 [1] : vector<512x512xf32> to vector<512xf32>
    %broadcast_in_dim3A_986 = vector.shape_cast %reduce_min3A_985 : vector<512xf32> to vector<512x1xf32>
    %eq3A_987 = vector.broadcast %broadcast_in_dim3A_986 : vector<512x1xf32> to vector<512x512xf32>
    %eq3A_988 = arith.cmpf oeq, %add3A_983, %eq3A_987 : vector<512x512xf32>
    %jit3A_989 = arith.constant 512 : i32
    %broadcast_in_dim3A_990 = vector.broadcast %jit3A_989 : i32 to vector<512x512xi32>
    %select_n3A_991 = arith.select %eq3A_988, %iota3A, %broadcast_in_dim3A_990 : vector<512x512xi1>, vector<512x512xi32>
    %reduce_min3A_992 = arith.constant dense<2147483647> : vector<512xi32>
    %reduce_min3A_993 = vector.multi_reduction <minsi>, %select_n3A_991, %reduce_min3A_992 [1] : vector<512x512xi32> to vector<512xi32>
    %broadcast_in_dim3A_994 = vector.shape_cast %reduce_min3A_993 : vector<512xi32> to vector<512x1xi32>
    %eq3A_995 = vector.broadcast %broadcast_in_dim3A_994 : vector<512x1xi32> to vector<512x512xi32>
    %eq3A_996 = arith.cmpi eq, %iota3A, %eq3A_995 : vector<512x512xi32>
    %convert_element_type3A_997 = arith.extui %eq3A_996 : vector<512x512xi1> to vector<512x512xi32>
    %convert_element_type3A_998 = arith.sitofp %convert_element_type3A_997 : vector<512x512xi32> to vector<512x512xf32>
    %broadcast_in_dim3A_999 = vector.shape_cast %reduce_min3A_993 : vector<512xi32> to vector<512x1xi32>
    %mul3A_1000 = arith.constant 1.000000e+30 : f32
    %mul3A_1001 = vector.broadcast %mul3A_1000 : f32 to vector<512x512xf32>
    %mul3A_1002 = arith.mulf %convert_element_type3A_998, %mul3A_1001 : vector<512x512xf32>
    %add3A_1003 = arith.addf %add3A_983, %mul3A_1002 : vector<512x512xf32>
    %reduce_min3A_1004 = arith.constant dense<0x7F800000> : vector<512xf32>
    %reduce_min3A_1005 = vector.multi_reduction <minimumf>, %add3A_1003, %reduce_min3A_1004 [1] : vector<512x512xf32> to vector<512xf32>
    %broadcast_in_dim3A_1006 = vector.shape_cast %reduce_min3A_1005 : vector<512xf32> to vector<512x1xf32>
    %eq3A_1007 = vector.broadcast %broadcast_in_dim3A_1006 : vector<512x1xf32> to vector<512x512xf32>
    %eq3A_1008 = arith.cmpf oeq, %add3A_1003, %eq3A_1007 : vector<512x512xf32>
    %jit3A_1009 = arith.constant 512 : i32
    %broadcast_in_dim3A_1010 = vector.broadcast %jit3A_1009 : i32 to vector<512x512xi32>
    %select_n3A_1011 = arith.select %eq3A_1008, %iota3A, %broadcast_in_dim3A_1010 : vector<512x512xi1>, vector<512x512xi32>
    %reduce_min3A_1012 = arith.constant dense<2147483647> : vector<512xi32>
    %reduce_min3A_1013 = vector.multi_reduction <minsi>, %select_n3A_1011, %reduce_min3A_1012 [1] : vector<512x512xi32> to vector<512xi32>
    %broadcast_in_dim3A_1014 = vector.shape_cast %reduce_min3A_1013 : vector<512xi32> to vector<512x1xi32>
    %eq3A_1015 = vector.broadcast %broadcast_in_dim3A_1014 : vector<512x1xi32> to vector<512x512xi32>
    %eq3A_1016 = arith.cmpi eq, %iota3A, %eq3A_1015 : vector<512x512xi32>
    %convert_element_type3A_1017 = arith.extui %eq3A_1016 : vector<512x512xi1> to vector<512x512xi32>
    %convert_element_type3A_1018 = arith.sitofp %convert_element_type3A_1017 : vector<512x512xi32> to vector<512x512xf32>
    %broadcast_in_dim3A_1019 = vector.shape_cast %reduce_min3A_1013 : vector<512xi32> to vector<512x1xi32>
    %mul3A_1020 = arith.constant 1.000000e+30 : f32
    %mul3A_1021 = vector.broadcast %mul3A_1020 : f32 to vector<512x512xf32>
    %mul3A_1022 = arith.mulf %convert_element_type3A_1018, %mul3A_1021 : vector<512x512xf32>
    %add3A_1023 = arith.addf %add3A_1003, %mul3A_1022 : vector<512x512xf32>
    %reduce_min3A_1024 = arith.constant dense<0x7F800000> : vector<512xf32>
    %reduce_min3A_1025 = vector.multi_reduction <minimumf>, %add3A_1023, %reduce_min3A_1024 [1] : vector<512x512xf32> to vector<512xf32>
    %broadcast_in_dim3A_1026 = vector.shape_cast %reduce_min3A_1025 : vector<512xf32> to vector<512x1xf32>
    %eq3A_1027 = vector.broadcast %broadcast_in_dim3A_1026 : vector<512x1xf32> to vector<512x512xf32>
    %eq3A_1028 = arith.cmpf oeq, %add3A_1023, %eq3A_1027 : vector<512x512xf32>
    %jit3A_1029 = arith.constant 512 : i32
    %broadcast_in_dim3A_1030 = vector.broadcast %jit3A_1029 : i32 to vector<512x512xi32>
    %select_n3A_1031 = arith.select %eq3A_1028, %iota3A, %broadcast_in_dim3A_1030 : vector<512x512xi1>, vector<512x512xi32>
    %reduce_min3A_1032 = arith.constant dense<2147483647> : vector<512xi32>
    %reduce_min3A_1033 = vector.multi_reduction <minsi>, %select_n3A_1031, %reduce_min3A_1032 [1] : vector<512x512xi32> to vector<512xi32>
    %broadcast_in_dim3A_1034 = vector.shape_cast %reduce_min3A_1033 : vector<512xi32> to vector<512x1xi32>
    %concatenate3A_1035 = tpu.concatenate %broadcast_in_dim3A_659, %broadcast_in_dim3A_679, %broadcast_in_dim3A_699, %broadcast_in_dim3A_719, %broadcast_in_dim3A_739, %broadcast_in_dim3A_759, %broadcast_in_dim3A_779, %broadcast_in_dim3A_799, %broadcast_in_dim3A_819, %broadcast_in_dim3A_839, %broadcast_in_dim3A_859, %broadcast_in_dim3A_879, %broadcast_in_dim3A_899, %broadcast_in_dim3A_919, %broadcast_in_dim3A_939, %broadcast_in_dim3A_959, %broadcast_in_dim3A_979, %broadcast_in_dim3A_999, %broadcast_in_dim3A_1019, %broadcast_in_dim3A_1034 in 1 : vector<512x1xi32>, vector<512x1xi32>, vector<512x1xi32>, vector<512x1xi32>, vector<512x1xi32>, vector<512x1xi32>, vector<512x1xi32>, vector<512x1xi32>, vector<512x1xi32>, vector<512x1xi32>, vector<512x1xi32>, vector<512x1xi32>, vector<512x1xi32>, vector<512x1xi32>, vector<512x1xi32>, vector<512x1xi32>, vector<512x1xi32>, vector<512x1xi32>, vector<512x1xi32>, vector<512x1xi32> -> vector<512x20xi32>
    %mul3A_1036 = arith.constant 512 : i32
    %mul3A_1037 = arith.muli %mul3A_1036, %arg0 : i32
    %add3A_1038 = vector.broadcast %mul3A_1037 : i32 to vector<512x20xi32>
    %add3A_1039 = arith.addi %concatenate3A_1035, %add3A_1038 : vector<512x20xi32>
    %swap3A_1040 = arith.constant 0 : index
    %swap3A_1041 = arith.constant 0 : index
    %swap3A_1042 = arith.constant 0 : index
    %swap3A_1043 = vector.load %arg7[%swap3A_1040, %swap3A_1041, %swap3A_1042] : memref<1x512x20xi32, #tpu.memory_space<vmem>>, vector<1x512x20xi32>
    %swap3A_1044 = vector.shape_cast %swap3A_1043 : vector<1x512x20xi32> to vector<512x20xi32>
    %swap3A_1045 = vector.shape_cast %add3A_1039 : vector<512x20xi32> to vector<1x512x20xi32>
    tpu.vector_store %arg7[%swap3A_1040, %swap3A_1041, %swap3A_1042], %swap3A_1045 {strides = array<i32>} : memref<1x512x20xi32, #tpu.memory_space<vmem>>, vector<1x512x20xi32>,
    return
  }
  func.func @transform_0(%arg0: i32) -> (i32, i32, i32) {
    %c0_i32 = arith.constant 0 : i32
    %c0_i32_0 = arith.constant 0 : i32
    %c0_i32_1 = arith.constant 0 : i32
    return %arg0, %c0_i32, %c0_i32_0 : i32, i32, i32
  }
  func.func @transform_1(%arg0: i32) -> (i32, i32) {
    %c0_i32 = arith.constant 0 : i32
    %c0_i32_0 = arith.constant 0 : i32
    %c0_i32_1 = arith.constant 0 : i32
    return %c0_i32, %c0_i32_0 : i32, i32
  }
  func.func @transform_2(%arg0: i32) -> (i32, i32, i32) {
    %c0_i32 = arith.constant 0 : i32
    %c0_i32_0 = arith.constant 0 : i32
    %c0_i32_1 = arith.constant 0 : i32
    %c0_i32_2 = arith.constant 0 : i32
    return %c0_i32, %c0_i32_0, %c0_i32_1 : i32, i32, i32
  }
  func.func @transform_3(%arg0: i32) -> (i32, i32) {
    %c0_i32 = arith.constant 0 : i32
    %c0_i32_0 = arith.constant 0 : i32
    %c0_i32_1 = arith.constant 0 : i32
    return %c0_i32, %c0_i32_0 : i32, i32
  }
  func.func @transform_4(%arg0: i32) -> (i32, i32) {
    %c0_i32 = arith.constant 0 : i32
    %c0_i32_0 = arith.constant 0 : i32
    %c0_i32_1 = arith.constant 0 : i32
    return %c0_i32, %c0_i32_0 : i32, i32
  }
  func.func @transform_5(%arg0: i32) -> (i32, i32, i32) {
    %c0_i32 = arith.constant 0 : i32
    %c0_i32_0 = arith.constant 0 : i32
    %c0_i32_1 = arith.constant 0 : i32
    return %arg0, %c0_i32, %c0_i32_0 : i32, i32, i32
  }
  func.func @transform_6(%arg0: i32) -> (i32, i32, i32) {
    %c0_i32 = arith.constant 0 : i32
    %c0_i32_0 = arith.constant 0 : i32
    %c0_i32_1 = arith.constant 0 : i32
    return %arg0, %c0_i32, %c0_i32_0 : i32, i32, i32
  }
}

module attributes {stable_mosaic.version = 14 : i64} {
  func.func @_net_c_body(%arg0: i32, %arg1: memref<1x512x5120xf32, #tpu.memory_space<vmem>>, %arg2: memref<5120x200xf32, #tpu.memory_space<vmem>>, %arg3: memref<200x40xf32, #tpu.memory_space<vmem>>, %arg4: memref<40x200xf32, #tpu.memory_space<vmem>>, %arg5: memref<1x512x40xf32, #tpu.memory_space<vmem>>) attributes {dimension_semantics = [#tpu.dimension_semantics<arbitrary>], iteration_bounds = array<i64: 8>, scalar_prefetch = 0 : i64, scratch_operands = 0 : i64, tpu.core_type = #tpu.core_type<tc>, window_params = [{transform_indices = @transform_0, window_bounds = array<i64: 1, 512, 5120>}, {pipeline_mode = #tpu.pipeline_mode<synchronous>, transform_indices = @transform_1, window_bounds = array<i64: 5120, 200>}, {pipeline_mode = #tpu.pipeline_mode<synchronous>, transform_indices = @transform_2, window_bounds = array<i64: 200, 40>}, {pipeline_mode = #tpu.pipeline_mode<synchronous>, transform_indices = @transform_3, window_bounds = array<i64: 40, 200>}, {transform_indices = @transform_4, window_bounds = array<i64: 1, 512, 40>}]} {
    %get3A = arith.constant 0 : index
    %get3A_0 = arith.constant 0 : index
    %get3A_1 = arith.constant 0 : index
    %get3A_2 = vector.load %arg1[%get3A, %get3A_0, %get3A_1] : memref<1x512x5120xf32, #tpu.memory_space<vmem>>, vector<1x512x5120xf32>
    %get3A_3 = vector.shape_cast %get3A_2 : vector<1x512x5120xf32> to vector<512x5120xf32>
    %get3A_4 = arith.constant 0 : index
    %get3A_5 = arith.constant 0 : index
    %get3A_6 = vector.load %arg2[%get3A_4, %get3A_5] : memref<5120x200xf32, #tpu.memory_space<vmem>>, vector<5120x200xf32>
    %dot_general3A = arith.constant dense<0.000000e+00> : vector<512x200xf32>
    %dot_general3A_7 = tpu.matmul %get3A_3, %get3A_6, %dot_general3A {dimension_numbers = #tpu.dot_dimension_numbers<[1], [0], [0], [1], [0, 0, 1, 1], [], []>, transpose_lhs_hint = false} : vector<512x5120xf32>, vector<5120x200xf32>, vector<512x200xf32> -> vector<512x200xf32>
    %mul3A = arith.mulf %dot_general3A_7, %dot_general3A_7 : vector<512x200xf32>
    %get3A_8 = arith.constant 0 : index
    %get3A_9 = arith.constant 0 : index
    %get3A_10 = vector.load %arg3[%get3A_8, %get3A_9] : memref<200x40xf32, #tpu.memory_space<vmem>>, vector<200x40xf32>
    %dot_general3A_11 = arith.constant dense<0.000000e+00> : vector<512x40xf32>
    %dot_general3A_12 = tpu.matmul %mul3A, %get3A_10, %dot_general3A_11 {dimension_numbers = #tpu.dot_dimension_numbers<[1], [0], [0], [1], [0, 0, 1, 1], [], []>, transpose_lhs_hint = false} : vector<512x200xf32>, vector<200x40xf32>, vector<512x40xf32> -> vector<512x40xf32>
    %sqrt3A = math.sqrt %dot_general3A_12 : vector<512x40xf32>
    %add3A = arith.constant 9.99999993E-9 : f32
    %add3A_13 = vector.broadcast %add3A : f32 to vector<512x40xf32>
    %add3A_14 = arith.addf %sqrt3A, %add3A_13 : vector<512x40xf32>
    %get3A_15 = arith.constant 0 : index
    %get3A_16 = arith.constant 0 : index
    %get3A_17 = vector.load %arg4[%get3A_15, %get3A_16] : memref<40x200xf32, #tpu.memory_space<vmem>>, vector<40x200xf32>
    %dot_general3A_18 = arith.constant dense<0.000000e+00> : vector<512x200xf32>
    %dot_general3A_19 = tpu.matmul %add3A_14, %get3A_17, %dot_general3A_18 {dimension_numbers = #tpu.dot_dimension_numbers<[1], [0], [0], [1], [0, 0, 1, 1], [], []>, transpose_lhs_hint = false} : vector<512x40xf32>, vector<40x200xf32>, vector<512x200xf32> -> vector<512x200xf32>
    %div3A = arith.divf %dot_general3A_7, %dot_general3A_19 : vector<512x200xf32>
    %broadcast_in_dim3A = arith.constant 0.001953125 : f32
    %broadcast_in_dim3A_20 = vector.broadcast %broadcast_in_dim3A : f32 to vector<1x512xf32>
    %dot_general3A_21 = arith.constant dense<0.000000e+00> : vector<1x200xf32>
    %dot_general3A_22 = tpu.matmul %broadcast_in_dim3A_20, %div3A, %dot_general3A_21 {dimension_numbers = #tpu.dot_dimension_numbers<[1], [0], [0], [1], [0, 0, 1, 1], [], []>, transpose_lhs_hint = false} : vector<1x512xf32>, vector<512x200xf32>, vector<1x200xf32> -> vector<1x200xf32>
    %sub3A = vector.broadcast %dot_general3A_22 : vector<1x200xf32> to vector<512x200xf32>
    %sub3A_23 = arith.subf %div3A, %sub3A : vector<512x200xf32>
    %mul3A_24 = arith.mulf %sub3A_23, %sub3A_23 : vector<512x200xf32>
    %get3A_25 = arith.constant 0 : index
    %get3A_26 = arith.constant 0 : index
    %get3A_27 = vector.load %arg3[%get3A_25, %get3A_26] : memref<200x40xf32, #tpu.memory_space<vmem>>, vector<200x40xf32>
    %dot_general3A_28 = arith.constant dense<0.000000e+00> : vector<512x40xf32>
    %dot_general3A_29 = tpu.matmul %mul3A_24, %get3A_27, %dot_general3A_28 {dimension_numbers = #tpu.dot_dimension_numbers<[1], [0], [0], [1], [0, 0, 1, 1], [], []>, transpose_lhs_hint = false} : vector<512x200xf32>, vector<200x40xf32>, vector<512x40xf32> -> vector<512x40xf32>
    %add3A_30 = arith.constant 9.99999993E-9 : f32
    %add3A_31 = vector.broadcast %add3A_30 : f32 to vector<512x40xf32>
    %add3A_32 = arith.addf %dot_general3A_29, %add3A_31 : vector<512x40xf32>
    %sqrt3A_33 = math.sqrt %add3A_32 : vector<512x40xf32>
    %swap3A = arith.constant 0 : index
    %swap3A_34 = arith.constant 0 : index
    %swap3A_35 = arith.constant 0 : index
    %swap3A_36 = vector.load %arg5[%swap3A, %swap3A_34, %swap3A_35] : memref<1x512x40xf32, #tpu.memory_space<vmem>>, vector<1x512x40xf32>
    %swap3A_37 = vector.shape_cast %swap3A_36 : vector<1x512x40xf32> to vector<512x40xf32>
    %swap3A_38 = vector.shape_cast %sqrt3A_33 : vector<512x40xf32> to vector<1x512x40xf32>
    tpu.vector_store %arg5[%swap3A, %swap3A_34, %swap3A_35], %swap3A_38 {strides = array<i32>} : memref<1x512x40xf32, #tpu.memory_space<vmem>>, vector<1x512x40xf32>,
    return
  }
  func.func @transform_0(%arg0: i32) -> (i32, i32, i32) {
    %c0_i32 = arith.constant 0 : i32
    %c0_i32_0 = arith.constant 0 : i32
    %c0_i32_1 = arith.constant 0 : i32
    return %arg0, %c0_i32, %c0_i32_0 : i32, i32, i32
  }
  func.func @transform_1(%arg0: i32) -> (i32, i32) {
    %c0_i32 = arith.constant 0 : i32
    %c0_i32_0 = arith.constant 0 : i32
    %c0_i32_1 = arith.constant 0 : i32
    return %c0_i32, %c0_i32_0 : i32, i32
  }
  func.func @transform_2(%arg0: i32) -> (i32, i32) {
    %c0_i32 = arith.constant 0 : i32
    %c0_i32_0 = arith.constant 0 : i32
    %c0_i32_1 = arith.constant 0 : i32
    return %c0_i32, %c0_i32_0 : i32, i32
  }
  func.func @transform_3(%arg0: i32) -> (i32, i32) {
    %c0_i32 = arith.constant 0 : i32
    %c0_i32_0 = arith.constant 0 : i32
    %c0_i32_1 = arith.constant 0 : i32
    return %c0_i32, %c0_i32_0 : i32, i32
  }
  func.func @transform_4(%arg0: i32) -> (i32, i32, i32) {
    %c0_i32 = arith.constant 0 : i32
    %c0_i32_0 = arith.constant 0 : i32
    %c0_i32_1 = arith.constant 0 : i32
    return %arg0, %c0_i32, %c0_i32_0 : i32, i32, i32
  }
}

module attributes {stable_mosaic.version = 14 : i64} {
  func.func @_fc_body(%arg0: memref<32x20480xf32, #tpu.memory_space<vmem>>, %arg1: memref<20480x40xf32, #tpu.memory_space<vmem>>, %arg2: memref<1x40xf32, #tpu.memory_space<vmem>>, %arg3: memref<32x40xf32, #tpu.memory_space<vmem>>) attributes {dimension_semantics = [], scalar_prefetch = 0 : i64, scratch_operands = 0 : i64, tpu.core_type = #tpu.core_type<tc>} {
    %get3A = arith.constant 0 : index
    %get3A_0 = arith.constant 0 : index
    %get3A_1 = vector.load %arg0[%get3A, %get3A_0] : memref<32x20480xf32, #tpu.memory_space<vmem>>, vector<32x20480xf32>
    %get3A_2 = arith.constant 0 : index
    %get3A_3 = arith.constant 0 : index
    %get3A_4 = vector.load %arg1[%get3A_2, %get3A_3] : memref<20480x40xf32, #tpu.memory_space<vmem>>, vector<20480x40xf32>
    %dot_general3A = arith.constant dense<0.000000e+00> : vector<32x40xf32>
    %dot_general3A_5 = tpu.matmul %get3A_1, %get3A_4, %dot_general3A {dimension_numbers = #tpu.dot_dimension_numbers<[1], [0], [0], [1], [0, 0, 1, 1], [], []>, transpose_lhs_hint = false} : vector<32x20480xf32>, vector<20480x40xf32>, vector<32x40xf32> -> vector<32x40xf32>
    %get3A_6 = arith.constant 0 : index
    %get3A_7 = arith.constant 0 : index
    %get3A_8 = vector.load %arg2[%get3A_6, %get3A_7] : memref<1x40xf32, #tpu.memory_space<vmem>>, vector<1x40xf32>
    %add3A = vector.broadcast %get3A_8 : vector<1x40xf32> to vector<32x40xf32>
    %add3A_9 = arith.addf %dot_general3A_5, %add3A : vector<32x40xf32>
    %swap3A = arith.constant 0 : index
    %swap3A_10 = arith.constant 0 : index
    %swap3A_11 = vector.load %arg3[%swap3A, %swap3A_10] : memref<32x40xf32, #tpu.memory_space<vmem>>, vector<32x40xf32>
    tpu.vector_store %arg3[%swap3A, %swap3A_10], %add3A_9 {strides = array<i32>} : memref<32x40xf32, #tpu.memory_space<vmem>>, vector<32x40xf32>,
    return
  }
}

</mosaic_0001>

<sc_bundles>
// kernel: kernel.15.cloned.1.call-start
scs
__scs_entry_jumppad:
0x0: {  	(pc) =	sbr.rel $0x88, $3  }
0x1: {  	(tag) =	ssettag $0x0;
	lr =	simm.s32 $0x1  }
0x2: {  	[smem:$0x3F9B] =	sst lr;
	_ =	strace $0xD0000000  }
0x3: {  	_ = 	snop  }
0x4: {  	_ = 	snop  }
0x5: {  	_ = 	snop  }
0x6: {  	_ = 	snop  }
0x7: {  	_ = 	snop  }
__scs_overlays_trampoline_lowered:
0x8: {  	[smem:$0x3FAA] =	sst s0  }
0x9: {  	[smem:$0x3FAB] =	sst s1  }
0xa: {  	[smem:$0x3FAC] =	sst s2  }
0xb: {  	[smem:$0x3FAD] =	sst s3  }
0xc: {  	[smem:$0x3FAE] =	sst s4  }
0xd: {  	[smem:$0x3FAF] =	sst s5  }
0xe: {  	[smem:$0x3FB0] =	sst s6  }
0xf: {  	[smem:$0x3FB1] =	sst s7  }
0x10: {  	[smem:$0x3FB2] =	sst s8  }
0x11: {  	[smem:$0x3FB3] =	sst s9;
	s0 =	simm.s32 @!p0 $0x0  }
0x12: {  	s1 =	sld [smem:$0x3F99];
	s0 =	simm.s32 @p0 $0x1  }
0x13: {  	[smem:$0x3FB4] =	sst s0;
	s0 =	simm.s32 @!p1 $0x0  }
0x14: {  	s2 =	sld [smem:$0x3F98];
	s0 =	simm.s32 @p1 $0x1  }
0x15: {  	[smem:$0x3FB5] =	sst s0;
	s0 =	simm.s32 @!p2 $0x0  }
0x16: {  	s3 =	sld [smem:$0x3FDB];
	s0 =	simm.s32 @p2 $0x1  }
0x17: {  	s4 =	simm.s32 $0x1BF5;
	[smem:$0x3FB7] =	sst s0  }
0x18: {  	s0 =	sld [smem:$0x3F9A];
	_ =	swait.ge [sflag:s4], $0x0  }
0x19: {  	s7 =	sld [smem:$0x3F9B]  }
0x1a: {  	s8 =	sadd.s32 $0xFFFFE003, lr  }
0x1b: {  	s9 =	sadd.s32 $0xFFFFFEF7, lr;
	s5 =	simm.s32 $0xFFFFFFFF;
	p2 =	slt.u32 s8, $0xFFFFF086  }
0x1c: {  	p1 =	slt.u32 s9, $0xF7A;
	s5 =	simm.s32 @!p2 $0x0  }
0x1d: {  	s5 =	simm.s32 @p1 $0x1;
	p0 =	seq.s32 s7, s2  }
0x1e: {  	s7 =	smul.u32 @!p0 $0xF7A, s2;
	p2 =	seq.s32 @!p0 s5, $0x0  }
0x1f: {  	s9 =	smul.u32 $0xF7A, s1;
	s8 =	simm.s32 @!p0 $0x1BF5;
	p2 =	por !p2, p0  }
0x20: {  	[sflag:s8] =	ssyncset.s32 @!p0 $0xFFFFF086;
	s6 =	sadd.s32 @!p0 s3, s7;
	s7 =	simm.s32 @!p0 $0x108  }
0x21: {  	s3 =	sadd.s32 s3, s9;
	s6 =	sadd.s32 @!p0 $0x88, s6;
	s7 =	simm.s32 @p2 $0x1082  }
0x22: {  	[simem:s7], [sflag:s8] =	dma.local @!p0 [hbm:s6], $0xF7A  }
0x23: {  	s9 =	sor.u32 $0xD0000000, s2;
	s6 =	simm.s32 $0x108;
	_ =	swait.ge @!p0 [sflag:s8], $0x0  }
0x24: {  	s3 =	sadd.s32 $0x88, s3;
	s6 =	simm.s32 @!p1 $0x1082;
	[sflag:s4] =	ssyncset.s32 $0xFFFFF086  }
0x25: {  	[simem:s6], [sflag:s4] =	dma.local [hbm:s3], $0xF7A  }
0x26: {  	[smem:$0x3F9B] =	sst s1;
	(tag) =	ssettag s2;
	_ =	strace s9  }
0x27: {  	s1 =	sld [smem:$0x3FAB]  }
0x28: {  	s2 =	sld [smem:$0x3FAC]  }
0x29: {  	s4 =	sld [smem:$0x3FAE]  }
0x2a: {  	p0 =	seq.s32 s5, $0x0;
	s5 =	sld [smem:$0x3FAF]  }
0x2b: {  	s6 =	sld [smem:$0x3FB0]  }
0x2c: {  	s7 =	sld [smem:$0x3FB1]  }
0x2d: {  	s3 =	simm.s32 $0x108;
	s8 =	sld [smem:$0x3FB2]  }
0x2e: {  	s3 =	simm.s32 @!p0 $0x1082;
	s9 =	sld [smem:$0x3FB3]  }
0x2f: {  	lr =	sadd.s32 s0, s3;
	s0 =	sld [smem:$0x3FAA]  }
0x30: {  	s3 =	sld [smem:$0x3FAD]  }
0x31: {  	[smem:$0x3FB6] =	sst s10  }
0x32: {  	s10 =	sld [smem:$0x3FB4];
	_ =	sdelay $0x3  }
0x33: {  	p0 =	seq.s32 s10, $0x1;
	s10 =	sld [smem:$0x3FB6];
	_ =	sdelay $0x3  }
0x34: {  	[smem:$0x3FB6] =	sst s10  }
0x35: {  	s10 =	sld [smem:$0x3FB5];
	_ =	sdelay $0x3  }
0x36: {  	p1 =	seq.s32 s10, $0x1;
	s10 =	sld [smem:$0x3FB6];
	_ =	sdelay $0x3  }
0x37: {  	[smem:$0x3FB6] =	sst s10  }
0x38: {  	s10 =	sld [smem:$0x3FB7]  }
0x39: {  	_ = 	snop;
	(pc) =	sbr.ind lr, $3  }
0x3a: {  	_ = 	snop  }
0x3b: {  	_ = 	snop  }
0x3c: {  	p2 =	seq.s32 s10, $0x1;
	s10 =	sld [smem:$0x3FB6]  }
0x3d: {  	_ =	shalt  }
0x3e: {  	_ =	shalt  }
0x3f: {  	_ =	shalt  }
0x40: {  	_ =	shalt  }
0x41: {  	_ =	shalt  }
0x42: {  	_ =	shalt  }
0x43: {  	_ =	shalt  }
0x44: {  	_ =	shalt  }
0x45: {  	_ =	shalt  }
0x46: {  	_ =	shalt  }
0x47: {  	_ =	shalt  }
0x48: {  	_ =	shalt  }
0x49: {  	_ =	shalt  }
0x4a: {  	_ =	shalt  }
0x4b: {  	_ =	shalt  }
0x4c: {  	_ =	shalt  }
0x4d: {  	_ =	shalt  }
0x4e: {  	_ =	shalt  }
0x4f: {  	_ =	shalt  }
0x50: {  	_ =	shalt  }
0x51: {  	_ =	shalt  }
0x52: {  	_ =	shalt  }
0x53: {  	_ =	shalt  }
0x54: {  	_ =	shalt  }
0x55: {  	_ =	shalt  }
0x56: {  	_ =	shalt  }
0x57: {  	_ =	shalt  }
0x58: {  	_ =	shalt  }
0x59: {  	_ =	shalt  }
0x5a: {  	_ =	shalt  }
0x5b: {  	_ =	shalt  }
0x5c: {  	_ =	shalt  }
0x5d: {  	_ =	shalt  }
0x5e: {  	_ =	shalt  }
0x5f: {  	_ =	shalt  }
0x60: {  	_ =	shalt  }
0x61: {  	_ =	shalt  }
0x62: {  	_ =	shalt  }
0x63: {  	_ =	shalt  }
0x64: {  	_ =	shalt  }
0x65: {  	_ =	shalt  }
0x66: {  	_ =	shalt  }
0x67: {  	_ =	shalt  }
0x68: {  	_ =	shalt  }
0x69: {  	_ =	shalt  }
0x6a: {  	_ =	shalt  }
0x6b: {  	_ =	shalt  }
0x6c: {  	_ =	shalt  }
0x6d: {  	_ =	shalt  }
0x6e: {  	_ =	shalt  }
0x6f: {  	_ =	shalt  }
0x70: {  	_ =	shalt  }
0x71: {  	_ =	shalt  }
0x72: {  	_ =	shalt  }
0x73: {  	_ =	shalt  }
0x74: {  	_ =	shalt  }
0x75: {  	_ =	shalt  }
0x76: {  	_ =	shalt  }
0x77: {  	_ =	shalt  }
0x78: {  	_ =	shalt  }
0x79: {  	_ =	shalt  }
0x7a: {  	_ =	shalt  }
0x7b: {  	_ =	shalt  }
0x7c: {  	_ =	shalt  }
0x7d: {  	_ =	shalt  }
0x7e: {  	_ =	shalt  }
0x7f: {  	_ =	shalt  }
0x80: {  	_ =	shalt  }
0x81: {  	_ =	shalt  }
0x82: {  	_ =	shalt  }
0x83: {  	_ =	shalt  }
0x84: {  	_ =	shalt  }
0x85: {  	_ =	shalt  }
0x86: {  	_ =	shalt  }
0x87: {  	_ =	shalt  }
.Lfunc_end0:
.L_simem_size_0:
called_computation_lowered:
.L_overlay_start_0:
0x88: {  	s2 =	sld [smem:$0x3FD9]  }
0x89: {  	s3 =	sld [smem:$0x3FFE];
	_ =	sdelay $0x1  }
0x8a: {  	s1 =	srdreg.scid  }
0x8b: {  	s0 =	sand.u32 $0x1, s1  }
0x8c: {  	s16 =	sshll.u32 s0, $0xA;
	s2 =	sadd.s32 s3, s2  }
0x8d: {  	s2 =	sadd.s32 s2, s16  }
0x8e: {  	[smem:$0x3FC2] =	sst s2  }
0x8f: {  	_ = 	snop  }
0x90: {  	(tm) =	ssettm $0x1  }
0x91: {  	s17 =	sld [smem:$0x3FFB];
	_ =	sdelay $0x3  }
0x92: {  	_ =	strace s17  }
0x93: {  	s2 =	sld [smem:$0x3FFC];
	_ =	sdelay $0x3  }
0x94: {  	_ =	strace s2  }
0x95: {  	s2 =	sld [smem:$0x3FFD];
	_ =	sdelay $0x3  }
0x96: {  	_ =	strace s2  }
0x97: {  	_ =	strace $0x8FFFFFFF  }
0x98: {  	s18 =	sld [smem:$0x3FDB];
	_ =	sdelay $0x1  }
0x99: {  	s19 =	simm.s32 $_scs_section_size  }
0x9a: {  	s4 =	simm.s32 $_size__tile_overlayer_lowered;
	s5 =	simm.s32 $_tile_overlayer_lowered  }
0x9b: {  	s22 =	simm.s32 $0x1BFF;
	s21 =	sshll.u32 s5, $0x1;
	s2 =	sadd.s32 s19, s18  }
0x9c: {  	s6 =	simm.s32 $0x0;
	s20 =	sshll.u32 s4, $0x1;
	s4 =	sadd.s32 s21, s2  }
0x9d: {  	[timem:s6], [sflag:s22] =	dma.local [hbm:s4], s20  }
0x9e: {  	_ =	swait.ge [sflag:s22], s20  }
0x9f: {  	s3 =	ssub.s32 $0x0, s20;
	[sflag:s22] =	ssyncset.done $0x0  }
0xa0: {  	[sflag:s22] =	ssyncadd.s32 s3;
	_ =	sdelay $0x1  }
0xa1: {  	s23 =	simm.s32 $0x1B8B  }
0xa2: {  	_ =	swait.ge [sflag:s23], $0x1  }
0xa3: {  	[sflag:s23] =	ssyncset.done $0x0  }
0xa4: {  	s25 =	simm.s32 $0x1B8E;
	s24 =	sld [smem:$0x3FFE];
	[sflag:s23] =	ssyncadd.s32 $0xFFFFFFFF  }
0xa5: {  	s26 =	simm.s32 $execute0_lowered;
	[smem:$0x3FD2] =	sst s25  }
0xa6: {  	s4 =	sshll.u32 s26, $0x1;
	_ =	strace $0x80000046;
	[dreg:$0x1] =	wrdreg $0xFFFFFFFF  }
0xa7: {  	s28 =	simm.s32 $_size_execute0_lowered;
	s2 =	sadd.s32 s2, s4;
	[dreg:$0x0] =	wrdreg $0x0  }
0xa8: {  	s4 =	sshll.u32 s28, $0x1;
	[dreg:$0x2] =	wrdreg s2  }
0xa9: {  	[dreg:$0x3] =	wrdreg s4  }
0xaa: {  	[dreg:$0x4] =	wrdreg $0xC0  }
0xab: {  	_ =	task [dreg:s6], $0x5FFFF  }
0xac: {  	[dreg:$0x1] =	wrdreg $0xFFFFFFFF  }
0xad: {  	[dreg:$0x0] =	wrdreg $0x60  }
0xae: {  	[dreg:$0x2] =	wrdreg s24  }
0xaf: {  	[dreg:$0x3] =	wrdreg $0x9  }
0xb0: {  	_ =	task.clear_ibuf [dreg:s6], $0x4FFFF;
	_ =	strace $0x90000046  }
0xb1: {  	s29 =	simm.s32 $0x9;
	_ =	strace $0x80000048  }
0xb2: {  	_ =	swait.ge [sflag:s29], $0x1  }
0xb3: {  	[sflag:s29] =	ssyncadd.s32 $0xFFFFFFFF  }
0xb4: {  	_ =	strace $0x90000048  }
0xb5: {  	_ =	sfence  }
0xb6: {  	s30 =	sld [smem:$0x0];
	_ =	sdelay $0x2  }
0xb7: {  	s31 =	sshll.u32 s1, $0xD;
	s1 =	sshrl.u32 s1, $0x2  }
0xb8: {  	s3 =	sand.u32 $0x4000, s31;
	s1 =	sadd.s32 s1, s30  }
0xb9: {  	s0 =	sor.u32 s3, s0;
	s1 =	sshll.u32 s1, $0x11  }
0xba: {  	s0 =	sor.u32 s1, s0  }
0xbb: {  	s0 =	sadd.s32 $0x8F2B, s0  }
0xbc: {  	[sflag:s0] =	ssyncadd.remote.s32 $0x1  }
0xbd: {  	_ =	sfence.sel $0xFFFF  }
0xbe: {  	[dreg:$0x0] =	wrdreg $0xFFFFFFFF;
	(pc) =	sbr.abs _section_cstart, $3  }
0xbf: {  	[dreg:$0x1] =	wrdreg $0xFFFFFFFF  }
0xc0: {  	_ =	task.clear_ibuf [dreg:s6], $0x2FFFF;
	_ =	strace $0x9FFFFFFF  }
0xc1: {  	(tm) =	ssettm $0x7FFFFFFF  }
tec
execute0_lowered:
.L_overlay_start_1:
0x0: {  	(tag) =	ssettag $0x1  }
0x1: {  	s4 =	rddreg [dreg:$0x0]  }
0x2: {  	s0 =	rddreg [dreg:$0x1];
	s2 =	simm.s32 $0x0;
	s3 =	srdreg.scid  }
0x3: {  	s1 =	stileid.u32;
	s9 =	simm.s32 $0x1200;
	s10 =	simm.s32 $0x1A00  }
0x4: {  	s11 =	simm.s32 $0x2200;
	s12 =	simm.s32 $0x2A00;
	s13 =	simm.s32 $0x3200  }
0x5: {  	s14 =	simm.s32 $0x3A00;
	s15 =	simm.s32 $0x4200;
	s16 =	simm.s32 $0x4A00  }
0x6: {  	s17 =	simm.s32 $0x5200;
	s18 =	simm.s32 $0x5A00;
	s19 =	simm.s32 $0x6200  }
0x7: {  	s20 =	simm.s32 $0x6A00;
	s21 =	simm.s32 $0x7200;
	s22 =	simm.s32 $0x7A00  }
0x8: {  	s23 =	simm.s32 $0x8200;
	s24 =	simm.s32 $0x1;
	s25 =	simm.s32 $0x0  }
0x9: {  	s5 =	sand.u32 $0x1, s3;
	s29 =	sshll.u32 s1, $0x1;
	s6 =	smul.u32 $0x140000, s1  }
0xa: {  	[smem:$0x7FF] =	sst s2;
	s3 =	sor.u32 s5, s29;
	s7 =	smul.u32 $0xA0000, s5  }
0xb: {  	_ =	strace $0x80000047;
	s5 =	ssub.s32 $0x2, s5;
	s8 =	smul.u32 $0x140, s3  }
0xc: {  	s3 =	sadd.s32 $0x3800, s4;
	s31 =	sshrl.u32 s5, $0x1;
	s6 =	sadd.s32 s7, s6  }
0xd: {  	v2 =	vlaneseq.u32;
	s5 =	ssub.s32 s5, s31;
	s7 =	simm.s32 $0x2;
	s6 =	sshrl.u32 s6, $0x3  }
0xe: {  	vm0 =	vmmov $0xffff;
	v1 =	vshrl.u32 v2, $0x3;
	s30 =	sadd.s32 s8, s4;
	s5 =	smax.u32 s5, $0x1;
	s6 =	sadd.s32 s6, s4  }
0xf: {  	v0 =	vand.u32 $0x7, v2;
	v2 =	vor.u32 $0x8, v2;
	v1 =	vmul.u32 $0x8, v1;
	s8 =	simm.s32 $0xA00;
	s4 =	sadd.s32 $0x23800, s30;
	s6 =	sadd.s32 $0x26000, s6  }
.LBB2_1:
0x10: {  	[tilespmem:s2], [sflag:$0x2] =	stream.linear.gather [hbm4b:s4+s2], $0xA00, $0x38;
	[tilespmem:$0x8A00] =	vst v63  }
0x11: {  	_ =	swait.ge [sflag:s7], $0xA00  }
0x12: {  	[sflag:s7] =	ssyncset.done $0x0  }
0x13: {  	s26 =	simm.s32 $0x40;
	s28 =	simm.s32 $0x0;
	[sflag:s7] =	ssyncadd.s32 $0xFFFFF600  }
.LBB2_2:
0x14: {  	v3 =	vld [tilespmem:s26+$0xFFFFFFC0];
	_ =	sdelay $0x4  }
0x15: {  	v4 =	vshll.u32 v3, $0x1  }
0x16: {  	v3 =	vand.u32 $0x7, v3;
	v4 =	vand.u32 $0xFFFFFFF0, v4  }
0x17: {  	v3 =	vor.u32 v3, v4  }
0x18: {  	v4 =	vperm.xlane v3, v0;
	_ =	sdelay $0x1  }
0x19: {  	v3 =	vperm.xlane v3, v2;
	v4 =	vadd.s32 v1, v4;
	_ =	sdelay $0x1  }
0x1a: {  	v3 =	vadd.s32 v1, v3;
	_ =	sdelay $0x2  }
0x1b: {  	[tilespmem:s8], [sflag:$0x1] =	stream.indirect_vreg.gather [hbm4b:s3+s2], $0x80, v4, vm0, $0xb8;
	[tilespmem:$0x8A00] =	vst v63  }
0x1c: {  	_ = 	snop  }
0x1d: {  	[tilespmem:s9], [sflag:$0x1] =	stream.indirect_vreg.gather [hbm4b:s3+s2], $0x80, v3, vm0, $0xb8;
	[tilespmem:$0x8A00] =	vst v63  }
0x1e: {  	v3 =	vld [tilespmem:s26+$0xFFFFFFD0];
	_ =	sdelay $0x4  }
0x1f: {  	v57 =	vshll.u32 v3, $0x1  }
0x20: {  	v3 =	vand.u32 $0x7, v3;
	v4 =	vand.u32 $0xFFFFFFF0, v57  }
0x21: {  	v3 =	vor.u32 v3, v4  }
0x22: {  	v4 =	vperm.xlane v3, v0;
	_ =	sdelay $0x1  }
0x23: {  	v3 =	vperm.xlane v3, v2;
	v4 =	vadd.s32 v1, v4;
	_ =	sdelay $0x1  }
0x24: {  	v3 =	vadd.s32 v1, v3;
	_ =	sdelay $0x2  }
0x25: {  	[tilespmem:s10], [sflag:$0x1] =	stream.indirect_vreg.gather [hbm4b:s3+s2], $0x80, v4, vm0, $0xb8;
	[tilespmem:$0x8A00] =	vst v63  }
0x26: {  	_ = 	snop  }
0x27: {  	[tilespmem:s11], [sflag:$0x1] =	stream.indirect_vreg.gather [hbm4b:s3+s2], $0x80, v3, vm0, $0xb8;
	[tilespmem:$0x8A00] =	vst v63  }
0x28: {  	v3 =	vld [tilespmem:s26+$0xFFFFFFE0];
	_ =	sdelay $0x4  }
0x29: {  	v58 =	vshll.u32 v3, $0x1  }
0x2a: {  	v3 =	vand.u32 $0x7, v3;
	v4 =	vand.u32 $0xFFFFFFF0, v58  }
0x2b: {  	v3 =	vor.u32 v3, v4  }
0x2c: {  	v4 =	vperm.xlane v3, v0;
	_ =	sdelay $0x1  }
0x2d: {  	v3 =	vperm.xlane v3, v2;
	v4 =	vadd.s32 v1, v4;
	_ =	sdelay $0x1  }
0x2e: {  	v3 =	vadd.s32 v1, v3;
	_ =	sdelay $0x2  }
0x2f: {  	[tilespmem:s12], [sflag:$0x1] =	stream.indirect_vreg.gather [hbm4b:s3+s2], $0x80, v4, vm0, $0xb8;
	[tilespmem:$0x8A00] =	vst v63  }
0x30: {  	_ = 	snop  }
0x31: {  	[tilespmem:s13], [sflag:$0x1] =	stream.indirect_vreg.gather [hbm4b:s3+s2], $0x80, v3, vm0, $0xb8;
	[tilespmem:$0x8A00] =	vst v63  }
0x32: {  	v3 =	vld [tilespmem:s26+$0xFFFFFFF0];
	_ =	sdelay $0x4  }
0x33: {  	v59 =	vshll.u32 v3, $0x1  }
0x34: {  	v3 =	vand.u32 $0x7, v3;
	v4 =	vand.u32 $0xFFFFFFF0, v59  }
0x35: {  	v3 =	vor.u32 v3, v4  }
0x36: {  	v4 =	vperm.xlane v3, v0;
	_ =	sdelay $0x1  }
0x37: {  	v3 =	vperm.xlane v3, v2;
	v4 =	vadd.s32 v1, v4;
	_ =	sdelay $0x1  }
0x38: {  	v3 =	vadd.s32 v1, v3;
	_ =	sdelay $0x2  }
0x39: {  	[tilespmem:s14], [sflag:$0x1] =	stream.indirect_vreg.gather [hbm4b:s3+s2], $0x80, v4, vm0, $0xb8;
	[tilespmem:$0x8A00] =	vst v63  }
0x3a: {  	_ = 	snop  }
0x3b: {  	[tilespmem:s15], [sflag:$0x1] =	stream.indirect_vreg.gather [hbm4b:s3+s2], $0x80, v3, vm0, $0xb8;
	[tilespmem:$0x8A00] =	vst v63  }
0x3c: {  	v3 =	vld [tilespmem:s26+$0x0];
	_ =	sdelay $0x4  }
0x3d: {  	v60 =	vshll.u32 v3, $0x1  }
0x3e: {  	v3 =	vand.u32 $0x7, v3;
	v4 =	vand.u32 $0xFFFFFFF0, v60  }
0x3f: {  	v3 =	vor.u32 v3, v4  }
0x40: {  	v4 =	vperm.xlane v3, v0;
	_ =	sdelay $0x1  }
0x41: {  	v3 =	vperm.xlane v3, v2;
	v4 =	vadd.s32 v1, v4;
	_ =	sdelay $0x1  }
0x42: {  	v3 =	vadd.s32 v1, v3;
	_ =	sdelay $0x2  }
0x43: {  	[tilespmem:s16], [sflag:$0x1] =	stream.indirect_vreg.gather [hbm4b:s3+s2], $0x80, v4, vm0, $0xb8;
	[tilespmem:$0x8A00] =	vst v63  }
0x44: {  	_ = 	snop  }
0x45: {  	[tilespmem:s17], [sflag:$0x1] =	stream.indirect_vreg.gather [hbm4b:s3+s2], $0x80, v3, vm0, $0xb8;
	[tilespmem:$0x8A00] =	vst v63  }
0x46: {  	v3 =	vld [tilespmem:s26+$0x10];
	_ =	sdelay $0x4  }
0x47: {  	v61 =	vshll.u32 v3, $0x1  }
0x48: {  	v3 =	vand.u32 $0x7, v3;
	v4 =	vand.u32 $0xFFFFFFF0, v61  }
0x49: {  	v3 =	vor.u32 v3, v4  }
0x4a: {  	v4 =	vperm.xlane v3, v0;
	_ =	sdelay $0x1  }
0x4b: {  	v3 =	vperm.xlane v3, v2;
	v4 =	vadd.s32 v1, v4;
	_ =	sdelay $0x1  }
0x4c: {  	v3 =	vadd.s32 v1, v3;
	_ =	sdelay $0x2  }
0x4d: {  	[tilespmem:s18], [sflag:$0x1] =	stream.indirect_vreg.gather [hbm4b:s3+s2], $0x80, v4, vm0, $0xb8;
	[tilespmem:$0x8A00] =	vst v63  }
0x4e: {  	_ = 	snop  }
0x4f: {  	[tilespmem:s19], [sflag:$0x1] =	stream.indirect_vreg.gather [hbm4b:s3+s2], $0x80, v3, vm0, $0xb8;
	[tilespmem:$0x8A00] =	vst v63  }
0x50: {  	v3 =	vld [tilespmem:s26+$0x20];
	_ =	sdelay $0x4  }
0x51: {  	v62 =	vshll.u32 v3, $0x1  }
0x52: {  	v3 =	vand.u32 $0x7, v3;
	v4 =	vand.u32 $0xFFFFFFF0, v62  }
0x53: {  	v3 =	vor.u32 v3, v4  }
0x54: {  	v4 =	vperm.xlane v3, v0;
	_ =	sdelay $0x1  }
0x55: {  	v3 =	vperm.xlane v3, v2;
	v4 =	vadd.s32 v1, v4;
	_ =	sdelay $0x1  }
0x56: {  	v3 =	vadd.s32 v1, v3;
	_ =	sdelay $0x2  }
0x57: {  	[tilespmem:s20], [sflag:$0x1] =	stream.indirect_vreg.gather [hbm4b:s3+s2], $0x80, v4, vm0, $0xb8;
	[tilespmem:$0x8A00] =	vst v63  }
0x58: {  	_ = 	snop  }
0x59: {  	[tilespmem:s21], [sflag:$0x1] =	stream.indirect_vreg.gather [hbm4b:s3+s2], $0x80, v3, vm0, $0xb8;
	[tilespmem:$0x8A00] =	vst v63  }
0x5a: {  	v3 =	vld [tilespmem:s26+$0x30];
	_ =	sdelay $0x4  }
0x5b: {  	v63 =	vshll.u32 v3, $0x1  }
0x5c: {  	v3 =	vand.u32 $0x7, v3;
	v4 =	vand.u32 $0xFFFFFFF0, v63  }
0x5d: {  	v3 =	vor.u32 v3, v4  }
0x5e: {  	v4 =	vperm.xlane v3, v0;
	_ =	sdelay $0x1  }
0x5f: {  	v3 =	vperm.xlane v3, v2;
	v4 =	vadd.s32 v1, v4;
	_ =	sdelay $0x1  }
0x60: {  	v3 =	vadd.s32 v1, v3;
	_ =	sdelay $0x2  }
0x61: {  	[tilespmem:s22], [sflag:$0x1] =	stream.indirect_vreg.gather [hbm4b:s3+s2], $0x80, v4, vm0, $0xb8;
	[tilespmem:$0x8A00] =	vst v63  }
0x62: {  	_ = 	snop  }
0x63: {  	[tilespmem:s23], [sflag:$0x1] =	stream.indirect_vreg.gather [hbm4b:s3+s2], $0x80, v3, vm0, $0xb8;
	[tilespmem:$0x8A00] =	vst v63  }
0x64: {  	_ =	swait.ge [sflag:s24], $0x8000  }
0x65: {  	p0 =	sne.s32 s28, $0x13000;
	[sflag:s24] =	ssyncset.done $0x0  }
.Ltmp0:
0x66: {  	s29 =	sadd.s32 s28, s6;
	[sflag:s24] =	ssyncadd.s32 $0xFFFF8000;
	(pc) =	sbr.rel @p0 .LBB2_2-.Ltmp0, $4  }
0x67: {  	[hbm4b:s29+s2] =	stream.linear.scatter [tilespmem:s8], [sflag:$0x2], $0x8000, $0x38;
	[tilespmem:$0x8A00] =	vst v63  }
0x68: {  	_ =	swait.ge [sflag:s7], $0x8000  }
0x69: {  	[sflag:s7] =	ssyncset.done $0x0  }
0x6a: {  	s28 =	sadd.s32 $0x1000, s28;
	s26 =	sadd.s32 $0x80, s26;
	[sflag:s7] =	ssyncadd.s32 $0xFFFF8000  }
0x6b: {  	s25 =	sadd.s32 $0x1, s25  }
0x6c: {  	p0 =	sne.s32 s25, s5  }
.Ltmp1:
0x6d: {  	_ = 	snop;
	(pc) =	sbr.rel @p0 .LBB2_1-.Ltmp1, $1  }
0x6e: {  	_ =	sdelay $0x3  }
0x6f: {  	_ =	sfence.sel $0x180000  }
0x70: {  	[bflag:$0x0] =	sbarrier.arrive $0xFFFF  }
0x71: {  	p0 =	sne.s32 s1, $0x0;
	_ =	strace $0x90000047  }
0x72: {  	s0 =	sadd.s32 @!p0 $0x100000, s0;
	[bflag:$0x2] =	sbarrier.arrive $0xFFFF  }
0x73: {  	[sflag:s0] =	ssyncadd.tile.s32 @!p0 $0x1;
	_ =	shalt  }
.Lfunc_end2:
_tile_overlayer_lowered:
.L_overlay_start_2:
0x74: {  	(tag) =	ssettag $0x2  }
0x75: {  	s0 =	rddreg [dreg:$0x0];
	s2 =	stileid.u32  }
0x76: {  	s1 =	rddreg [dreg:$0x1];
	p0 =	sne.s32 s2, $0x0  }
0x77: {  	s3 =	rddreg [dreg:$0x2];
	[bflag:$0x3] =	sbarrier.arrive $0xFFFF;
	s2 =	simm.s32 @!p0 $0x1C02  }
0x78: {  	[timem:s3], [sflag:s2] =	dma.local @!p0 [hbm:s0], s1  }
0x79: {  	s0 =	simm.s32 @!p0 $0x2  }
0x7a: {  	_ =	swait.ge @!p0 [sflag:s0], s1  }
0x7b: {  	s1 =	ssub.s32 @!p0 $0x0, s1;
	[sflag:s0] =	ssyncset.done @!p0 $0x0  }
0x7c: {  	[sflag:s0] =	ssyncadd.s32 @!p0 s1  }
0x7d: {  	[bflag:$0x3] =	sbarrier.arrive $0xFFFF  }
0x7e: {  	_ =	shalt  }

// kernel: kernel.18.cloned.1.call-start
scs
__scs_entry_jumppad:
0x0: {  	(pc) =	sbr.rel $0x88, $3  }
0x1: {  	(tag) =	ssettag $0x0;
	lr =	simm.s32 $0x1  }
0x2: {  	[smem:$0x3F9B] =	sst lr;
	_ =	strace $0xD0000000  }
0x3: {  	_ = 	snop  }
0x4: {  	_ = 	snop  }
0x5: {  	_ = 	snop  }
0x6: {  	_ = 	snop  }
0x7: {  	_ = 	snop  }
__scs_overlays_trampoline_lowered:
0x8: {  	[smem:$0x3FAA] =	sst s0  }
0x9: {  	[smem:$0x3FAB] =	sst s1  }
0xa: {  	[smem:$0x3FAC] =	sst s2  }
0xb: {  	[smem:$0x3FAD] =	sst s3  }
0xc: {  	[smem:$0x3FAE] =	sst s4  }
0xd: {  	[smem:$0x3FAF] =	sst s5  }
0xe: {  	[smem:$0x3FB0] =	sst s6  }
0xf: {  	[smem:$0x3FB1] =	sst s7  }
0x10: {  	[smem:$0x3FB2] =	sst s8  }
0x11: {  	[smem:$0x3FB3] =	sst s9;
	s0 =	simm.s32 @!p0 $0x0  }
0x12: {  	s1 =	sld [smem:$0x3F99];
	s0 =	simm.s32 @p0 $0x1  }
0x13: {  	[smem:$0x3FB4] =	sst s0;
	s0 =	simm.s32 @!p1 $0x0  }
0x14: {  	s2 =	sld [smem:$0x3F98];
	s0 =	simm.s32 @p1 $0x1  }
0x15: {  	[smem:$0x3FB5] =	sst s0;
	s0 =	simm.s32 @!p2 $0x0  }
0x16: {  	s3 =	sld [smem:$0x3FDB];
	s0 =	simm.s32 @p2 $0x1  }
0x17: {  	s4 =	simm.s32 $0x1BF5;
	[smem:$0x3FB7] =	sst s0  }
0x18: {  	s0 =	sld [smem:$0x3F9A];
	_ =	swait.ge [sflag:s4], $0x0  }
0x19: {  	s7 =	sld [smem:$0x3F9B]  }
0x1a: {  	s8 =	sadd.s32 $0xFFFFE003, lr  }
0x1b: {  	s9 =	sadd.s32 $0xFFFFFEF7, lr;
	s5 =	simm.s32 $0xFFFFFFFF;
	p2 =	slt.u32 s8, $0xFFFFF086  }
0x1c: {  	p1 =	slt.u32 s9, $0xF7A;
	s5 =	simm.s32 @!p2 $0x0  }
0x1d: {  	s5 =	simm.s32 @p1 $0x1;
	p0 =	seq.s32 s7, s2  }
0x1e: {  	s7 =	smul.u32 @!p0 $0xF7A, s2;
	p2 =	seq.s32 @!p0 s5, $0x0  }
0x1f: {  	s9 =	smul.u32 $0xF7A, s1;
	s8 =	simm.s32 @!p0 $0x1BF5;
	p2 =	por !p2, p0  }
0x20: {  	[sflag:s8] =	ssyncset.s32 @!p0 $0xFFFFF086;
	s6 =	sadd.s32 @!p0 s3, s7;
	s7 =	simm.s32 @!p0 $0x108  }
0x21: {  	s3 =	sadd.s32 s3, s9;
	s6 =	sadd.s32 @!p0 $0x88, s6;
	s7 =	simm.s32 @p2 $0x1082  }
0x22: {  	[simem:s7], [sflag:s8] =	dma.local @!p0 [hbm:s6], $0xF7A  }
0x23: {  	s9 =	sor.u32 $0xD0000000, s2;
	s6 =	simm.s32 $0x108;
	_ =	swait.ge @!p0 [sflag:s8], $0x0  }
0x24: {  	s3 =	sadd.s32 $0x88, s3;
	s6 =	simm.s32 @!p1 $0x1082;
	[sflag:s4] =	ssyncset.s32 $0xFFFFF086  }
0x25: {  	[simem:s6], [sflag:s4] =	dma.local [hbm:s3], $0xF7A  }
0x26: {  	[smem:$0x3F9B] =	sst s1;
	(tag) =	ssettag s2;
	_ =	strace s9  }
0x27: {  	s1 =	sld [smem:$0x3FAB]  }
0x28: {  	s2 =	sld [smem:$0x3FAC]  }
0x29: {  	s4 =	sld [smem:$0x3FAE]  }
0x2a: {  	p0 =	seq.s32 s5, $0x0;
	s5 =	sld [smem:$0x3FAF]  }
0x2b: {  	s6 =	sld [smem:$0x3FB0]  }
0x2c: {  	s7 =	sld [smem:$0x3FB1]  }
0x2d: {  	s3 =	simm.s32 $0x108;
	s8 =	sld [smem:$0x3FB2]  }
0x2e: {  	s3 =	simm.s32 @!p0 $0x1082;
	s9 =	sld [smem:$0x3FB3]  }
0x2f: {  	lr =	sadd.s32 s0, s3;
	s0 =	sld [smem:$0x3FAA]  }
0x30: {  	s3 =	sld [smem:$0x3FAD]  }
0x31: {  	[smem:$0x3FB6] =	sst s10  }
0x32: {  	s10 =	sld [smem:$0x3FB4];
	_ =	sdelay $0x3  }
0x33: {  	p0 =	seq.s32 s10, $0x1;
	s10 =	sld [smem:$0x3FB6];
	_ =	sdelay $0x3  }
0x34: {  	[smem:$0x3FB6] =	sst s10  }
0x35: {  	s10 =	sld [smem:$0x3FB5];
	_ =	sdelay $0x3  }
0x36: {  	p1 =	seq.s32 s10, $0x1;
	s10 =	sld [smem:$0x3FB6];
	_ =	sdelay $0x3  }
0x37: {  	[smem:$0x3FB6] =	sst s10  }
0x38: {  	s10 =	sld [smem:$0x3FB7]  }
0x39: {  	_ = 	snop;
	(pc) =	sbr.ind lr, $3  }
0x3a: {  	_ = 	snop  }
0x3b: {  	_ = 	snop  }
0x3c: {  	p2 =	seq.s32 s10, $0x1;
	s10 =	sld [smem:$0x3FB6]  }
0x3d: {  	_ =	shalt  }
0x3e: {  	_ =	shalt  }
0x3f: {  	_ =	shalt  }
0x40: {  	_ =	shalt  }
0x41: {  	_ =	shalt  }
0x42: {  	_ =	shalt  }
0x43: {  	_ =	shalt  }
0x44: {  	_ =	shalt  }
0x45: {  	_ =	shalt  }
0x46: {  	_ =	shalt  }
0x47: {  	_ =	shalt  }
0x48: {  	_ =	shalt  }
0x49: {  	_ =	shalt  }
0x4a: {  	_ =	shalt  }
0x4b: {  	_ =	shalt  }
0x4c: {  	_ =	shalt  }
0x4d: {  	_ =	shalt  }
0x4e: {  	_ =	shalt  }
0x4f: {  	_ =	shalt  }
0x50: {  	_ =	shalt  }
0x51: {  	_ =	shalt  }
0x52: {  	_ =	shalt  }
0x53: {  	_ =	shalt  }
0x54: {  	_ =	shalt  }
0x55: {  	_ =	shalt  }
0x56: {  	_ =	shalt  }
0x57: {  	_ =	shalt  }
0x58: {  	_ =	shalt  }
0x59: {  	_ =	shalt  }
0x5a: {  	_ =	shalt  }
0x5b: {  	_ =	shalt  }
0x5c: {  	_ =	shalt  }
0x5d: {  	_ =	shalt  }
0x5e: {  	_ =	shalt  }
0x5f: {  	_ =	shalt  }
0x60: {  	_ =	shalt  }
0x61: {  	_ =	shalt  }
0x62: {  	_ =	shalt  }
0x63: {  	_ =	shalt  }
0x64: {  	_ =	shalt  }
0x65: {  	_ =	shalt  }
0x66: {  	_ =	shalt  }
0x67: {  	_ =	shalt  }
0x68: {  	_ =	shalt  }
0x69: {  	_ =	shalt  }
0x6a: {  	_ =	shalt  }
0x6b: {  	_ =	shalt  }
0x6c: {  	_ =	shalt  }
0x6d: {  	_ =	shalt  }
0x6e: {  	_ =	shalt  }
0x6f: {  	_ =	shalt  }
0x70: {  	_ =	shalt  }
0x71: {  	_ =	shalt  }
0x72: {  	_ =	shalt  }
0x73: {  	_ =	shalt  }
0x74: {  	_ =	shalt  }
0x75: {  	_ =	shalt  }
0x76: {  	_ =	shalt  }
0x77: {  	_ =	shalt  }
0x78: {  	_ =	shalt  }
0x79: {  	_ =	shalt  }
0x7a: {  	_ =	shalt  }
0x7b: {  	_ =	shalt  }
0x7c: {  	_ =	shalt  }
0x7d: {  	_ =	shalt  }
0x7e: {  	_ =	shalt  }
0x7f: {  	_ =	shalt  }
0x80: {  	_ =	shalt  }
0x81: {  	_ =	shalt  }
0x82: {  	_ =	shalt  }
0x83: {  	_ =	shalt  }
0x84: {  	_ =	shalt  }
0x85: {  	_ =	shalt  }
0x86: {  	_ =	shalt  }
0x87: {  	_ =	shalt  }
.Lfunc_end0:
.L_simem_size_0:
called_computation.1_lowered:
.L_overlay_start_0:
0x88: {  	s2 =	sld [smem:$0x3FD9]  }
0x89: {  	s3 =	sld [smem:$0x3FFE];
	_ =	sdelay $0x1  }
0x8a: {  	s1 =	srdreg.scid  }
0x8b: {  	s0 =	sand.u32 $0x1, s1  }
0x8c: {  	s17 =	sshll.u32 s0, $0xA;
	s2 =	sadd.s32 s3, s2  }
0x8d: {  	s2 =	sadd.s32 s2, s17  }
0x8e: {  	[smem:$0x3FC2] =	sst s2  }
0x8f: {  	_ = 	snop  }
0x90: {  	(tm) =	ssettm $0x1  }
0x91: {  	s18 =	sld [smem:$0x3FFB];
	_ =	sdelay $0x3  }
0x92: {  	_ =	strace s18  }
0x93: {  	s2 =	sld [smem:$0x3FFC];
	_ =	sdelay $0x3  }
0x94: {  	_ =	strace s2  }
0x95: {  	s2 =	sld [smem:$0x3FFD];
	_ =	sdelay $0x3  }
0x96: {  	_ =	strace s2  }
0x97: {  	_ =	strace $0x8FFFFFFF  }
0x98: {  	s19 =	sld [smem:$0x3FDB];
	_ =	sdelay $0x1  }
0x99: {  	s20 =	simm.s32 $_scs_section_size  }
0x9a: {  	s4 =	simm.s32 $_size__tile_overlayer_lowered;
	s5 =	simm.s32 $_tile_overlayer_lowered  }
0x9b: {  	s6 =	simm.s32 $0x1BFF;
	s21 =	sshll.u32 s5, $0x1;
	s3 =	sadd.s32 s20, s19  }
0x9c: {  	s22 =	simm.s32 $0x0;
	s4 =	sshll.u32 s4, $0x1;
	s5 =	sadd.s32 s21, s3  }
0x9d: {  	[timem:s22], [sflag:s6] =	dma.local [hbm:s5], s4  }
0x9e: {  	_ =	swait.ge [sflag:s6], s4  }
0x9f: {  	s4 =	ssub.s32 $0x0, s4;
	[sflag:s6] =	ssyncset.done $0x0  }
0xa0: {  	[sflag:s6] =	ssyncadd.s32 s4;
	_ =	sdelay $0x1  }
0xa1: {  	s23 =	simm.s32 $0x1B8B  }
0xa2: {  	_ =	swait.ge [sflag:s23], $0x1  }
0xa3: {  	[sflag:s23] =	ssyncset.done $0x0  }
0xa4: {  	[sflag:s23] =	ssyncadd.s32 $0xFFFFFFFF  }
0xa5: {  	s4 =	sld [smem:$0x0]  }
0xa6: {  	s5 =	sand.u32 $0xFFFFFFFE, s1  }
0xa7: {  	p0 =	sne.s32 s1, s5  }
0xa8: {  	s5 =	sshll.u32 @p0 s5, $0xE  }
0xa9: {  	s5 =	sadd.s32 @p0 $0x11B8D, s5;
	s6 =	sshll.u32 @p0 s4, $0x11  }
0xaa: {  	s5 =	sor.u32 @p0 s6, s5  }
0xab: {  	[sflag:s5] =	ssyncadd.remote.s32 @p0 $0x1;
	_ =	sdelay $0x1  }
0xac: {  	s5 =	simm.s32 @p0 $0x1B8D  }
0xad: {  	_ =	swait.eq @p0 [sflag:s5], $0x1  }
0xae: {  	[sflag:s5] =	ssyncadd.s32 @p0 $0xFFFFFFFF  }
0xaf: {  	s6 =	sshll.u32 @!p0 s1, $0xE  }
0xb0: {  	s6 =	sor.u32 @!p0 $0x4000, s6;
	s5 =	simm.s32 @!p0 $0x1B8D  }
0xb1: {  	s4 =	sshll.u32 @!p0 s4, $0x11;
	s6 =	sadd.s32 @!p0 $0x11B8D, s6;
	_ =	swait.eq @!p0 [sflag:s5], $0x1  }
0xb2: {  	s4 =	sor.u32 @!p0 s4, s6;
	[sflag:s5] =	ssyncadd.s32 @!p0 $0xFFFFFFFF  }
0xb3: {  	s25 =	simm.s32 $0x1B8E;
	s24 =	sld [smem:$0x3FFE];
	[sflag:s4] =	ssyncadd.remote.s32 @!p0 $0x1  }
0xb4: {  	s26 =	simm.s32 $execute0_lowered;
	[smem:$0x3FD2] =	sst s25  }
0xb5: {  	s5 =	sshll.u32 s26, $0x1;
	_ =	strace $0x80000049;
	[dreg:$0x1] =	wrdreg $0xFFFFFFFF  }
0xb6: {  	s28 =	simm.s32 $_size_execute0_lowered;
	s3 =	sadd.s32 s3, s5;
	[dreg:$0x0] =	wrdreg $0x0  }
0xb7: {  	s5 =	sshll.u32 s28, $0x1;
	[dreg:$0x2] =	wrdreg s3  }
0xb8: {  	[dreg:$0x3] =	wrdreg s5  }
0xb9: {  	[dreg:$0x4] =	wrdreg $0xC0  }
0xba: {  	_ =	task [dreg:s22], $0x5FFFF  }
0xbb: {  	[dreg:$0x1] =	wrdreg $0xFFFFFFFF  }
0xbc: {  	[dreg:$0x0] =	wrdreg $0x60  }
0xbd: {  	[dreg:$0x2] =	wrdreg s24  }
0xbe: {  	[dreg:$0x3] =	wrdreg $0xA  }
0xbf: {  	_ =	task.clear_ibuf [dreg:s22], $0x4FFFF;
	_ =	strace $0x90000049  }
0xc0: {  	s29 =	simm.s32 $0xA;
	_ =	strace $0x8000004B  }
0xc1: {  	_ =	swait.ge [sflag:s29], $0x1  }
0xc2: {  	[sflag:s29] =	ssyncadd.s32 $0xFFFFFFFF  }
0xc3: {  	_ =	strace $0x9000004B  }
0xc4: {  	_ =	sfence  }
0xc5: {  	s30 =	sld [smem:$0x0];
	_ =	sdelay $0x2  }
0xc6: {  	s31 =	sshll.u32 s1, $0xD;
	s1 =	sshrl.u32 s1, $0x2  }
0xc7: {  	s4 =	sand.u32 $0x4000, s31;
	s1 =	sadd.s32 s1, s30  }
0xc8: {  	s0 =	sor.u32 s4, s0;
	s1 =	sshll.u32 s1, $0x11  }
0xc9: {  	s0 =	sor.u32 s1, s0  }
0xca: {  	s0 =	sadd.s32 $0x8F2B, s0  }
0xcb: {  	[sflag:s0] =	ssyncadd.remote.s32 $0x1  }
0xcc: {  	_ =	sfence.sel $0xFFFF  }
0xcd: {  	[dreg:$0x0] =	wrdreg $0xFFFFFFFF;
	(pc) =	sbr.abs _section_cstart, $3  }
0xce: {  	[dreg:$0x1] =	wrdreg $0xFFFFFFFF  }
0xcf: {  	_ =	task.clear_ibuf [dreg:s22], $0x2FFFF;
	_ =	strace $0x9FFFFFFF  }
0xd0: {  	(tm) =	ssettm $0x7FFFFFFF  }
0xd1: {  	_ =	shalt  }
tec
execute0_lowered:
.L_overlay_start_1:
0x0: {  	(tag) =	ssettag $0x1  }
0x1: {  	s4 =	rddreg [dreg:$0x0]  }
0x2: {  	s0 =	rddreg [dreg:$0x1];
	s2 =	simm.s32 $0x0;
	s3 =	srdreg.scid  }
0x3: {  	s1 =	stileid.u32;
	s9 =	simm.s32 $0x1200;
	s10 =	simm.s32 $0x1A00  }
0x4: {  	s11 =	simm.s32 $0x2200;
	s12 =	simm.s32 $0x2A00;
	s13 =	simm.s32 $0x3200  }
0x5: {  	s14 =	simm.s32 $0x3A00;
	s15 =	simm.s32 $0x4200;
	s16 =	simm.s32 $0x4A00  }
0x6: {  	s17 =	simm.s32 $0x5200;
	s18 =	simm.s32 $0x5A00;
	s19 =	simm.s32 $0x6200  }
0x7: {  	s20 =	simm.s32 $0x6A00;
	s21 =	simm.s32 $0x7200;
	s22 =	simm.s32 $0x7A00  }
0x8: {  	s23 =	simm.s32 $0x8200;
	s24 =	simm.s32 $0x1;
	s25 =	simm.s32 $0x0  }
0x9: {  	s5 =	sand.u32 $0x1, s3;
	s29 =	sshll.u32 s1, $0x1;
	s6 =	smul.u32 $0x140000, s1  }
0xa: {  	[smem:$0x7FF] =	sst s2;
	s3 =	sor.u32 s5, s29;
	s7 =	smul.u32 $0xA0000, s5  }
0xb: {  	_ =	strace $0x8000004A;
	s5 =	ssub.s32 $0x2, s5;
	s8 =	smul.u32 $0x140, s3  }
0xc: {  	s3 =	sadd.s32 $0x2A6000, s4;
	s31 =	sshrl.u32 s5, $0x1;
	s6 =	sadd.s32 s7, s6  }
0xd: {  	v2 =	vlaneseq.u32;
	s5 =	ssub.s32 s5, s31;
	s7 =	simm.s32 $0x2;
	s6 =	sshrl.u32 s6, $0x3  }
0xe: {  	vm0 =	vmmov $0xffff;
	v1 =	vshrl.u32 v2, $0x3;
	s30 =	sadd.s32 s8, s4;
	s5 =	smax.u32 s5, $0x1;
	s6 =	sadd.s32 s6, s4  }
0xf: {  	v0 =	vand.u32 $0x7, v2;
	v2 =	vor.u32 $0x8, v2;
	v1 =	vmul.u32 $0x8, v1;
	s8 =	simm.s32 $0xA00;
	s4 =	sadd.s32 $0x2C6000, s30;
	s6 =	sadd.s32 $0x2C8800, s6  }
.LBB2_1:
0x10: {  	[tilespmem:s2], [sflag:$0x2] =	stream.linear.gather [hbm4b:s4+s2], $0xA00, $0x38;
	[tilespmem:$0x8A00] =	vst v63  }
0x11: {  	_ =	swait.ge [sflag:s7], $0xA00  }
0x12: {  	[sflag:s7] =	ssyncset.done $0x0  }
0x13: {  	s26 =	simm.s32 $0x40;
	s28 =	simm.s32 $0x0;
	[sflag:s7] =	ssyncadd.s32 $0xFFFFF600  }
.LBB2_2:
0x14: {  	v3 =	vld [tilespmem:s26+$0xFFFFFFC0];
	_ =	sdelay $0x4  }
0x15: {  	v4 =	vshll.u32 v3, $0x1  }
0x16: {  	v3 =	vand.u32 $0x7, v3;
	v4 =	vand.u32 $0xFFFFFFF0, v4  }
0x17: {  	v3 =	vor.u32 v3, v4  }
0x18: {  	v4 =	vperm.xlane v3, v0;
	_ =	sdelay $0x1  }
0x19: {  	v3 =	vperm.xlane v3, v2;
	v4 =	vadd.s32 v1, v4;
	_ =	sdelay $0x1  }
0x1a: {  	v3 =	vadd.s32 v1, v3;
	_ =	sdelay $0x2  }
0x1b: {  	[tilespmem:s8], [sflag:$0x1] =	stream.indirect_vreg.gather [hbm4b:s3+s2], $0x80, v4, vm0, $0xb8;
	[tilespmem:$0x8A00] =	vst v63  }
0x1c: {  	_ = 	snop  }
0x1d: {  	[tilespmem:s9], [sflag:$0x1] =	stream.indirect_vreg.gather [hbm4b:s3+s2], $0x80, v3, vm0, $0xb8;
	[tilespmem:$0x8A00] =	vst v63  }
0x1e: {  	v3 =	vld [tilespmem:s26+$0xFFFFFFD0];
	_ =	sdelay $0x4  }
0x1f: {  	v57 =	vshll.u32 v3, $0x1  }
0x20: {  	v3 =	vand.u32 $0x7, v3;
	v4 =	vand.u32 $0xFFFFFFF0, v57  }
0x21: {  	v3 =	vor.u32 v3, v4  }
0x22: {  	v4 =	vperm.xlane v3, v0;
	_ =	sdelay $0x1  }
0x23: {  	v3 =	vperm.xlane v3, v2;
	v4 =	vadd.s32 v1, v4;
	_ =	sdelay $0x1  }
0x24: {  	v3 =	vadd.s32 v1, v3;
	_ =	sdelay $0x2  }
0x25: {  	[tilespmem:s10], [sflag:$0x1] =	stream.indirect_vreg.gather [hbm4b:s3+s2], $0x80, v4, vm0, $0xb8;
	[tilespmem:$0x8A00] =	vst v63  }
0x26: {  	_ = 	snop  }
0x27: {  	[tilespmem:s11], [sflag:$0x1] =	stream.indirect_vreg.gather [hbm4b:s3+s2], $0x80, v3, vm0, $0xb8;
	[tilespmem:$0x8A00] =	vst v63  }
0x28: {  	v3 =	vld [tilespmem:s26+$0xFFFFFFE0];
	_ =	sdelay $0x4  }
0x29: {  	v58 =	vshll.u32 v3, $0x1  }
0x2a: {  	v3 =	vand.u32 $0x7, v3;
	v4 =	vand.u32 $0xFFFFFFF0, v58  }
0x2b: {  	v3 =	vor.u32 v3, v4  }
0x2c: {  	v4 =	vperm.xlane v3, v0;
	_ =	sdelay $0x1  }
0x2d: {  	v3 =	vperm.xlane v3, v2;
	v4 =	vadd.s32 v1, v4;
	_ =	sdelay $0x1  }
0x2e: {  	v3 =	vadd.s32 v1, v3;
	_ =	sdelay $0x2  }
0x2f: {  	[tilespmem:s12], [sflag:$0x1] =	stream.indirect_vreg.gather [hbm4b:s3+s2], $0x80, v4, vm0, $0xb8;
	[tilespmem:$0x8A00] =	vst v63  }
0x30: {  	_ = 	snop  }
0x31: {  	[tilespmem:s13], [sflag:$0x1] =	stream.indirect_vreg.gather [hbm4b:s3+s2], $0x80, v3, vm0, $0xb8;
	[tilespmem:$0x8A00] =	vst v63  }
0x32: {  	v3 =	vld [tilespmem:s26+$0xFFFFFFF0];
	_ =	sdelay $0x4  }
0x33: {  	v59 =	vshll.u32 v3, $0x1  }
0x34: {  	v3 =	vand.u32 $0x7, v3;
	v4 =	vand.u32 $0xFFFFFFF0, v59  }
0x35: {  	v3 =	vor.u32 v3, v4  }
0x36: {  	v4 =	vperm.xlane v3, v0;
	_ =	sdelay $0x1  }
0x37: {  	v3 =	vperm.xlane v3, v2;
	v4 =	vadd.s32 v1, v4;
	_ =	sdelay $0x1  }
0x38: {  	v3 =	vadd.s32 v1, v3;
	_ =	sdelay $0x2  }
0x39: {  	[tilespmem:s14], [sflag:$0x1] =	stream.indirect_vreg.gather [hbm4b:s3+s2], $0x80, v4, vm0, $0xb8;
	[tilespmem:$0x8A00] =	vst v63  }
0x3a: {  	_ = 	snop  }
0x3b: {  	[tilespmem:s15], [sflag:$0x1] =	stream.indirect_vreg.gather [hbm4b:s3+s2], $0x80, v3, vm0, $0xb8;
	[tilespmem:$0x8A00] =	vst v63  }
0x3c: {  	v3 =	vld [tilespmem:s26+$0x0];
	_ =	sdelay $0x4  }
0x3d: {  	v60 =	vshll.u32 v3, $0x1  }
0x3e: {  	v3 =	vand.u32 $0x7, v3;
	v4 =	vand.u32 $0xFFFFFFF0, v60  }
0x3f: {  	v3 =	vor.u32 v3, v4  }
0x40: {  	v4 =	vperm.xlane v3, v0;
	_ =	sdelay $0x1  }
0x41: {  	v3 =	vperm.xlane v3, v2;
	v4 =	vadd.s32 v1, v4;
	_ =	sdelay $0x1  }
0x42: {  	v3 =	vadd.s32 v1, v3;
	_ =	sdelay $0x2  }
0x43: {  	[tilespmem:s16], [sflag:$0x1] =	stream.indirect_vreg.gather [hbm4b:s3+s2], $0x80, v4, vm0, $0xb8;
	[tilespmem:$0x8A00] =	vst v63  }
0x44: {  	_ = 	snop  }
0x45: {  	[tilespmem:s17], [sflag:$0x1] =	stream.indirect_vreg.gather [hbm4b:s3+s2], $0x80, v3, vm0, $0xb8;
	[tilespmem:$0x8A00] =	vst v63  }
0x46: {  	v3 =	vld [tilespmem:s26+$0x10];
	_ =	sdelay $0x4  }
0x47: {  	v61 =	vshll.u32 v3, $0x1  }
0x48: {  	v3 =	vand.u32 $0x7, v3;
	v4 =	vand.u32 $0xFFFFFFF0, v61  }
0x49: {  	v3 =	vor.u32 v3, v4  }
0x4a: {  	v4 =	vperm.xlane v3, v0;
	_ =	sdelay $0x1  }
0x4b: {  	v3 =	vperm.xlane v3, v2;
	v4 =	vadd.s32 v1, v4;
	_ =	sdelay $0x1  }
0x4c: {  	v3 =	vadd.s32 v1, v3;
	_ =	sdelay $0x2  }
0x4d: {  	[tilespmem:s18], [sflag:$0x1] =	stream.indirect_vreg.gather [hbm4b:s3+s2], $0x80, v4, vm0, $0xb8;
	[tilespmem:$0x8A00] =	vst v63  }
0x4e: {  	_ = 	snop  }
0x4f: {  	[tilespmem:s19], [sflag:$0x1] =	stream.indirect_vreg.gather [hbm4b:s3+s2], $0x80, v3, vm0, $0xb8;
	[tilespmem:$0x8A00] =	vst v63  }
0x50: {  	v3 =	vld [tilespmem:s26+$0x20];
	_ =	sdelay $0x4  }
0x51: {  	v62 =	vshll.u32 v3, $0x1  }
0x52: {  	v3 =	vand.u32 $0x7, v3;
	v4 =	vand.u32 $0xFFFFFFF0, v62  }
0x53: {  	v3 =	vor.u32 v3, v4  }
0x54: {  	v4 =	vperm.xlane v3, v0;
	_ =	sdelay $0x1  }
0x55: {  	v3 =	vperm.xlane v3, v2;
	v4 =	vadd.s32 v1, v4;
	_ =	sdelay $0x1  }
0x56: {  	v3 =	vadd.s32 v1, v3;
	_ =	sdelay $0x2  }
0x57: {  	[tilespmem:s20], [sflag:$0x1] =	stream.indirect_vreg.gather [hbm4b:s3+s2], $0x80, v4, vm0, $0xb8;
	[tilespmem:$0x8A00] =	vst v63  }
0x58: {  	_ = 	snop  }
0x59: {  	[tilespmem:s21], [sflag:$0x1] =	stream.indirect_vreg.gather [hbm4b:s3+s2], $0x80, v3, vm0, $0xb8;
	[tilespmem:$0x8A00] =	vst v63  }
0x5a: {  	v3 =	vld [tilespmem:s26+$0x30];
	_ =	sdelay $0x4  }
0x5b: {  	v63 =	vshll.u32 v3, $0x1  }
0x5c: {  	v3 =	vand.u32 $0x7, v3;
	v4 =	vand.u32 $0xFFFFFFF0, v63  }
0x5d: {  	v3 =	vor.u32 v3, v4  }
0x5e: {  	v4 =	vperm.xlane v3, v0;
	_ =	sdelay $0x1  }
0x5f: {  	v3 =	vperm.xlane v3, v2;
	v4 =	vadd.s32 v1, v4;
	_ =	sdelay $0x1  }
0x60: {  	v3 =	vadd.s32 v1, v3;
	_ =	sdelay $0x2  }
0x61: {  	[tilespmem:s22], [sflag:$0x1] =	stream.indirect_vreg.gather [hbm4b:s3+s2], $0x80, v4, vm0, $0xb8;
	[tilespmem:$0x8A00] =	vst v63  }
0x62: {  	_ = 	snop  }
0x63: {  	[tilespmem:s23], [sflag:$0x1] =	stream.indirect_vreg.gather [hbm4b:s3+s2], $0x80, v3, vm0, $0xb8;
	[tilespmem:$0x8A00] =	vst v63  }
0x64: {  	_ =	swait.ge [sflag:s24], $0x8000  }
0x65: {  	p0 =	sne.s32 s28, $0x13000;
	[sflag:s24] =	ssyncset.done $0x0  }
.Ltmp0:
0x66: {  	s29 =	sadd.s32 s28, s6;
	[sflag:s24] =	ssyncadd.s32 $0xFFFF8000;
	(pc) =	sbr.rel @p0 .LBB2_2-.Ltmp0, $4  }
0x67: {  	[hbm4b:s29+s2] =	stream.linear.scatter [tilespmem:s8], [sflag:$0x2], $0x8000, $0x38;
	[tilespmem:$0x8A00] =	vst v63  }
0x68: {  	_ =	swait.ge [sflag:s7], $0x8000  }
0x69: {  	[sflag:s7] =	ssyncset.done $0x0  }
0x6a: {  	s28 =	sadd.s32 $0x1000, s28;
	s26 =	sadd.s32 $0x80, s26;
	[sflag:s7] =	ssyncadd.s32 $0xFFFF8000  }
0x6b: {  	s25 =	sadd.s32 $0x1, s25  }
0x6c: {  	p0 =	sne.s32 s25, s5  }
.Ltmp1:
0x6d: {  	_ = 	snop;
	(pc) =	sbr.rel @p0 .LBB2_1-.Ltmp1, $1  }
0x6e: {  	_ =	sdelay $0x3  }
0x6f: {  	_ =	sfence.sel $0x180000  }
0x70: {  	[bflag:$0x0] =	sbarrier.arrive $0xFFFF  }
0x71: {  	p0 =	sne.s32 s1, $0x0;
	_ =	strace $0x9000004A  }
0x72: {  	s0 =	sadd.s32 @!p0 $0x100000, s0;
	[bflag:$0x2] =	sbarrier.arrive $0xFFFF  }
0x73: {  	[sflag:s0] =	ssyncadd.tile.s32 @!p0 $0x1;
	_ =	shalt  }
.Lfunc_end2:
_tile_overlayer_lowered:
.L_overlay_start_2:
0x74: {  	(tag) =	ssettag $0x2  }
0x75: {  	s0 =	rddreg [dreg:$0x0];
	s2 =	stileid.u32  }
0x76: {  	s1 =	rddreg [dreg:$0x1];
	p0 =	sne.s32 s2, $0x0  }
0x77: {  	s3 =	rddreg [dreg:$0x2];
	[bflag:$0x3] =	sbarrier.arrive $0xFFFF;
	s2 =	simm.s32 @!p0 $0x1C02  }
0x78: {  	[timem:s3], [sflag:s2] =	dma.local @!p0 [hbm:s0], s1  }
0x79: {  	s0 =	simm.s32 @!p0 $0x2  }
0x7a: {  	_ =	swait.ge @!p0 [sflag:s0], s1  }
0x7b: {  	s1 =	ssub.s32 @!p0 $0x0, s1;
	[sflag:s0] =	ssyncset.done @!p0 $0x0  }
0x7c: {  	[sflag:s0] =	ssyncadd.s32 @!p0 s1  }
0x7d: {  	[bflag:$0x3] =	sbarrier.arrive $0xFFFF  }
0x7e: {  	_ =	shalt  }

// kernel: kernel.21.cloned.1.call-start
scs
__scs_entry_jumppad:
0x0: {  	(pc) =	sbr.rel $0x88, $3  }
0x1: {  	(tag) =	ssettag $0x0;
	lr =	simm.s32 $0x1  }
0x2: {  	[smem:$0x3F9B] =	sst lr;
	_ =	strace $0xD0000000  }
0x3: {  	_ = 	snop  }
0x4: {  	_ = 	snop  }
0x5: {  	_ = 	snop  }
0x6: {  	_ = 	snop  }
0x7: {  	_ = 	snop  }
__scs_overlays_trampoline_lowered:
0x8: {  	[smem:$0x3FAA] =	sst s0  }
0x9: {  	[smem:$0x3FAB] =	sst s1  }
0xa: {  	[smem:$0x3FAC] =	sst s2  }
0xb: {  	[smem:$0x3FAD] =	sst s3  }
0xc: {  	[smem:$0x3FAE] =	sst s4  }
0xd: {  	[smem:$0x3FAF] =	sst s5  }
0xe: {  	[smem:$0x3FB0] =	sst s6  }
0xf: {  	[smem:$0x3FB1] =	sst s7  }
0x10: {  	[smem:$0x3FB2] =	sst s8  }
0x11: {  	[smem:$0x3FB3] =	sst s9;
	s0 =	simm.s32 @!p0 $0x0  }
0x12: {  	s1 =	sld [smem:$0x3F99];
	s0 =	simm.s32 @p0 $0x1  }
0x13: {  	[smem:$0x3FB4] =	sst s0;
	s0 =	simm.s32 @!p1 $0x0  }
0x14: {  	s2 =	sld [smem:$0x3F98];
	s0 =	simm.s32 @p1 $0x1  }
0x15: {  	[smem:$0x3FB5] =	sst s0;
	s0 =	simm.s32 @!p2 $0x0  }
0x16: {  	s3 =	sld [smem:$0x3FDB];
	s0 =	simm.s32 @p2 $0x1  }
0x17: {  	s4 =	simm.s32 $0x1BF5;
	[smem:$0x3FB7] =	sst s0  }
0x18: {  	s0 =	sld [smem:$0x3F9A];
	_ =	swait.ge [sflag:s4], $0x0  }
0x19: {  	s7 =	sld [smem:$0x3F9B]  }
0x1a: {  	s8 =	sadd.s32 $0xFFFFE003, lr  }
0x1b: {  	s9 =	sadd.s32 $0xFFFFFEF7, lr;
	s5 =	simm.s32 $0xFFFFFFFF;
	p2 =	slt.u32 s8, $0xFFFFF086  }
0x1c: {  	p1 =	slt.u32 s9, $0xF7A;
	s5 =	simm.s32 @!p2 $0x0  }
0x1d: {  	s5 =	simm.s32 @p1 $0x1;
	p0 =	seq.s32 s7, s2  }
0x1e: {  	s7 =	smul.u32 @!p0 $0xF7A, s2;
	p2 =	seq.s32 @!p0 s5, $0x0  }
0x1f: {  	s9 =	smul.u32 $0xF7A, s1;
	s8 =	simm.s32 @!p0 $0x1BF5;
	p2 =	por !p2, p0  }
0x20: {  	[sflag:s8] =	ssyncset.s32 @!p0 $0xFFFFF086;
	s6 =	sadd.s32 @!p0 s3, s7;
	s7 =	simm.s32 @!p0 $0x108  }
0x21: {  	s3 =	sadd.s32 s3, s9;
	s6 =	sadd.s32 @!p0 $0x88, s6;
	s7 =	simm.s32 @p2 $0x1082  }
0x22: {  	[simem:s7], [sflag:s8] =	dma.local @!p0 [hbm:s6], $0xF7A  }
0x23: {  	s9 =	sor.u32 $0xD0000000, s2;
	s6 =	simm.s32 $0x108;
	_ =	swait.ge @!p0 [sflag:s8], $0x0  }
0x24: {  	s3 =	sadd.s32 $0x88, s3;
	s6 =	simm.s32 @!p1 $0x1082;
	[sflag:s4] =	ssyncset.s32 $0xFFFFF086  }
0x25: {  	[simem:s6], [sflag:s4] =	dma.local [hbm:s3], $0xF7A  }
0x26: {  	[smem:$0x3F9B] =	sst s1;
	(tag) =	ssettag s2;
	_ =	strace s9  }
0x27: {  	s1 =	sld [smem:$0x3FAB]  }
0x28: {  	s2 =	sld [smem:$0x3FAC]  }
0x29: {  	s4 =	sld [smem:$0x3FAE]  }
0x2a: {  	p0 =	seq.s32 s5, $0x0;
	s5 =	sld [smem:$0x3FAF]  }
0x2b: {  	s6 =	sld [smem:$0x3FB0]  }
0x2c: {  	s7 =	sld [smem:$0x3FB1]  }
0x2d: {  	s3 =	simm.s32 $0x108;
	s8 =	sld [smem:$0x3FB2]  }
0x2e: {  	s3 =	simm.s32 @!p0 $0x1082;
	s9 =	sld [smem:$0x3FB3]  }
0x2f: {  	lr =	sadd.s32 s0, s3;
	s0 =	sld [smem:$0x3FAA]  }
0x30: {  	s3 =	sld [smem:$0x3FAD]  }
0x31: {  	[smem:$0x3FB6] =	sst s10  }
0x32: {  	s10 =	sld [smem:$0x3FB4];
	_ =	sdelay $0x3  }
0x33: {  	p0 =	seq.s32 s10, $0x1;
	s10 =	sld [smem:$0x3FB6];
	_ =	sdelay $0x3  }
0x34: {  	[smem:$0x3FB6] =	sst s10  }
0x35: {  	s10 =	sld [smem:$0x3FB5];
	_ =	sdelay $0x3  }
0x36: {  	p1 =	seq.s32 s10, $0x1;
	s10 =	sld [smem:$0x3FB6];
	_ =	sdelay $0x3  }
0x37: {  	[smem:$0x3FB6] =	sst s10  }
0x38: {  	s10 =	sld [smem:$0x3FB7]  }
0x39: {  	_ = 	snop;
	(pc) =	sbr.ind lr, $3  }
0x3a: {  	_ = 	snop  }
0x3b: {  	_ = 	snop  }
0x3c: {  	p2 =	seq.s32 s10, $0x1;
	s10 =	sld [smem:$0x3FB6]  }
0x3d: {  	_ =	shalt  }
0x3e: {  	_ =	shalt  }
0x3f: {  	_ =	shalt  }
0x40: {  	_ =	shalt  }
0x41: {  	_ =	shalt  }
0x42: {  	_ =	shalt  }
0x43: {  	_ =	shalt  }
0x44: {  	_ =	shalt  }
0x45: {  	_ =	shalt  }
0x46: {  	_ =	shalt  }
0x47: {  	_ =	shalt  }
0x48: {  	_ =	shalt  }
0x49: {  	_ =	shalt  }
0x4a: {  	_ =	shalt  }
0x4b: {  	_ =	shalt  }
0x4c: {  	_ =	shalt  }
0x4d: {  	_ =	shalt  }
0x4e: {  	_ =	shalt  }
0x4f: {  	_ =	shalt  }
0x50: {  	_ =	shalt  }
0x51: {  	_ =	shalt  }
0x52: {  	_ =	shalt  }
0x53: {  	_ =	shalt  }
0x54: {  	_ =	shalt  }
0x55: {  	_ =	shalt  }
0x56: {  	_ =	shalt  }
0x57: {  	_ =	shalt  }
0x58: {  	_ =	shalt  }
0x59: {  	_ =	shalt  }
0x5a: {  	_ =	shalt  }
0x5b: {  	_ =	shalt  }
0x5c: {  	_ =	shalt  }
0x5d: {  	_ =	shalt  }
0x5e: {  	_ =	shalt  }
0x5f: {  	_ =	shalt  }
0x60: {  	_ =	shalt  }
0x61: {  	_ =	shalt  }
0x62: {  	_ =	shalt  }
0x63: {  	_ =	shalt  }
0x64: {  	_ =	shalt  }
0x65: {  	_ =	shalt  }
0x66: {  	_ =	shalt  }
0x67: {  	_ =	shalt  }
0x68: {  	_ =	shalt  }
0x69: {  	_ =	shalt  }
0x6a: {  	_ =	shalt  }
0x6b: {  	_ =	shalt  }
0x6c: {  	_ =	shalt  }
0x6d: {  	_ =	shalt  }
0x6e: {  	_ =	shalt  }
0x6f: {  	_ =	shalt  }
0x70: {  	_ =	shalt  }
0x71: {  	_ =	shalt  }
0x72: {  	_ =	shalt  }
0x73: {  	_ =	shalt  }
0x74: {  	_ =	shalt  }
0x75: {  	_ =	shalt  }
0x76: {  	_ =	shalt  }
0x77: {  	_ =	shalt  }
0x78: {  	_ =	shalt  }
0x79: {  	_ =	shalt  }
0x7a: {  	_ =	shalt  }
0x7b: {  	_ =	shalt  }
0x7c: {  	_ =	shalt  }
0x7d: {  	_ =	shalt  }
0x7e: {  	_ =	shalt  }
0x7f: {  	_ =	shalt  }
0x80: {  	_ =	shalt  }
0x81: {  	_ =	shalt  }
0x82: {  	_ =	shalt  }
0x83: {  	_ =	shalt  }
0x84: {  	_ =	shalt  }
0x85: {  	_ =	shalt  }
0x86: {  	_ =	shalt  }
0x87: {  	_ =	shalt  }
.Lfunc_end0:
.L_simem_size_0:
called_computation.2_lowered:
.L_overlay_start_0:
0x88: {  	s2 =	sld [smem:$0x3FD9]  }
0x89: {  	s3 =	sld [smem:$0x3FFE];
	_ =	sdelay $0x1  }
0x8a: {  	s1 =	srdreg.scid  }
0x8b: {  	s0 =	sand.u32 $0x1, s1  }
0x8c: {  	s17 =	sshll.u32 s0, $0xA;
	s2 =	sadd.s32 s3, s2  }
0x8d: {  	s2 =	sadd.s32 s2, s17  }
0x8e: {  	[smem:$0x3FC2] =	sst s2  }
0x8f: {  	_ = 	snop  }
0x90: {  	(tm) =	ssettm $0x1  }
0x91: {  	s18 =	sld [smem:$0x3FFB];
	_ =	sdelay $0x3  }
0x92: {  	_ =	strace s18  }
0x93: {  	s2 =	sld [smem:$0x3FFC];
	_ =	sdelay $0x3  }
0x94: {  	_ =	strace s2  }
0x95: {  	s2 =	sld [smem:$0x3FFD];
	_ =	sdelay $0x3  }
0x96: {  	_ =	strace s2  }
0x97: {  	_ =	strace $0x8FFFFFFF  }
0x98: {  	s19 =	sld [smem:$0x3FDB];
	_ =	sdelay $0x1  }
0x99: {  	s20 =	simm.s32 $_scs_section_size  }
0x9a: {  	s4 =	simm.s32 $_size__tile_overlayer_lowered;
	s5 =	simm.s32 $_tile_overlayer_lowered  }
0x9b: {  	s6 =	simm.s32 $0x1BFF;
	s21 =	sshll.u32 s5, $0x1;
	s3 =	sadd.s32 s20, s19  }
0x9c: {  	s22 =	simm.s32 $0x0;
	s4 =	sshll.u32 s4, $0x1;
	s5 =	sadd.s32 s21, s3  }
0x9d: {  	[timem:s22], [sflag:s6] =	dma.local [hbm:s5], s4  }
0x9e: {  	_ =	swait.ge [sflag:s6], s4  }
0x9f: {  	s4 =	ssub.s32 $0x0, s4;
	[sflag:s6] =	ssyncset.done $0x0  }
0xa0: {  	[sflag:s6] =	ssyncadd.s32 s4;
	_ =	sdelay $0x1  }
0xa1: {  	s23 =	simm.s32 $0x1B8B  }
0xa2: {  	_ =	swait.ge [sflag:s23], $0x1  }
0xa3: {  	[sflag:s23] =	ssyncset.done $0x0  }
0xa4: {  	[sflag:s23] =	ssyncadd.s32 $0xFFFFFFFF  }
0xa5: {  	s4 =	sld [smem:$0x0]  }
0xa6: {  	s5 =	sand.u32 $0xFFFFFFFE, s1  }
0xa7: {  	p0 =	sne.s32 s1, s5  }
0xa8: {  	s5 =	sshll.u32 @p0 s5, $0xE  }
0xa9: {  	s5 =	sadd.s32 @p0 $0x11B8D, s5;
	s6 =	sshll.u32 @p0 s4, $0x11  }
0xaa: {  	s5 =	sor.u32 @p0 s6, s5  }
0xab: {  	[sflag:s5] =	ssyncadd.remote.s32 @p0 $0x1;
	_ =	sdelay $0x1  }
0xac: {  	s5 =	simm.s32 @p0 $0x1B8D  }
0xad: {  	_ =	swait.eq @p0 [sflag:s5], $0x1  }
0xae: {  	[sflag:s5] =	ssyncadd.s32 @p0 $0xFFFFFFFF  }
0xaf: {  	s6 =	sshll.u32 @!p0 s1, $0xE  }
0xb0: {  	s6 =	sor.u32 @!p0 $0x4000, s6;
	s5 =	simm.s32 @!p0 $0x1B8D  }
0xb1: {  	s4 =	sshll.u32 @!p0 s4, $0x11;
	s6 =	sadd.s32 @!p0 $0x11B8D, s6;
	_ =	swait.eq @!p0 [sflag:s5], $0x1  }
0xb2: {  	s4 =	sor.u32 @!p0 s4, s6;
	[sflag:s5] =	ssyncadd.s32 @!p0 $0xFFFFFFFF  }
0xb3: {  	s25 =	simm.s32 $0x1B8E;
	s24 =	sld [smem:$0x3FFE];
	[sflag:s4] =	ssyncadd.remote.s32 @!p0 $0x1  }
0xb4: {  	s26 =	simm.s32 $execute0_lowered;
	[smem:$0x3FD2] =	sst s25  }
0xb5: {  	s5 =	sshll.u32 s26, $0x1;
	_ =	strace $0x8000004C;
	[dreg:$0x1] =	wrdreg $0xFFFFFFFF  }
0xb6: {  	s28 =	simm.s32 $_size_execute0_lowered;
	s3 =	sadd.s32 s3, s5;
	[dreg:$0x0] =	wrdreg $0x0  }
0xb7: {  	s5 =	sshll.u32 s28, $0x1;
	[dreg:$0x2] =	wrdreg s3  }
0xb8: {  	[dreg:$0x3] =	wrdreg s5  }
0xb9: {  	[dreg:$0x4] =	wrdreg $0xC0  }
0xba: {  	_ =	task [dreg:s22], $0x5FFFF  }
0xbb: {  	[dreg:$0x1] =	wrdreg $0xFFFFFFFF  }
0xbc: {  	[dreg:$0x0] =	wrdreg $0x60  }
0xbd: {  	[dreg:$0x2] =	wrdreg s24  }
0xbe: {  	[dreg:$0x3] =	wrdreg $0xB  }
0xbf: {  	_ =	task.clear_ibuf [dreg:s22], $0x4FFFF;
	_ =	strace $0x9000004C  }
0xc0: {  	s29 =	simm.s32 $0xB;
	_ =	strace $0x8000004E  }
0xc1: {  	_ =	swait.ge [sflag:s29], $0x1  }
0xc2: {  	[sflag:s29] =	ssyncadd.s32 $0xFFFFFFFF  }
0xc3: {  	_ =	strace $0x9000004E  }
0xc4: {  	_ =	sfence  }
0xc5: {  	s30 =	sld [smem:$0x0];
	_ =	sdelay $0x2  }
0xc6: {  	s31 =	sshll.u32 s1, $0xD;
	s1 =	sshrl.u32 s1, $0x2  }
0xc7: {  	s4 =	sand.u32 $0x4000, s31;
	s1 =	sadd.s32 s1, s30  }
0xc8: {  	s0 =	sor.u32 s4, s0;
	s1 =	sshll.u32 s1, $0x11  }
0xc9: {  	s0 =	sor.u32 s1, s0  }
0xca: {  	s0 =	sadd.s32 $0x8F2B, s0  }
0xcb: {  	[sflag:s0] =	ssyncadd.remote.s32 $0x1  }
0xcc: {  	_ =	sfence.sel $0xFFFF  }
0xcd: {  	[dreg:$0x0] =	wrdreg $0xFFFFFFFF;
	(pc) =	sbr.abs _section_cstart, $3  }
0xce: {  	[dreg:$0x1] =	wrdreg $0xFFFFFFFF  }
0xcf: {  	_ =	task.clear_ibuf [dreg:s22], $0x2FFFF;
	_ =	strace $0x9FFFFFFF  }
0xd0: {  	(tm) =	ssettm $0x7FFFFFFF  }
0xd1: {  	_ =	shalt  }
tec
execute0_lowered:
.L_overlay_start_1:
0x0: {  	(tag) =	ssettag $0x1  }
0x1: {  	s4 =	rddreg [dreg:$0x0]  }
0x2: {  	s0 =	rddreg [dreg:$0x1];
	s2 =	simm.s32 $0x0;
	s3 =	srdreg.scid  }
0x3: {  	s1 =	stileid.u32;
	s9 =	simm.s32 $0x1200;
	s10 =	simm.s32 $0x1A00  }
0x4: {  	s11 =	simm.s32 $0x2200;
	s12 =	simm.s32 $0x2A00;
	s13 =	simm.s32 $0x3200  }
0x5: {  	s14 =	simm.s32 $0x3A00;
	s15 =	simm.s32 $0x4200;
	s16 =	simm.s32 $0x4A00  }
0x6: {  	s17 =	simm.s32 $0x5200;
	s18 =	simm.s32 $0x5A00;
	s19 =	simm.s32 $0x6200  }
0x7: {  	s20 =	simm.s32 $0x6A00;
	s21 =	simm.s32 $0x7200;
	s22 =	simm.s32 $0x7A00  }
0x8: {  	s23 =	simm.s32 $0x8200;
	s24 =	simm.s32 $0x1;
	s25 =	simm.s32 $0x0  }
0x9: {  	s5 =	sand.u32 $0x1, s3;
	s29 =	sshll.u32 s1, $0x1;
	s6 =	smul.u32 $0x140000, s1  }
0xa: {  	[smem:$0x7FF] =	sst s2;
	s3 =	sor.u32 s5, s29;
	s7 =	smul.u32 $0xA0000, s5  }
0xb: {  	_ =	strace $0x8000004D;
	s5 =	ssub.s32 $0x2, s5;
	s8 =	smul.u32 $0x140, s3  }
0xc: {  	s3 =	sadd.s32 $0x548800, s4;
	s31 =	sshrl.u32 s5, $0x1;
	s6 =	sadd.s32 s7, s6  }
0xd: {  	v2 =	vlaneseq.u32;
	s5 =	ssub.s32 s5, s31;
	s7 =	simm.s32 $0x2;
	s6 =	sshrl.u32 s6, $0x3  }
0xe: {  	vm0 =	vmmov $0xffff;
	v1 =	vshrl.u32 v2, $0x3;
	s30 =	sadd.s32 s8, s4;
	s5 =	smax.u32 s5, $0x1;
	s6 =	sadd.s32 s6, s4  }
0xf: {  	v0 =	vand.u32 $0x7, v2;
	v2 =	vor.u32 $0x8, v2;
	v1 =	vmul.u32 $0x8, v1;
	s8 =	simm.s32 $0xA00;
	s4 =	sadd.s32 $0x568800, s30;
	s6 =	sadd.s32 $0x56B000, s6  }
.LBB2_1:
0x10: {  	[tilespmem:s2], [sflag:$0x2] =	stream.linear.gather [hbm4b:s4+s2], $0xA00, $0x38;
	[tilespmem:$0x8A00] =	vst v63  }
0x11: {  	_ =	swait.ge [sflag:s7], $0xA00  }
0x12: {  	[sflag:s7] =	ssyncset.done $0x0  }
0x13: {  	s26 =	simm.s32 $0x40;
	s28 =	simm.s32 $0x0;
	[sflag:s7] =	ssyncadd.s32 $0xFFFFF600  }
.LBB2_2:
0x14: {  	v3 =	vld [tilespmem:s26+$0xFFFFFFC0];
	_ =	sdelay $0x4  }
0x15: {  	v4 =	vshll.u32 v3, $0x1  }
0x16: {  	v3 =	vand.u32 $0x7, v3;
	v4 =	vand.u32 $0xFFFFFFF0, v4  }
0x17: {  	v3 =	vor.u32 v3, v4  }
0x18: {  	v4 =	vperm.xlane v3, v0;
	_ =	sdelay $0x1  }
0x19: {  	v3 =	vperm.xlane v3, v2;
	v4 =	vadd.s32 v1, v4;
	_ =	sdelay $0x1  }
0x1a: {  	v3 =	vadd.s32 v1, v3;
	_ =	sdelay $0x2  }
0x1b: {  	[tilespmem:s8], [sflag:$0x1] =	stream.indirect_vreg.gather [hbm4b:s3+s2], $0x80, v4, vm0, $0xb8;
	[tilespmem:$0x8A00] =	vst v63  }
0x1c: {  	_ = 	snop  }
0x1d: {  	[tilespmem:s9], [sflag:$0x1] =	stream.indirect_vreg.gather [hbm4b:s3+s2], $0x80, v3, vm0, $0xb8;
	[tilespmem:$0x8A00] =	vst v63  }
0x1e: {  	v3 =	vld [tilespmem:s26+$0xFFFFFFD0];
	_ =	sdelay $0x4  }
0x1f: {  	v57 =	vshll.u32 v3, $0x1  }
0x20: {  	v3 =	vand.u32 $0x7, v3;
	v4 =	vand.u32 $0xFFFFFFF0, v57  }
0x21: {  	v3 =	vor.u32 v3, v4  }
0x22: {  	v4 =	vperm.xlane v3, v0;
	_ =	sdelay $0x1  }
0x23: {  	v3 =	vperm.xlane v3, v2;
	v4 =	vadd.s32 v1, v4;
	_ =	sdelay $0x1  }
0x24: {  	v3 =	vadd.s32 v1, v3;
	_ =	sdelay $0x2  }
0x25: {  	[tilespmem:s10], [sflag:$0x1] =	stream.indirect_vreg.gather [hbm4b:s3+s2], $0x80, v4, vm0, $0xb8;
	[tilespmem:$0x8A00] =	vst v63  }
0x26: {  	_ = 	snop  }
0x27: {  	[tilespmem:s11], [sflag:$0x1] =	stream.indirect_vreg.gather [hbm4b:s3+s2], $0x80, v3, vm0, $0xb8;
	[tilespmem:$0x8A00] =	vst v63  }
0x28: {  	v3 =	vld [tilespmem:s26+$0xFFFFFFE0];
	_ =	sdelay $0x4  }
0x29: {  	v58 =	vshll.u32 v3, $0x1  }
0x2a: {  	v3 =	vand.u32 $0x7, v3;
	v4 =	vand.u32 $0xFFFFFFF0, v58  }
0x2b: {  	v3 =	vor.u32 v3, v4  }
0x2c: {  	v4 =	vperm.xlane v3, v0;
	_ =	sdelay $0x1  }
0x2d: {  	v3 =	vperm.xlane v3, v2;
	v4 =	vadd.s32 v1, v4;
	_ =	sdelay $0x1  }
0x2e: {  	v3 =	vadd.s32 v1, v3;
	_ =	sdelay $0x2  }
0x2f: {  	[tilespmem:s12], [sflag:$0x1] =	stream.indirect_vreg.gather [hbm4b:s3+s2], $0x80, v4, vm0, $0xb8;
	[tilespmem:$0x8A00] =	vst v63  }
0x30: {  	_ = 	snop  }
0x31: {  	[tilespmem:s13], [sflag:$0x1] =	stream.indirect_vreg.gather [hbm4b:s3+s2], $0x80, v3, vm0, $0xb8;
	[tilespmem:$0x8A00] =	vst v63  }
0x32: {  	v3 =	vld [tilespmem:s26+$0xFFFFFFF0];
	_ =	sdelay $0x4  }
0x33: {  	v59 =	vshll.u32 v3, $0x1  }
0x34: {  	v3 =	vand.u32 $0x7, v3;
	v4 =	vand.u32 $0xFFFFFFF0, v59  }
0x35: {  	v3 =	vor.u32 v3, v4  }
0x36: {  	v4 =	vperm.xlane v3, v0;
	_ =	sdelay $0x1  }
0x37: {  	v3 =	vperm.xlane v3, v2;
	v4 =	vadd.s32 v1, v4;
	_ =	sdelay $0x1  }
0x38: {  	v3 =	vadd.s32 v1, v3;
	_ =	sdelay $0x2  }
0x39: {  	[tilespmem:s14], [sflag:$0x1] =	stream.indirect_vreg.gather [hbm4b:s3+s2], $0x80, v4, vm0, $0xb8;
	[tilespmem:$0x8A00] =	vst v63  }
0x3a: {  	_ = 	snop  }
0x3b: {  	[tilespmem:s15], [sflag:$0x1] =	stream.indirect_vreg.gather [hbm4b:s3+s2], $0x80, v3, vm0, $0xb8;
	[tilespmem:$0x8A00] =	vst v63  }
0x3c: {  	v3 =	vld [tilespmem:s26+$0x0];
	_ =	sdelay $0x4  }
0x3d: {  	v60 =	vshll.u32 v3, $0x1  }
0x3e: {  	v3 =	vand.u32 $0x7, v3;
	v4 =	vand.u32 $0xFFFFFFF0, v60  }
0x3f: {  	v3 =	vor.u32 v3, v4  }
0x40: {  	v4 =	vperm.xlane v3, v0;
	_ =	sdelay $0x1  }
0x41: {  	v3 =	vperm.xlane v3, v2;
	v4 =	vadd.s32 v1, v4;
	_ =	sdelay $0x1  }
0x42: {  	v3 =	vadd.s32 v1, v3;
	_ =	sdelay $0x2  }
0x43: {  	[tilespmem:s16], [sflag:$0x1] =	stream.indirect_vreg.gather [hbm4b:s3+s2], $0x80, v4, vm0, $0xb8;
	[tilespmem:$0x8A00] =	vst v63  }
0x44: {  	_ = 	snop  }
0x45: {  	[tilespmem:s17], [sflag:$0x1] =	stream.indirect_vreg.gather [hbm4b:s3+s2], $0x80, v3, vm0, $0xb8;
	[tilespmem:$0x8A00] =	vst v63  }
0x46: {  	v3 =	vld [tilespmem:s26+$0x10];
	_ =	sdelay $0x4  }
0x47: {  	v61 =	vshll.u32 v3, $0x1  }
0x48: {  	v3 =	vand.u32 $0x7, v3;
	v4 =	vand.u32 $0xFFFFFFF0, v61  }
0x49: {  	v3 =	vor.u32 v3, v4  }
0x4a: {  	v4 =	vperm.xlane v3, v0;
	_ =	sdelay $0x1  }
0x4b: {  	v3 =	vperm.xlane v3, v2;
	v4 =	vadd.s32 v1, v4;
	_ =	sdelay $0x1  }
0x4c: {  	v3 =	vadd.s32 v1, v3;
	_ =	sdelay $0x2  }
0x4d: {  	[tilespmem:s18], [sflag:$0x1] =	stream.indirect_vreg.gather [hbm4b:s3+s2], $0x80, v4, vm0, $0xb8;
	[tilespmem:$0x8A00] =	vst v63  }
0x4e: {  	_ = 	snop  }
0x4f: {  	[tilespmem:s19], [sflag:$0x1] =	stream.indirect_vreg.gather [hbm4b:s3+s2], $0x80, v3, vm0, $0xb8;
	[tilespmem:$0x8A00] =	vst v63  }
0x50: {  	v3 =	vld [tilespmem:s26+$0x20];
	_ =	sdelay $0x4  }
0x51: {  	v62 =	vshll.u32 v3, $0x1  }
0x52: {  	v3 =	vand.u32 $0x7, v3;
	v4 =	vand.u32 $0xFFFFFFF0, v62  }
0x53: {  	v3 =	vor.u32 v3, v4  }
0x54: {  	v4 =	vperm.xlane v3, v0;
	_ =	sdelay $0x1  }
0x55: {  	v3 =	vperm.xlane v3, v2;
	v4 =	vadd.s32 v1, v4;
	_ =	sdelay $0x1  }
0x56: {  	v3 =	vadd.s32 v1, v3;
	_ =	sdelay $0x2  }
0x57: {  	[tilespmem:s20], [sflag:$0x1] =	stream.indirect_vreg.gather [hbm4b:s3+s2], $0x80, v4, vm0, $0xb8;
	[tilespmem:$0x8A00] =	vst v63  }
0x58: {  	_ = 	snop  }
0x59: {  	[tilespmem:s21], [sflag:$0x1] =	stream.indirect_vreg.gather [hbm4b:s3+s2], $0x80, v3, vm0, $0xb8;
	[tilespmem:$0x8A00] =	vst v63  }
0x5a: {  	v3 =	vld [tilespmem:s26+$0x30];
	_ =	sdelay $0x4  }
0x5b: {  	v63 =	vshll.u32 v3, $0x1  }
0x5c: {  	v3 =	vand.u32 $0x7, v3;
	v4 =	vand.u32 $0xFFFFFFF0, v63  }
0x5d: {  	v3 =	vor.u32 v3, v4  }
0x5e: {  	v4 =	vperm.xlane v3, v0;
	_ =	sdelay $0x1  }
0x5f: {  	v3 =	vperm.xlane v3, v2;
	v4 =	vadd.s32 v1, v4;
	_ =	sdelay $0x1  }
0x60: {  	v3 =	vadd.s32 v1, v3;
	_ =	sdelay $0x2  }
0x61: {  	[tilespmem:s22], [sflag:$0x1] =	stream.indirect_vreg.gather [hbm4b:s3+s2], $0x80, v4, vm0, $0xb8;
	[tilespmem:$0x8A00] =	vst v63  }
0x62: {  	_ = 	snop  }
0x63: {  	[tilespmem:s23], [sflag:$0x1] =	stream.indirect_vreg.gather [hbm4b:s3+s2], $0x80, v3, vm0, $0xb8;
	[tilespmem:$0x8A00] =	vst v63  }
0x64: {  	_ =	swait.ge [sflag:s24], $0x8000  }
0x65: {  	p0 =	sne.s32 s28, $0x13000;
	[sflag:s24] =	ssyncset.done $0x0  }
.Ltmp0:
0x66: {  	s29 =	sadd.s32 s28, s6;
	[sflag:s24] =	ssyncadd.s32 $0xFFFF8000;
	(pc) =	sbr.rel @p0 .LBB2_2-.Ltmp0, $4  }
0x67: {  	[hbm4b:s29+s2] =	stream.linear.scatter [tilespmem:s8], [sflag:$0x2], $0x8000, $0x38;
	[tilespmem:$0x8A00] =	vst v63  }
0x68: {  	_ =	swait.ge [sflag:s7], $0x8000  }
0x69: {  	[sflag:s7] =	ssyncset.done $0x0  }
0x6a: {  	s28 =	sadd.s32 $0x1000, s28;
	s26 =	sadd.s32 $0x80, s26;
	[sflag:s7] =	ssyncadd.s32 $0xFFFF8000  }
0x6b: {  	s25 =	sadd.s32 $0x1, s25  }
0x6c: {  	p0 =	sne.s32 s25, s5  }
.Ltmp1:
0x6d: {  	_ = 	snop;
	(pc) =	sbr.rel @p0 .LBB2_1-.Ltmp1, $1  }
0x6e: {  	_ =	sdelay $0x3  }
0x6f: {  	_ =	sfence.sel $0x180000  }
0x70: {  	[bflag:$0x0] =	sbarrier.arrive $0xFFFF  }
0x71: {  	p0 =	sne.s32 s1, $0x0;
	_ =	strace $0x9000004D  }
0x72: {  	s0 =	sadd.s32 @!p0 $0x100000, s0;
	[bflag:$0x2] =	sbarrier.arrive $0xFFFF  }
0x73: {  	[sflag:s0] =	ssyncadd.tile.s32 @!p0 $0x1;
	_ =	shalt  }
.Lfunc_end2:
_tile_overlayer_lowered:
.L_overlay_start_2:
0x74: {  	(tag) =	ssettag $0x2  }
0x75: {  	s0 =	rddreg [dreg:$0x0];
	s2 =	stileid.u32  }
0x76: {  	s1 =	rddreg [dreg:$0x1];
	p0 =	sne.s32 s2, $0x0  }
0x77: {  	s3 =	rddreg [dreg:$0x2];
	[bflag:$0x3] =	sbarrier.arrive $0xFFFF;
	s2 =	simm.s32 @!p0 $0x1C02  }
0x78: {  	[timem:s3], [sflag:s2] =	dma.local @!p0 [hbm:s0], s1  }
0x79: {  	s0 =	simm.s32 @!p0 $0x2  }
0x7a: {  	_ =	swait.ge @!p0 [sflag:s0], s1  }
0x7b: {  	s1 =	ssub.s32 @!p0 $0x0, s1;
	[sflag:s0] =	ssyncset.done @!p0 $0x0  }
0x7c: {  	[sflag:s0] =	ssyncadd.s32 @!p0 s1  }
0x7d: {  	[bflag:$0x3] =	sbarrier.arrive $0xFFFF  }
0x7e: {  	_ =	shalt  }

// kernel: kernel.24.cloned.1.call-start
scs
__scs_entry_jumppad:
0x0: {  	(pc) =	sbr.rel $0x88, $3  }
0x1: {  	(tag) =	ssettag $0x0;
	lr =	simm.s32 $0x1  }
0x2: {  	[smem:$0x3F9B] =	sst lr;
	_ =	strace $0xD0000000  }
0x3: {  	_ = 	snop  }
0x4: {  	_ = 	snop  }
0x5: {  	_ = 	snop  }
0x6: {  	_ = 	snop  }
0x7: {  	_ = 	snop  }
__scs_overlays_trampoline_lowered:
0x8: {  	[smem:$0x3FAA] =	sst s0  }
0x9: {  	[smem:$0x3FAB] =	sst s1  }
0xa: {  	[smem:$0x3FAC] =	sst s2  }
0xb: {  	[smem:$0x3FAD] =	sst s3  }
0xc: {  	[smem:$0x3FAE] =	sst s4  }
0xd: {  	[smem:$0x3FAF] =	sst s5  }
0xe: {  	[smem:$0x3FB0] =	sst s6  }
0xf: {  	[smem:$0x3FB1] =	sst s7  }
0x10: {  	[smem:$0x3FB2] =	sst s8  }
0x11: {  	[smem:$0x3FB3] =	sst s9;
	s0 =	simm.s32 @!p0 $0x0  }
0x12: {  	s1 =	sld [smem:$0x3F99];
	s0 =	simm.s32 @p0 $0x1  }
0x13: {  	[smem:$0x3FB4] =	sst s0;
	s0 =	simm.s32 @!p1 $0x0  }
0x14: {  	s2 =	sld [smem:$0x3F98];
	s0 =	simm.s32 @p1 $0x1  }
0x15: {  	[smem:$0x3FB5] =	sst s0;
	s0 =	simm.s32 @!p2 $0x0  }
0x16: {  	s3 =	sld [smem:$0x3FDB];
	s0 =	simm.s32 @p2 $0x1  }
0x17: {  	s4 =	simm.s32 $0x1BF5;
	[smem:$0x3FB7] =	sst s0  }
0x18: {  	s0 =	sld [smem:$0x3F9A];
	_ =	swait.ge [sflag:s4], $0x0  }
0x19: {  	s7 =	sld [smem:$0x3F9B]  }
0x1a: {  	s8 =	sadd.s32 $0xFFFFE003, lr  }
0x1b: {  	s9 =	sadd.s32 $0xFFFFFEF7, lr;
	s5 =	simm.s32 $0xFFFFFFFF;
	p2 =	slt.u32 s8, $0xFFFFF086  }
0x1c: {  	p1 =	slt.u32 s9, $0xF7A;
	s5 =	simm.s32 @!p2 $0x0  }
0x1d: {  	s5 =	simm.s32 @p1 $0x1;
	p0 =	seq.s32 s7, s2  }
0x1e: {  	s7 =	smul.u32 @!p0 $0xF7A, s2;
	p2 =	seq.s32 @!p0 s5, $0x0  }
0x1f: {  	s9 =	smul.u32 $0xF7A, s1;
	s8 =	simm.s32 @!p0 $0x1BF5;
	p2 =	por !p2, p0  }
0x20: {  	[sflag:s8] =	ssyncset.s32 @!p0 $0xFFFFF086;
	s6 =	sadd.s32 @!p0 s3, s7;
	s7 =	simm.s32 @!p0 $0x108  }
0x21: {  	s3 =	sadd.s32 s3, s9;
	s6 =	sadd.s32 @!p0 $0x88, s6;
	s7 =	simm.s32 @p2 $0x1082  }
0x22: {  	[simem:s7], [sflag:s8] =	dma.local @!p0 [hbm:s6], $0xF7A  }
0x23: {  	s9 =	sor.u32 $0xD0000000, s2;
	s6 =	simm.s32 $0x108;
	_ =	swait.ge @!p0 [sflag:s8], $0x0  }
0x24: {  	s3 =	sadd.s32 $0x88, s3;
	s6 =	simm.s32 @!p1 $0x1082;
	[sflag:s4] =	ssyncset.s32 $0xFFFFF086  }
0x25: {  	[simem:s6], [sflag:s4] =	dma.local [hbm:s3], $0xF7A  }
0x26: {  	[smem:$0x3F9B] =	sst s1;
	(tag) =	ssettag s2;
	_ =	strace s9  }
0x27: {  	s1 =	sld [smem:$0x3FAB]  }
0x28: {  	s2 =	sld [smem:$0x3FAC]  }
0x29: {  	s4 =	sld [smem:$0x3FAE]  }
0x2a: {  	p0 =	seq.s32 s5, $0x0;
	s5 =	sld [smem:$0x3FAF]  }
0x2b: {  	s6 =	sld [smem:$0x3FB0]  }
0x2c: {  	s7 =	sld [smem:$0x3FB1]  }
0x2d: {  	s3 =	simm.s32 $0x108;
	s8 =	sld [smem:$0x3FB2]  }
0x2e: {  	s3 =	simm.s32 @!p0 $0x1082;
	s9 =	sld [smem:$0x3FB3]  }
0x2f: {  	lr =	sadd.s32 s0, s3;
	s0 =	sld [smem:$0x3FAA]  }
0x30: {  	s3 =	sld [smem:$0x3FAD]  }
0x31: {  	[smem:$0x3FB6] =	sst s10  }
0x32: {  	s10 =	sld [smem:$0x3FB4];
	_ =	sdelay $0x3  }
0x33: {  	p0 =	seq.s32 s10, $0x1;
	s10 =	sld [smem:$0x3FB6];
	_ =	sdelay $0x3  }
0x34: {  	[smem:$0x3FB6] =	sst s10  }
0x35: {  	s10 =	sld [smem:$0x3FB5];
	_ =	sdelay $0x3  }
0x36: {  	p1 =	seq.s32 s10, $0x1;
	s10 =	sld [smem:$0x3FB6];
	_ =	sdelay $0x3  }
0x37: {  	[smem:$0x3FB6] =	sst s10  }
0x38: {  	s10 =	sld [smem:$0x3FB7]  }
0x39: {  	_ = 	snop;
	(pc) =	sbr.ind lr, $3  }
0x3a: {  	_ = 	snop  }
0x3b: {  	_ = 	snop  }
0x3c: {  	p2 =	seq.s32 s10, $0x1;
	s10 =	sld [smem:$0x3FB6]  }
0x3d: {  	_ =	shalt  }
0x3e: {  	_ =	shalt  }
0x3f: {  	_ =	shalt  }
0x40: {  	_ =	shalt  }
0x41: {  	_ =	shalt  }
0x42: {  	_ =	shalt  }
0x43: {  	_ =	shalt  }
0x44: {  	_ =	shalt  }
0x45: {  	_ =	shalt  }
0x46: {  	_ =	shalt  }
0x47: {  	_ =	shalt  }
0x48: {  	_ =	shalt  }
0x49: {  	_ =	shalt  }
0x4a: {  	_ =	shalt  }
0x4b: {  	_ =	shalt  }
0x4c: {  	_ =	shalt  }
0x4d: {  	_ =	shalt  }
0x4e: {  	_ =	shalt  }
0x4f: {  	_ =	shalt  }
0x50: {  	_ =	shalt  }
0x51: {  	_ =	shalt  }
0x52: {  	_ =	shalt  }
0x53: {  	_ =	shalt  }
0x54: {  	_ =	shalt  }
0x55: {  	_ =	shalt  }
0x56: {  	_ =	shalt  }
0x57: {  	_ =	shalt  }
0x58: {  	_ =	shalt  }
0x59: {  	_ =	shalt  }
0x5a: {  	_ =	shalt  }
0x5b: {  	_ =	shalt  }
0x5c: {  	_ =	shalt  }
0x5d: {  	_ =	shalt  }
0x5e: {  	_ =	shalt  }
0x5f: {  	_ =	shalt  }
0x60: {  	_ =	shalt  }
0x61: {  	_ =	shalt  }
0x62: {  	_ =	shalt  }
0x63: {  	_ =	shalt  }
0x64: {  	_ =	shalt  }
0x65: {  	_ =	shalt  }
0x66: {  	_ =	shalt  }
0x67: {  	_ =	shalt  }
0x68: {  	_ =	shalt  }
0x69: {  	_ =	shalt  }
0x6a: {  	_ =	shalt  }
0x6b: {  	_ =	shalt  }
0x6c: {  	_ =	shalt  }
0x6d: {  	_ =	shalt  }
0x6e: {  	_ =	shalt  }
0x6f: {  	_ =	shalt  }
0x70: {  	_ =	shalt  }
0x71: {  	_ =	shalt  }
0x72: {  	_ =	shalt  }
0x73: {  	_ =	shalt  }
0x74: {  	_ =	shalt  }
0x75: {  	_ =	shalt  }
0x76: {  	_ =	shalt  }
0x77: {  	_ =	shalt  }
0x78: {  	_ =	shalt  }
0x79: {  	_ =	shalt  }
0x7a: {  	_ =	shalt  }
0x7b: {  	_ =	shalt  }
0x7c: {  	_ =	shalt  }
0x7d: {  	_ =	shalt  }
0x7e: {  	_ =	shalt  }
0x7f: {  	_ =	shalt  }
0x80: {  	_ =	shalt  }
0x81: {  	_ =	shalt  }
0x82: {  	_ =	shalt  }
0x83: {  	_ =	shalt  }
0x84: {  	_ =	shalt  }
0x85: {  	_ =	shalt  }
0x86: {  	_ =	shalt  }
0x87: {  	_ =	shalt  }
.Lfunc_end0:
.L_simem_size_0:
called_computation.3_lowered:
.L_overlay_start_0:
0x88: {  	s2 =	sld [smem:$0x3FD9]  }
0x89: {  	s3 =	sld [smem:$0x3FFE];
	_ =	sdelay $0x1  }
0x8a: {  	s1 =	srdreg.scid  }
0x8b: {  	s0 =	sand.u32 $0x1, s1  }
0x8c: {  	s17 =	sshll.u32 s0, $0xA;
	s2 =	sadd.s32 s3, s2  }
0x8d: {  	s2 =	sadd.s32 s2, s17  }
0x8e: {  	[smem:$0x3FC2] =	sst s2  }
0x8f: {  	_ = 	snop  }
0x90: {  	(tm) =	ssettm $0x1  }
0x91: {  	s18 =	sld [smem:$0x3FFB];
	_ =	sdelay $0x3  }
0x92: {  	_ =	strace s18  }
0x93: {  	s2 =	sld [smem:$0x3FFC];
	_ =	sdelay $0x3  }
0x94: {  	_ =	strace s2  }
0x95: {  	s2 =	sld [smem:$0x3FFD];
	_ =	sdelay $0x3  }
0x96: {  	_ =	strace s2  }
0x97: {  	_ =	strace $0x8FFFFFFF  }
0x98: {  	s19 =	sld [smem:$0x3FDB];
	_ =	sdelay $0x1  }
0x99: {  	s20 =	simm.s32 $_scs_section_size  }
0x9a: {  	s4 =	simm.s32 $_size__tile_overlayer_lowered;
	s5 =	simm.s32 $_tile_overlayer_lowered  }
0x9b: {  	s6 =	simm.s32 $0x1BFF;
	s21 =	sshll.u32 s5, $0x1;
	s3 =	sadd.s32 s20, s19  }
0x9c: {  	s22 =	simm.s32 $0x0;
	s4 =	sshll.u32 s4, $0x1;
	s5 =	sadd.s32 s21, s3  }
0x9d: {  	[timem:s22], [sflag:s6] =	dma.local [hbm:s5], s4  }
0x9e: {  	_ =	swait.ge [sflag:s6], s4  }
0x9f: {  	s4 =	ssub.s32 $0x0, s4;
	[sflag:s6] =	ssyncset.done $0x0  }
0xa0: {  	[sflag:s6] =	ssyncadd.s32 s4;
	_ =	sdelay $0x1  }
0xa1: {  	s23 =	simm.s32 $0x1B8B  }
0xa2: {  	_ =	swait.ge [sflag:s23], $0x1  }
0xa3: {  	[sflag:s23] =	ssyncset.done $0x0  }
0xa4: {  	[sflag:s23] =	ssyncadd.s32 $0xFFFFFFFF  }
0xa5: {  	s4 =	sld [smem:$0x0]  }
0xa6: {  	s5 =	sand.u32 $0xFFFFFFFE, s1  }
0xa7: {  	p0 =	sne.s32 s1, s5  }
0xa8: {  	s5 =	sshll.u32 @p0 s5, $0xE  }
0xa9: {  	s5 =	sadd.s32 @p0 $0x11B8D, s5;
	s6 =	sshll.u32 @p0 s4, $0x11  }
0xaa: {  	s5 =	sor.u32 @p0 s6, s5  }
0xab: {  	[sflag:s5] =	ssyncadd.remote.s32 @p0 $0x1;
	_ =	sdelay $0x1  }
0xac: {  	s5 =	simm.s32 @p0 $0x1B8D  }
0xad: {  	_ =	swait.eq @p0 [sflag:s5], $0x1  }
0xae: {  	[sflag:s5] =	ssyncadd.s32 @p0 $0xFFFFFFFF  }
0xaf: {  	s6 =	sshll.u32 @!p0 s1, $0xE  }
0xb0: {  	s6 =	sor.u32 @!p0 $0x4000, s6;
	s5 =	simm.s32 @!p0 $0x1B8D  }
0xb1: {  	s4 =	sshll.u32 @!p0 s4, $0x11;
	s6 =	sadd.s32 @!p0 $0x11B8D, s6;
	_ =	swait.eq @!p0 [sflag:s5], $0x1  }
0xb2: {  	s4 =	sor.u32 @!p0 s4, s6;
	[sflag:s5] =	ssyncadd.s32 @!p0 $0xFFFFFFFF  }
0xb3: {  	s25 =	simm.s32 $0x1B8E;
	s24 =	sld [smem:$0x3FFE];
	[sflag:s4] =	ssyncadd.remote.s32 @!p0 $0x1  }
0xb4: {  	s26 =	simm.s32 $execute0_lowered;
	[smem:$0x3FD2] =	sst s25  }
0xb5: {  	s5 =	sshll.u32 s26, $0x1;
	_ =	strace $0x8000004F;
	[dreg:$0x1] =	wrdreg $0xFFFFFFFF  }
0xb6: {  	s28 =	simm.s32 $_size_execute0_lowered;
	s3 =	sadd.s32 s3, s5;
	[dreg:$0x0] =	wrdreg $0x0  }
0xb7: {  	s5 =	sshll.u32 s28, $0x1;
	[dreg:$0x2] =	wrdreg s3  }
0xb8: {  	[dreg:$0x3] =	wrdreg s5  }
0xb9: {  	[dreg:$0x4] =	wrdreg $0xC0  }
0xba: {  	_ =	task [dreg:s22], $0x5FFFF  }
0xbb: {  	[dreg:$0x1] =	wrdreg $0xFFFFFFFF  }
0xbc: {  	[dreg:$0x0] =	wrdreg $0x60  }
0xbd: {  	[dreg:$0x2] =	wrdreg s24  }
0xbe: {  	[dreg:$0x3] =	wrdreg $0xC  }
0xbf: {  	_ =	task.clear_ibuf [dreg:s22], $0x4FFFF;
	_ =	strace $0x9000004F  }
0xc0: {  	s29 =	simm.s32 $0xC;
	_ =	strace $0x80000051  }
0xc1: {  	_ =	swait.ge [sflag:s29], $0x1  }
0xc2: {  	[sflag:s29] =	ssyncadd.s32 $0xFFFFFFFF  }
0xc3: {  	_ =	strace $0x90000051  }
0xc4: {  	_ =	sfence  }
0xc5: {  	s30 =	sld [smem:$0x0];
	_ =	sdelay $0x2  }
0xc6: {  	s31 =	sshll.u32 s1, $0xD;
	s1 =	sshrl.u32 s1, $0x2  }
0xc7: {  	s4 =	sand.u32 $0x4000, s31;
	s1 =	sadd.s32 s1, s30  }
0xc8: {  	s0 =	sor.u32 s4, s0;
	s1 =	sshll.u32 s1, $0x11  }
0xc9: {  	s0 =	sor.u32 s1, s0  }
0xca: {  	s0 =	sadd.s32 $0x8F2B, s0  }
0xcb: {  	[sflag:s0] =	ssyncadd.remote.s32 $0x1  }
0xcc: {  	_ =	sfence.sel $0xFFFF  }
0xcd: {  	[dreg:$0x0] =	wrdreg $0xFFFFFFFF;
	(pc) =	sbr.abs _section_cstart, $3  }
0xce: {  	[dreg:$0x1] =	wrdreg $0xFFFFFFFF  }
0xcf: {  	_ =	task.clear_ibuf [dreg:s22], $0x2FFFF;
	_ =	strace $0x9FFFFFFF  }
0xd0: {  	(tm) =	ssettm $0x7FFFFFFF  }
0xd1: {  	_ =	shalt  }
tec
execute0_lowered:
.L_overlay_start_1:
0x0: {  	(tag) =	ssettag $0x1  }
0x1: {  	s4 =	rddreg [dreg:$0x0]  }
0x2: {  	s0 =	rddreg [dreg:$0x1];
	s2 =	simm.s32 $0x0;
	s3 =	srdreg.scid  }
0x3: {  	s1 =	stileid.u32;
	s9 =	simm.s32 $0x1200;
	s10 =	simm.s32 $0x1A00  }
0x4: {  	s11 =	simm.s32 $0x2200;
	s12 =	simm.s32 $0x2A00;
	s13 =	simm.s32 $0x3200  }
0x5: {  	s14 =	simm.s32 $0x3A00;
	s15 =	simm.s32 $0x4200;
	s16 =	simm.s32 $0x4A00  }
0x6: {  	s17 =	simm.s32 $0x5200;
	s18 =	simm.s32 $0x5A00;
	s19 =	simm.s32 $0x6200  }
0x7: {  	s20 =	simm.s32 $0x6A00;
	s21 =	simm.s32 $0x7200;
	s22 =	simm.s32 $0x7A00  }
0x8: {  	s23 =	simm.s32 $0x8200;
	s24 =	simm.s32 $0x1;
	s25 =	simm.s32 $0x0  }
0x9: {  	s5 =	sand.u32 $0x1, s3;
	s29 =	sshll.u32 s1, $0x1;
	s6 =	smul.u32 $0x140000, s1  }
0xa: {  	[smem:$0x7FF] =	sst s2;
	s3 =	sor.u32 s5, s29;
	s7 =	smul.u32 $0xA0000, s5  }
0xb: {  	_ =	strace $0x80000050;
	s5 =	ssub.s32 $0x2, s5;
	s8 =	smul.u32 $0x140, s3  }
0xc: {  	s3 =	sadd.s32 $0x7EB000, s4;
	s31 =	sshrl.u32 s5, $0x1;
	s6 =	sadd.s32 s7, s6  }
0xd: {  	v2 =	vlaneseq.u32;
	s5 =	ssub.s32 s5, s31;
	s7 =	simm.s32 $0x2;
	s6 =	sshrl.u32 s6, $0x3  }
0xe: {  	vm0 =	vmmov $0xffff;
	v1 =	vshrl.u32 v2, $0x3;
	s30 =	sadd.s32 s8, s4;
	s5 =	smax.u32 s5, $0x1;
	s6 =	sadd.s32 s6, s4  }
0xf: {  	v0 =	vand.u32 $0x7, v2;
	v2 =	vor.u32 $0x8, v2;
	v1 =	vmul.u32 $0x8, v1;
	s8 =	simm.s32 $0xA00;
	s4 =	sadd.s32 $0x80B000, s30;
	s6 =	sadd.s32 $0x80D800, s6  }
.LBB2_1:
0x10: {  	[tilespmem:s2], [sflag:$0x2] =	stream.linear.gather [hbm4b:s4+s2], $0xA00, $0x38;
	[tilespmem:$0x8A00] =	vst v63  }
0x11: {  	_ =	swait.ge [sflag:s7], $0xA00  }
0x12: {  	[sflag:s7] =	ssyncset.done $0x0  }
0x13: {  	s26 =	simm.s32 $0x40;
	s28 =	simm.s32 $0x0;
	[sflag:s7] =	ssyncadd.s32 $0xFFFFF600  }
.LBB2_2:
0x14: {  	v3 =	vld [tilespmem:s26+$0xFFFFFFC0];
	_ =	sdelay $0x4  }
0x15: {  	v4 =	vshll.u32 v3, $0x1  }
0x16: {  	v3 =	vand.u32 $0x7, v3;
	v4 =	vand.u32 $0xFFFFFFF0, v4  }
0x17: {  	v3 =	vor.u32 v3, v4  }
0x18: {  	v4 =	vperm.xlane v3, v0;
	_ =	sdelay $0x1  }
0x19: {  	v3 =	vperm.xlane v3, v2;
	v4 =	vadd.s32 v1, v4;
	_ =	sdelay $0x1  }
0x1a: {  	v3 =	vadd.s32 v1, v3;
	_ =	sdelay $0x2  }
0x1b: {  	[tilespmem:s8], [sflag:$0x1] =	stream.indirect_vreg.gather [hbm4b:s3+s2], $0x80, v4, vm0, $0xb8;
	[tilespmem:$0x8A00] =	vst v63  }
0x1c: {  	_ = 	snop  }
0x1d: {  	[tilespmem:s9], [sflag:$0x1] =	stream.indirect_vreg.gather [hbm4b:s3+s2], $0x80, v3, vm0, $0xb8;
	[tilespmem:$0x8A00] =	vst v63  }
0x1e: {  	v3 =	vld [tilespmem:s26+$0xFFFFFFD0];
	_ =	sdelay $0x4  }
0x1f: {  	v57 =	vshll.u32 v3, $0x1  }
0x20: {  	v3 =	vand.u32 $0x7, v3;
	v4 =	vand.u32 $0xFFFFFFF0, v57  }
0x21: {  	v3 =	vor.u32 v3, v4  }
0x22: {  	v4 =	vperm.xlane v3, v0;
	_ =	sdelay $0x1  }
0x23: {  	v3 =	vperm.xlane v3, v2;
	v4 =	vadd.s32 v1, v4;
	_ =	sdelay $0x1  }
0x24: {  	v3 =	vadd.s32 v1, v3;
	_ =	sdelay $0x2  }
0x25: {  	[tilespmem:s10], [sflag:$0x1] =	stream.indirect_vreg.gather [hbm4b:s3+s2], $0x80, v4, vm0, $0xb8;
	[tilespmem:$0x8A00] =	vst v63  }
0x26: {  	_ = 	snop  }
0x27: {  	[tilespmem:s11], [sflag:$0x1] =	stream.indirect_vreg.gather [hbm4b:s3+s2], $0x80, v3, vm0, $0xb8;
	[tilespmem:$0x8A00] =	vst v63  }
0x28: {  	v3 =	vld [tilespmem:s26+$0xFFFFFFE0];
	_ =	sdelay $0x4  }
0x29: {  	v58 =	vshll.u32 v3, $0x1  }
0x2a: {  	v3 =	vand.u32 $0x7, v3;
	v4 =	vand.u32 $0xFFFFFFF0, v58  }
0x2b: {  	v3 =	vor.u32 v3, v4  }
0x2c: {  	v4 =	vperm.xlane v3, v0;
	_ =	sdelay $0x1  }
0x2d: {  	v3 =	vperm.xlane v3, v2;
	v4 =	vadd.s32 v1, v4;
	_ =	sdelay $0x1  }
0x2e: {  	v3 =	vadd.s32 v1, v3;
	_ =	sdelay $0x2  }
0x2f: {  	[tilespmem:s12], [sflag:$0x1] =	stream.indirect_vreg.gather [hbm4b:s3+s2], $0x80, v4, vm0, $0xb8;
	[tilespmem:$0x8A00] =	vst v63  }
0x30: {  	_ = 	snop  }
0x31: {  	[tilespmem:s13], [sflag:$0x1] =	stream.indirect_vreg.gather [hbm4b:s3+s2], $0x80, v3, vm0, $0xb8;
	[tilespmem:$0x8A00] =	vst v63  }
0x32: {  	v3 =	vld [tilespmem:s26+$0xFFFFFFF0];
	_ =	sdelay $0x4  }
0x33: {  	v59 =	vshll.u32 v3, $0x1  }
0x34: {  	v3 =	vand.u32 $0x7, v3;
	v4 =	vand.u32 $0xFFFFFFF0, v59  }
0x35: {  	v3 =	vor.u32 v3, v4  }
0x36: {  	v4 =	vperm.xlane v3, v0;
	_ =	sdelay $0x1  }
0x37: {  	v3 =	vperm.xlane v3, v2;
	v4 =	vadd.s32 v1, v4;
	_ =	sdelay $0x1  }
0x38: {  	v3 =	vadd.s32 v1, v3;
	_ =	sdelay $0x2  }
0x39: {  	[tilespmem:s14], [sflag:$0x1] =	stream.indirect_vreg.gather [hbm4b:s3+s2], $0x80, v4, vm0, $0xb8;
	[tilespmem:$0x8A00] =	vst v63  }
0x3a: {  	_ = 	snop  }
0x3b: {  	[tilespmem:s15], [sflag:$0x1] =	stream.indirect_vreg.gather [hbm4b:s3+s2], $0x80, v3, vm0, $0xb8;
	[tilespmem:$0x8A00] =	vst v63  }
0x3c: {  	v3 =	vld [tilespmem:s26+$0x0];
	_ =	sdelay $0x4  }
0x3d: {  	v60 =	vshll.u32 v3, $0x1  }
0x3e: {  	v3 =	vand.u32 $0x7, v3;
	v4 =	vand.u32 $0xFFFFFFF0, v60  }
0x3f: {  	v3 =	vor.u32 v3, v4  }
0x40: {  	v4 =	vperm.xlane v3, v0;
	_ =	sdelay $0x1  }
0x41: {  	v3 =	vperm.xlane v3, v2;
	v4 =	vadd.s32 v1, v4;
	_ =	sdelay $0x1  }
0x42: {  	v3 =	vadd.s32 v1, v3;
	_ =	sdelay $0x2  }
0x43: {  	[tilespmem:s16], [sflag:$0x1] =	stream.indirect_vreg.gather [hbm4b:s3+s2], $0x80, v4, vm0, $0xb8;
	[tilespmem:$0x8A00] =	vst v63  }
0x44: {  	_ = 	snop  }
0x45: {  	[tilespmem:s17], [sflag:$0x1] =	stream.indirect_vreg.gather [hbm4b:s3+s2], $0x80, v3, vm0, $0xb8;
	[tilespmem:$0x8A00] =	vst v63  }
0x46: {  	v3 =	vld [tilespmem:s26+$0x10];
	_ =	sdelay $0x4  }
0x47: {  	v61 =	vshll.u32 v3, $0x1  }
0x48: {  	v3 =	vand.u32 $0x7, v3;
	v4 =	vand.u32 $0xFFFFFFF0, v61  }
0x49: {  	v3 =	vor.u32 v3, v4  }
0x4a: {  	v4 =	vperm.xlane v3, v0;
	_ =	sdelay $0x1  }
0x4b: {  	v3 =	vperm.xlane v3, v2;
	v4 =	vadd.s32 v1, v4;
	_ =	sdelay $0x1  }
0x4c: {  	v3 =	vadd.s32 v1, v3;
	_ =	sdelay $0x2  }
0x4d: {  	[tilespmem:s18], [sflag:$0x1] =	stream.indirect_vreg.gather [hbm4b:s3+s2], $0x80, v4, vm0, $0xb8;
	[tilespmem:$0x8A00] =	vst v63  }
0x4e: {  	_ = 	snop  }
0x4f: {  	[tilespmem:s19], [sflag:$0x1] =	stream.indirect_vreg.gather [hbm4b:s3+s2], $0x80, v3, vm0, $0xb8;
	[tilespmem:$0x8A00] =	vst v63  }
0x50: {  	v3 =	vld [tilespmem:s26+$0x20];
	_ =	sdelay $0x4  }
0x51: {  	v62 =	vshll.u32 v3, $0x1  }
0x52: {  	v3 =	vand.u32 $0x7, v3;
	v4 =	vand.u32 $0xFFFFFFF0, v62  }
0x53: {  	v3 =	vor.u32 v3, v4  }
0x54: {  	v4 =	vperm.xlane v3, v0;
	_ =	sdelay $0x1  }
0x55: {  	v3 =	vperm.xlane v3, v2;
	v4 =	vadd.s32 v1, v4;
	_ =	sdelay $0x1  }
0x56: {  	v3 =	vadd.s32 v1, v3;
	_ =	sdelay $0x2  }
0x57: {  	[tilespmem:s20], [sflag:$0x1] =	stream.indirect_vreg.gather [hbm4b:s3+s2], $0x80, v4, vm0, $0xb8;
	[tilespmem:$0x8A00] =	vst v63  }
0x58: {  	_ = 	snop  }
0x59: {  	[tilespmem:s21], [sflag:$0x1] =	stream.indirect_vreg.gather [hbm4b:s3+s2], $0x80, v3, vm0, $0xb8;
	[tilespmem:$0x8A00] =	vst v63  }
0x5a: {  	v3 =	vld [tilespmem:s26+$0x30];
	_ =	sdelay $0x4  }
0x5b: {  	v63 =	vshll.u32 v3, $0x1  }
0x5c: {  	v3 =	vand.u32 $0x7, v3;
	v4 =	vand.u32 $0xFFFFFFF0, v63  }
0x5d: {  	v3 =	vor.u32 v3, v4  }
0x5e: {  	v4 =	vperm.xlane v3, v0;
	_ =	sdelay $0x1  }
0x5f: {  	v3 =	vperm.xlane v3, v2;
	v4 =	vadd.s32 v1, v4;
	_ =	sdelay $0x1  }
0x60: {  	v3 =	vadd.s32 v1, v3;
	_ =	sdelay $0x2  }
0x61: {  	[tilespmem:s22], [sflag:$0x1] =	stream.indirect_vreg.gather [hbm4b:s3+s2], $0x80, v4, vm0, $0xb8;
	[tilespmem:$0x8A00] =	vst v63  }
0x62: {  	_ = 	snop  }
0x63: {  	[tilespmem:s23], [sflag:$0x1] =	stream.indirect_vreg.gather [hbm4b:s3+s2], $0x80, v3, vm0, $0xb8;
	[tilespmem:$0x8A00] =	vst v63  }
0x64: {  	_ =	swait.ge [sflag:s24], $0x8000  }
0x65: {  	p0 =	sne.s32 s28, $0x13000;
	[sflag:s24] =	ssyncset.done $0x0  }
.Ltmp0:
0x66: {  	s29 =	sadd.s32 s28, s6;
	[sflag:s24] =	ssyncadd.s32 $0xFFFF8000;
	(pc) =	sbr.rel @p0 .LBB2_2-.Ltmp0, $4  }
0x67: {  	[hbm4b:s29+s2] =	stream.linear.scatter [tilespmem:s8], [sflag:$0x2], $0x8000, $0x38;
	[tilespmem:$0x8A00] =	vst v63  }
0x68: {  	_ =	swait.ge [sflag:s7], $0x8000  }
0x69: {  	[sflag:s7] =	ssyncset.done $0x0  }
0x6a: {  	s28 =	sadd.s32 $0x1000, s28;
	s26 =	sadd.s32 $0x80, s26;
	[sflag:s7] =	ssyncadd.s32 $0xFFFF8000  }
0x6b: {  	s25 =	sadd.s32 $0x1, s25  }
0x6c: {  	p0 =	sne.s32 s25, s5  }
.Ltmp1:
0x6d: {  	_ = 	snop;
	(pc) =	sbr.rel @p0 .LBB2_1-.Ltmp1, $1  }
0x6e: {  	_ =	sdelay $0x3  }
0x6f: {  	_ =	sfence.sel $0x180000  }
0x70: {  	[bflag:$0x0] =	sbarrier.arrive $0xFFFF  }
0x71: {  	p0 =	sne.s32 s1, $0x0;
	_ =	strace $0x90000050  }
0x72: {  	s0 =	sadd.s32 @!p0 $0x100000, s0;
	[bflag:$0x2] =	sbarrier.arrive $0xFFFF  }
0x73: {  	[sflag:s0] =	ssyncadd.tile.s32 @!p0 $0x1;
	_ =	shalt  }
.Lfunc_end2:
_tile_overlayer_lowered:
.L_overlay_start_2:
0x74: {  	(tag) =	ssettag $0x2  }
0x75: {  	s0 =	rddreg [dreg:$0x0];
	s2 =	stileid.u32  }
0x76: {  	s1 =	rddreg [dreg:$0x1];
	p0 =	sne.s32 s2, $0x0  }
0x77: {  	s3 =	rddreg [dreg:$0x2];
	[bflag:$0x3] =	sbarrier.arrive $0xFFFF;
	s2 =	simm.s32 @!p0 $0x1C02  }
0x78: {  	[timem:s3], [sflag:s2] =	dma.local @!p0 [hbm:s0], s1  }
0x79: {  	s0 =	simm.s32 @!p0 $0x2  }
0x7a: {  	_ =	swait.ge @!p0 [sflag:s0], s1  }
0x7b: {  	s1 =	ssub.s32 @!p0 $0x0, s1;
	[sflag:s0] =	ssyncset.done @!p0 $0x0  }
0x7c: {  	[sflag:s0] =	ssyncadd.s32 @!p0 s1  }
0x7d: {  	[bflag:$0x3] =	sbarrier.arrive $0xFFFF  }
0x7e: {  	_ =	shalt  }

</sc_bundles>
